<compile_context>
chip_gen: v7x
topology: tpu7x:2x2x1
jax: 0.10.2.dev20260603
libtpu: 0.0.44.dev20260713+nightly
codegen_flags: <defaults>
</compile_context>

<pallas_src>
import dataclasses

import jax
import jax.numpy as jnp
from jax.experimental import pallas as pl
from jax.experimental.pallas import tpu as pltpu
from jax.experimental.pallas import tpu_sc as plsc

N = 10000
E = 320000
D = 128
NUM_CORES = 2
NUM_SUBCORES = 16
EDGES_PER_CORE = E // NUM_CORES
EDGES_PER_SUB = EDGES_PER_CORE // NUM_SUBCORES
CHUNK = 80
NUM_CHUNKS = EDGES_PER_SUB // CHUNK
NBUF = 2
N_PAD = 10240
ROWS_PER_SUB = N_PAD // NUM_SUBCORES
ZCHUNK = 32

_VEC = 16


def _sc_agg_body(x_hbm, src_hbm, dst_hbm, agg_hbm, cnt_hbm, table, cnt_slots,
                 src_v, dst_v, rows_v, zero_v, cnt_local, acc_v, tmp_v, sems):
    cid = jax.lax.axis_index("core")
    sid = jax.lax.axis_index("subcore")
    row0 = sid * ROWS_PER_SUB

    @pl.loop(0, ZCHUNK)
    def _(r):
        @pl.loop(0, D, step=_VEC)
        def _(c):
            zero_v[r, pl.ds(c, _VEC)] = jnp.zeros((_VEC,), jnp.float32)

    @pl.loop(0, ROWS_PER_SUB // ZCHUNK)
    def _(k):
        pltpu.sync_copy(zero_v, table.at[pl.ds(row0 + k * ZCHUNK, ZCHUNK)])

    @pl.loop(0, N_PAD, step=_VEC)
    def _(i):
        cnt_local[pl.ds(i, _VEC)] = jnp.zeros((_VEC,), jnp.float32)
    plsc.subcore_barrier()

    base = cid * EDGES_PER_CORE + sid * EDGES_PER_SUB
    ones16 = jnp.ones((_VEC,), jnp.float32)

    def load_and_fire(b, c):
        off = base + c * CHUNK
        pltpu.sync_copy(src_hbm.at[pl.ds(off, CHUNK)], src_v[b])
        pltpu.sync_copy(dst_hbm.at[pl.ds(off, CHUNK)], dst_v[b])
        pltpu.async_copy(x_hbm.at[src_v[b]], rows_v[b], sems[b])

    for b in range(NBUF):
        load_and_fire(b, b)

    @pl.loop(0, (NUM_CHUNKS + NBUF - 1) // NBUF)
    def _(p):
        for b in range(NBUF):
            c = p * NBUF + b

            @pl.when(c < NUM_CHUNKS)
            def _():
                @pl.loop(0, CHUNK, step=_VEC)
                def _(k):
                    plsc.addupdate_scatter(cnt_local, [dst_v[b][pl.ds(k, _VEC)]],
                                           ones16)
                pltpu.make_async_copy(x_hbm.at[src_v[b]], rows_v[b],
                                      sems[b]).wait()
                pltpu.sync_copy(rows_v[b], table.at[dst_v[b]], add=True)

                @pl.when(c + NBUF < NUM_CHUNKS)
                def _():
                    load_and_fire(b, c + NBUF)

    pltpu.sync_copy(cnt_local, cnt_slots.at[sid])
    plsc.subcore_barrier()

    @pl.loop(0, ROWS_PER_SUB, step=_VEC)
    def _(i):
        acc_v[pl.ds(i, _VEC)] = jnp.zeros((_VEC,), jnp.float32)

    @pl.loop(0, NUM_SUBCORES)
    def _(j):
        pltpu.sync_copy(cnt_slots.at[j].at[pl.ds(row0, ROWS_PER_SUB)], tmp_v)

        @pl.loop(0, ROWS_PER_SUB, step=_VEC)
        def _(i):
            acc_v[pl.ds(i, _VEC)] = acc_v[pl.ds(i, _VEC)] + tmp_v[pl.ds(i, _VEC)]

    pltpu.sync_copy(acc_v,
                    cnt_hbm.at[pl.ds(cid * N_PAD + row0, ROWS_PER_SUB)])
    pltpu.sync_copy(table.at[pl.ds(row0, ROWS_PER_SUB)],
                    agg_hbm.at[cid].at[pl.ds(row0, ROWS_PER_SUB)])


_sc_compiler_params = pltpu.CompilerParams()
if "needs_layout_passes" in pltpu.CompilerParams.__dataclass_fields__:
    _sc_compiler_params = dataclasses.replace(_sc_compiler_params,
                                              needs_layout_passes=False)

_sc_agg = pl.kernel(
    _sc_agg_body,
    compiler_params=_sc_compiler_params,
    out_type=(jax.ShapeDtypeStruct((NUM_CORES, N_PAD, D), jnp.float32),
              jax.ShapeDtypeStruct((NUM_CORES * N_PAD,), jnp.float32)),
    mesh=plsc.VectorSubcoreMesh(core_axis_name="core",
                                subcore_axis_name="subcore"),
    scratch_types=(
        pltpu.VMEM_SHARED((N_PAD, D), jnp.float32),
        pltpu.VMEM_SHARED((NUM_SUBCORES, N_PAD), jnp.float32),
        [pltpu.VMEM((CHUNK,), jnp.int32)] * NBUF,
        [pltpu.VMEM((CHUNK,), jnp.int32)] * NBUF,
        [pltpu.VMEM((CHUNK, D), jnp.float32)] * NBUF,
        pltpu.VMEM((ZCHUNK, D), jnp.float32),
        pltpu.VMEM((N_PAD,), jnp.float32),
        pltpu.VMEM((ROWS_PER_SUB,), jnp.float32),
        pltpu.VMEM((ROWS_PER_SUB,), jnp.float32),
        [pltpu.SemaphoreType.DMA] * NBUF,
    ),
)


def _tc_layer(has_resid):
    R = 2000

    def body(agg_ref, cnt_ref, x_ref, wl_ref, wr_ref, b_ref, g_ref, be_ref,
             o_ref):
        recip = 1.0 / jnp.maximum(cnt_ref[...], 1.0)
        agg = (agg_ref[0] + agg_ref[1]) * recip
        xv = x_ref[...]
        h = (jnp.dot(agg, wl_ref[...], preferred_element_type=jnp.float32)
             + jnp.dot(xv, wr_ref[...], preferred_element_type=jnp.float32)
             + b_ref[...])
        mu = jnp.mean(h, axis=-1, keepdims=True)
        d = h - mu
        var = jnp.mean(d * d, axis=-1, keepdims=True)
        h = d * jax.lax.rsqrt(var + 1e-5) * g_ref[...] + be_ref[...]
        h = jnp.maximum(h, 0.0)
        if has_resid:
            h = h + xv
        o_ref[...] = h

    return pl.pallas_call(
        body,
        grid=(N // R,),
        in_specs=[
            pl.BlockSpec((NUM_CORES, R, D), lambda i: (0, i, 0)),
            pl.BlockSpec((R, 1), lambda i: (i, 0)),
            pl.BlockSpec((R, D), lambda i: (i, 0)),
            pl.BlockSpec((D, D), lambda i: (0, 0)),
            pl.BlockSpec((D, D), lambda i: (0, 0)),
            pl.BlockSpec((1, D), lambda i: (0, 0)),
            pl.BlockSpec((1, D), lambda i: (0, 0)),
            pl.BlockSpec((1, D), lambda i: (0, 0)),
        ],
        out_specs=pl.BlockSpec((R, D), lambda i: (i, 0)),
        out_shape=jax.ShapeDtypeStruct((N, D), jnp.float32),
    )


_tc_layer0 = _tc_layer(False)
_tc_layer_res = _tc_layer(True)


def kernel(x, edge_index, W_l0, b_l0, W_r0, gamma0, beta0,
           W_l1, b_l1, W_r1, gamma1, beta1,
           W_l2, b_l2, W_r2, gamma2, beta2):
    src = edge_index[0]
    dst = edge_index[1]

    params = [
        (W_l0, b_l0, W_r0, gamma0, beta0),
        (W_l1, b_l1, W_r1, gamma1, beta1),
        (W_l2, b_l2, W_r2, gamma2, beta2),
    ]

    h = x
    cnt_col = None
    for i, (wl, b, wr, g, be) in enumerate(params):
        agg, cnt_flat = _sc_agg(h, src, dst)
        if i == 0:
            cnt2 = cnt_flat.reshape(NUM_CORES, N_PAD)
            cnt_col = (cnt2[0] + cnt2[1]).reshape(N_PAD, 1)
        tc = _tc_layer0 if i == 0 else _tc_layer_res
        h = tc(agg, cnt_col, h, wl, wr,
               b.reshape(1, D), g.reshape(1, D), be.reshape(1, D))
    return h

# --- scband reference (transcript-rebuilt; emitter-appended) ---
"""Pipeline reference for scband-graph-sagelayers-34711925686455 (READ-ONLY COPY).

The authoritative reference and input builder live on the scoring server;
editing this copy changes nothing except your own understanding.
"""

import jax, jax.numpy as jnp
import numpy as np

N = 10000
E = 320000
D_IN = 128
D_H = 128
NUM_LAYERS = 3

def setup_inputs(seed: int = 0):
    key = jax.random.key(seed)
    ks = jax.random.split(key, 2 + 3 * NUM_LAYERS)
    inp = {}
    inp["x"] = jax.random.normal(ks[0], (N, D_IN), dtype=jnp.float32)
    inp["edge_index"] = jax.random.randint(ks[1], (2, E), 0, N, dtype=jnp.int32)
    dims = [(D_IN, D_H)] + [(D_H, D_H)] * (NUM_LAYERS - 1)
    for i, (din, dout) in enumerate(dims):
        s = 1.0 / np.sqrt(din)
        inp[f"W_l{i}"] = jax.random.uniform(ks[2 + 3 * i], (din, dout), jnp.float32, -s, s)
        inp[f"b_l{i}"] = jnp.zeros((dout,), jnp.float32)
        inp[f"W_r{i}"] = jax.random.uniform(ks[3 + 3 * i], (din, dout), jnp.float32, -s, s)
        inp[f"gamma{i}"] = jnp.ones((dout,), jnp.float32)
        inp[f"beta{i}"] = jnp.zeros((dout,), jnp.float32)
    return inp

def _layer_norm(h, g, b):
    mu = jnp.mean(h, axis=-1, keepdims=True)
    var = jnp.var(h, axis=-1, keepdims=True)
    return (h - mu) / jnp.sqrt(var + 1e-5) * g + b

def _sage_forward(x, edge_index, params):
    src = edge_index[0]
    dst = edge_index[1]
    for i, (W_l, b_l, W_r, g, b) in enumerate(params):
        x_in = x
        msg = x[src]
        agg = jax.ops.segment_sum(msg, dst, num_segments=N)
        cnt = jax.ops.segment_sum(jnp.ones((msg.shape[0],), msg.dtype), dst, num_segments=N)
        agg = agg / jnp.maximum(cnt, 1.0)[:, None]
        h = agg @ W_l + b_l + x @ W_r
        h = _layer_norm(h, g, b)
        h = jax.nn.relu(h)
        # dropout is identity in eval mode
        if i > 0 and h.shape == x_in.shape:
            h = h + x_in
        x = h
    return x

def reference(x, edge_index, W_l0, b_l0, W_r0, gamma0, beta0, W_l1, b_l1, W_r1, gamma1, beta1, W_l2, b_l2, W_r2, gamma2, beta2):
    params = [
        (W_l0, b_l0, W_r0, gamma0, beta0),
        (W_l1, b_l1, W_r1, gamma1, beta1),
        (W_l2, b_l2, W_r2, gamma2, beta2),
    ]
    return _sage_forward(x, edge_index, params)

if __name__ == "__main__":
    import jax
    _d = setup_inputs()
    print(jax.jit(kernel)(*tuple(_d.values())))

</pallas_src>

<mosaic_0001>
#map = affine_map<(d0, d1) -> (0, 0)>
#map1 = affine_map<(d0, d1) -> (0)>
#map2 = affine_map<(d0, d1) -> (0, 0, 0)>
module attributes {stable_mosaic.version = 14 : i64} {
  func.func @_sc_agg_body(%arg0: i32, %arg1: i32, %arg2: memref<10000x128xf32, #tpu.memory_space<hbm>>, %arg3: memref<320000xi32, #tpu.memory_space<hbm>>, %arg4: memref<320000xi32, #tpu.memory_space<hbm>>, %arg5: memref<2x10240x128xf32, #tpu.memory_space<hbm>>, %arg6: memref<20480xf32, #tpu.memory_space<hbm>>, %arg7: memref<10240x128xf32, #tpu.memory_space<vmem_shared>>, %arg8: memref<16x10240xf32, #tpu.memory_space<vmem_shared>>, %arg9: memref<80xi32, #tpu.memory_space<vmem>>, %arg10: memref<80xi32, #tpu.memory_space<vmem>>, %arg11: memref<80xi32, #tpu.memory_space<vmem>>, %arg12: memref<80xi32, #tpu.memory_space<vmem>>, %arg13: memref<80x128xf32, #tpu.memory_space<vmem>>, %arg14: memref<80x128xf32, #tpu.memory_space<vmem>>, %arg15: memref<32x128xf32, #tpu.memory_space<vmem>>, %arg16: memref<10240xf32, #tpu.memory_space<vmem>>, %arg17: memref<640xf32, #tpu.memory_space<vmem>>, %arg18: memref<640xf32, #tpu.memory_space<vmem>>, %arg19: memref<!tpu.dma_semaphore, #tpu.memory_space<semaphore_mem>>, %arg20: memref<!tpu.dma_semaphore, #tpu.memory_space<semaphore_mem>>) attributes {dimension_semantics = [#tpu.dimension_semantics<core_parallel>, #tpu.dimension_semantics<subcore_parallel>], iteration_bounds = array<i64: 2, 16>, scalar_prefetch = 0 : i64, scratch_operands = 14 : i64, tpu.core_type = #tpu.core_type<sc_vector_subcore>, window_params = [{transform_indices = #map}, {transform_indices = #map1}, {transform_indices = #map1}, {transform_indices = #map2}, {transform_indices = #map1}]} {
    %mul3A = arith.constant 640 : i32
    %mul3A_0 = arith.muli %arg1, %mul3A : i32
    %scan3A = arith.constant 0 : i32
    %scan3A_1 = arith.constant 32 : i32
    %scan3A_2 = arith.addi %scan3A, %scan3A_1 : i32
    %scan3A_3 = arith.constant 1 : i32
    scf.for %scan3A_48 = %scan3A to %scan3A_2 step %scan3A_3  : i32 {
      %mul3A_49 = arith.constant 1 : i32
      %mul3A_50 = arith.muli %scan3A_48, %mul3A_49 : i32
      %add3A_51 = arith.constant 0 : i32
      %add3A_52 = arith.addi %add3A_51, %mul3A_50 : i32
      %scan3A_53 = arith.constant 0 : i32
      %scan3A_54 = arith.constant 8 : i32
      %scan3A_55 = arith.addi %scan3A_53, %scan3A_54 : i32
      %scan3A_56 = arith.constant 1 : i32
      scf.for %scan3A_58 = %scan3A_53 to %scan3A_55 step %scan3A_56  : i32 {
        %mul3A_59 = arith.constant 16 : i32
        %mul3A_60 = arith.muli %scan3A_58, %mul3A_59 : i32
        %add3A_61 = arith.constant 0 : i32
        %add3A_62 = arith.addi %add3A_61, %mul3A_60 : i32
        %broadcast_in_dim3A_63 = arith.constant 0.000000e+00 : f32
        %broadcast_in_dim3A_64 = vector.broadcast %broadcast_in_dim3A_63 : f32 to vector<16xf32>
        %swap3A = arith.index_cast %add3A_52 : i32 to index
        %swap3A_65 = arith.index_cast %add3A_62 : i32 to index
        %swap3A_66 = tpu.vector_load %arg15[%swap3A, %swap3A_65] {strides = array<i32>} : memref<32x128xf32, #tpu.memory_space<vmem>>, vector<16xf32>,
        tpu.vector_store %arg15[%swap3A, %swap3A_65], %broadcast_in_dim3A_64 {strides = array<i32>} : memref<32x128xf32, #tpu.memory_space<vmem>>, vector<16xf32>,
      }
      %scan3A_57 = arith.constant 8 : i32
    }
    %scan3A_4 = arith.constant 32 : i32
    %scan3A_5 = arith.constant 0 : i32
    %scan3A_6 = arith.constant 20 : i32
    %scan3A_7 = arith.addi %scan3A_5, %scan3A_6 : i32
    %scan3A_8 = arith.constant 1 : i32
    scf.for %scan3A_48 = %scan3A_5 to %scan3A_7 step %scan3A_8  : i32 {
      %mul3A_49 = arith.constant 1 : i32
      %mul3A_50 = arith.muli %scan3A_48, %mul3A_49 : i32
      %add3A_51 = arith.constant 0 : i32
      %add3A_52 = arith.addi %add3A_51, %mul3A_50 : i32
      %mul3A_53 = arith.constant 32 : i32
      %mul3A_54 = arith.muli %add3A_52, %mul3A_53 : i32
      %add3A_55 = arith.addi %mul3A_0, %mul3A_54 : i32
      "tpu.region"() ({
        %run_scoped3A = tpu.sem_alloc : memref<!tpu.dma_semaphore, #tpu.memory_space<semaphore_mem>>
        %dma_start3A_56 = arith.constant 0 : i32
        %dma_start3A_57 = tpu.memref_slice %arg7[%add3A_55, %dma_start3A_56] : memref<10240x128xf32, #tpu.memory_space<vmem_shared>> -> memref<32x128xf32, #tpu.memory_space<vmem_shared>>
        %dma_start3A_58 = arith.constant 0 : i32
        %dma_start3A_59 = tpu.memref_slice %arg7[%add3A_55, %dma_start3A_58] : memref<10240x128xf32, #tpu.memory_space<vmem_shared>> -> memref<32x128xf32, #tpu.memory_space<vmem_shared>>
        tpu.enqueue_dma source(%arg15 : memref<32x128xf32, #tpu.memory_space<vmem>>) target(%dma_start3A_59 : memref<32x128xf32, #tpu.memory_space<vmem_shared>>) target_semaphore(%run_scoped3A : memref<!tpu.dma_semaphore, #tpu.memory_space<semaphore_mem>>)
        %dma_wait3A = arith.constant 0 : i32
        %dma_wait3A_60 = tpu.memref_slice %arg7[%add3A_55, %dma_wait3A] : memref<10240x128xf32, #tpu.memory_space<vmem_shared>> -> memref<32x128xf32, #tpu.memory_space<vmem_shared>>
        %dma_wait3A_61 = arith.constant 0 : i32
        %dma_wait3A_62 = tpu.memref_slice %arg7[%add3A_55, %dma_wait3A_61] : memref<10240x128xf32, #tpu.memory_space<vmem_shared>> -> memref<32x128xf32, #tpu.memory_space<vmem_shared>>
        tpu.wait_dma2 semaphore(%run_scoped3A : memref<!tpu.dma_semaphore, #tpu.memory_space<semaphore_mem>>) src(%arg15 : memref<32x128xf32, #tpu.memory_space<vmem>>) dst(%dma_wait3A_62 : memref<32x128xf32, #tpu.memory_space<vmem_shared>>)
        tpu.yield
      }) : () -> ()
    }
    %scan3A_9 = arith.constant 20 : i32
    %scan3A_10 = arith.constant 0 : i32
    %scan3A_11 = arith.constant 640 : i32
    %scan3A_12 = arith.addi %scan3A_10, %scan3A_11 : i32
    %scan3A_13 = arith.constant 1 : i32
    scf.for %scan3A_48 = %scan3A_10 to %scan3A_12 step %scan3A_13  : i32 {
      %mul3A_49 = arith.constant 16 : i32
      %mul3A_50 = arith.muli %scan3A_48, %mul3A_49 : i32
      %add3A_51 = arith.constant 0 : i32
      %add3A_52 = arith.addi %add3A_51, %mul3A_50 : i32
      %broadcast_in_dim3A_53 = arith.constant 0.000000e+00 : f32
      %broadcast_in_dim3A_54 = vector.broadcast %broadcast_in_dim3A_53 : f32 to vector<16xf32>
      %swap3A = arith.index_cast %add3A_52 : i32 to index
      %swap3A_55 = tpu.vector_load %arg16[%swap3A] {strides = array<i32>} : memref<10240xf32, #tpu.memory_space<vmem>>, vector<16xf32>,
      tpu.vector_store %arg16[%swap3A], %broadcast_in_dim3A_54 {strides = array<i32>} : memref<10240xf32, #tpu.memory_space<vmem>>, vector<16xf32>,
    }
    %scan3A_14 = arith.constant 640 : i32
    %barrier3A = arith.constant 0 : index
    tpu.barrier barrier_id(%barrier3A)
    %mul3A_15 = arith.constant 160000 : i32
    %mul3A_16 = arith.muli %arg0, %mul3A_15 : i32
    %mul3A_17 = arith.constant 10000 : i32
    %mul3A_18 = arith.muli %arg1, %mul3A_17 : i32
    %add3A = arith.addi %mul3A_16, %mul3A_18 : i32
    %broadcast_in_dim3A = arith.constant 1.000000e+00 : f32
    %broadcast_in_dim3A_19 = vector.broadcast %broadcast_in_dim3A : f32 to vector<16xf32>
    %add3A_20 = arith.constant 0 : i32
    %add3A_21 = arith.addi %add3A, %add3A_20 : i32
    "tpu.region"() ({
      %run_scoped3A = tpu.sem_alloc : memref<!tpu.dma_semaphore, #tpu.memory_space<semaphore_mem>>
      %dma_start3A_48 = tpu.memref_slice %arg3[%add3A_21] : memref<320000xi32, #tpu.memory_space<hbm>> -> memref<80xi32, #tpu.memory_space<hbm>>
      %dma_start3A_49 = tpu.memref_slice %arg3[%add3A_21] : memref<320000xi32, #tpu.memory_space<hbm>> -> memref<80xi32, #tpu.memory_space<hbm>>
      tpu.enqueue_dma source(%dma_start3A_49 : memref<80xi32, #tpu.memory_space<hbm>>) target(%arg9 : memref<80xi32, #tpu.memory_space<vmem>>) target_semaphore(%run_scoped3A : memref<!tpu.dma_semaphore, #tpu.memory_space<semaphore_mem>>)
      %dma_wait3A = tpu.memref_slice %arg3[%add3A_21] : memref<320000xi32, #tpu.memory_space<hbm>> -> memref<80xi32, #tpu.memory_space<hbm>>
      %dma_wait3A_50 = tpu.memref_slice %arg3[%add3A_21] : memref<320000xi32, #tpu.memory_space<hbm>> -> memref<80xi32, #tpu.memory_space<hbm>>
      tpu.wait_dma2 semaphore(%run_scoped3A : memref<!tpu.dma_semaphore, #tpu.memory_space<semaphore_mem>>) src(%dma_wait3A_50 : memref<80xi32, #tpu.memory_space<hbm>>) dst(%arg9 : memref<80xi32, #tpu.memory_space<vmem>>)
      tpu.yield
    }) : () -> ()
    "tpu.region"() ({
      %run_scoped3A = tpu.sem_alloc : memref<!tpu.dma_semaphore, #tpu.memory_space<semaphore_mem>>
      %dma_start3A_48 = tpu.memref_slice %arg4[%add3A_21] : memref<320000xi32, #tpu.memory_space<hbm>> -> memref<80xi32, #tpu.memory_space<hbm>>
      %dma_start3A_49 = tpu.memref_slice %arg4[%add3A_21] : memref<320000xi32, #tpu.memory_space<hbm>> -> memref<80xi32, #tpu.memory_space<hbm>>
      tpu.enqueue_dma source(%dma_start3A_49 : memref<80xi32, #tpu.memory_space<hbm>>) target(%arg11 : memref<80xi32, #tpu.memory_space<vmem>>) target_semaphore(%run_scoped3A : memref<!tpu.dma_semaphore, #tpu.memory_space<semaphore_mem>>)
      %dma_wait3A = tpu.memref_slice %arg4[%add3A_21] : memref<320000xi32, #tpu.memory_space<hbm>> -> memref<80xi32, #tpu.memory_space<hbm>>
      %dma_wait3A_50 = tpu.memref_slice %arg4[%add3A_21] : memref<320000xi32, #tpu.memory_space<hbm>> -> memref<80xi32, #tpu.memory_space<hbm>>
      tpu.wait_dma2 semaphore(%run_scoped3A : memref<!tpu.dma_semaphore, #tpu.memory_space<semaphore_mem>>) src(%dma_wait3A_50 : memref<80xi32, #tpu.memory_space<hbm>>) dst(%arg11 : memref<80xi32, #tpu.memory_space<vmem>>)
      tpu.yield
    }) : () -> ()
    %dma_start3A = arith.constant 0 : i32
    %dma_start3A_22 = arith.constant 0 : i32
    %dma_start3A_23 = tpu.memref_slice %arg2[%dma_start3A, %dma_start3A_22] : memref<10000x128xf32, #tpu.memory_space<hbm>> -> memref<10000x128xf32, #tpu.memory_space<hbm>>
    tpu.enqueue_indirect_dma source(%dma_start3A_23 : memref<10000x128xf32, #tpu.memory_space<hbm>>) target(%arg13 : memref<80x128xf32, #tpu.memory_space<vmem>>) offsets(%arg9 : memref<80xi32, #tpu.memory_space<vmem>>) semaphore(%arg19 : memref<!tpu.dma_semaphore, #tpu.memory_space<semaphore_mem>>)
    %add3A_24 = arith.constant 80 : i32
    %add3A_25 = arith.addi %add3A, %add3A_24 : i32
    "tpu.region"() ({
      %run_scoped3A = tpu.sem_alloc : memref<!tpu.dma_semaphore, #tpu.memory_space<semaphore_mem>>
      %dma_start3A_48 = tpu.memref_slice %arg3[%add3A_25] : memref<320000xi32, #tpu.memory_space<hbm>> -> memref<80xi32, #tpu.memory_space<hbm>>
      %dma_start3A_49 = tpu.memref_slice %arg3[%add3A_25] : memref<320000xi32, #tpu.memory_space<hbm>> -> memref<80xi32, #tpu.memory_space<hbm>>
      tpu.enqueue_dma source(%dma_start3A_49 : memref<80xi32, #tpu.memory_space<hbm>>) target(%arg10 : memref<80xi32, #tpu.memory_space<vmem>>) target_semaphore(%run_scoped3A : memref<!tpu.dma_semaphore, #tpu.memory_space<semaphore_mem>>)
      %dma_wait3A = tpu.memref_slice %arg3[%add3A_25] : memref<320000xi32, #tpu.memory_space<hbm>> -> memref<80xi32, #tpu.memory_space<hbm>>
      %dma_wait3A_50 = tpu.memref_slice %arg3[%add3A_25] : memref<320000xi32, #tpu.memory_space<hbm>> -> memref<80xi32, #tpu.memory_space<hbm>>
      tpu.wait_dma2 semaphore(%run_scoped3A : memref<!tpu.dma_semaphore, #tpu.memory_space<semaphore_mem>>) src(%dma_wait3A_50 : memref<80xi32, #tpu.memory_space<hbm>>) dst(%arg10 : memref<80xi32, #tpu.memory_space<vmem>>)
      tpu.yield
    }) : () -> ()
    "tpu.region"() ({
      %run_scoped3A = tpu.sem_alloc : memref<!tpu.dma_semaphore, #tpu.memory_space<semaphore_mem>>
      %dma_start3A_48 = tpu.memref_slice %arg4[%add3A_25] : memref<320000xi32, #tpu.memory_space<hbm>> -> memref<80xi32, #tpu.memory_space<hbm>>
      %dma_start3A_49 = tpu.memref_slice %arg4[%add3A_25] : memref<320000xi32, #tpu.memory_space<hbm>> -> memref<80xi32, #tpu.memory_space<hbm>>
      tpu.enqueue_dma source(%dma_start3A_49 : memref<80xi32, #tpu.memory_space<hbm>>) target(%arg12 : memref<80xi32, #tpu.memory_space<vmem>>) target_semaphore(%run_scoped3A : memref<!tpu.dma_semaphore, #tpu.memory_space<semaphore_mem>>)
      %dma_wait3A = tpu.memref_slice %arg4[%add3A_25] : memref<320000xi32, #tpu.memory_space<hbm>> -> memref<80xi32, #tpu.memory_space<hbm>>
      %dma_wait3A_50 = tpu.memref_slice %arg4[%add3A_25] : memref<320000xi32, #tpu.memory_space<hbm>> -> memref<80xi32, #tpu.memory_space<hbm>>
      tpu.wait_dma2 semaphore(%run_scoped3A : memref<!tpu.dma_semaphore, #tpu.memory_space<semaphore_mem>>) src(%dma_wait3A_50 : memref<80xi32, #tpu.memory_space<hbm>>) dst(%arg12 : memref<80xi32, #tpu.memory_space<vmem>>)
      tpu.yield
    }) : () -> ()
    %dma_start3A_26 = arith.constant 0 : i32
    %dma_start3A_27 = arith.constant 0 : i32
    %dma_start3A_28 = tpu.memref_slice %arg2[%dma_start3A_26, %dma_start3A_27] : memref<10000x128xf32, #tpu.memory_space<hbm>> -> memref<10000x128xf32, #tpu.memory_space<hbm>>
    tpu.enqueue_indirect_dma source(%dma_start3A_28 : memref<10000x128xf32, #tpu.memory_space<hbm>>) target(%arg14 : memref<80x128xf32, #tpu.memory_space<vmem>>) offsets(%arg10 : memref<80xi32, #tpu.memory_space<vmem>>) semaphore(%arg20 : memref<!tpu.dma_semaphore, #tpu.memory_space<semaphore_mem>>)
    %scan3A_29 = arith.constant 0 : i32
    %scan3A_30 = arith.constant 63 : i32
    %scan3A_31 = arith.addi %scan3A_29, %scan3A_30 : i32
    %scan3A_32 = arith.constant 1 : i32
    scf.for %scan3A_48 = %scan3A_29 to %scan3A_31 step %scan3A_32  : i32 {
      %mul3A_49 = arith.constant 1 : i32
      %mul3A_50 = arith.muli %scan3A_48, %mul3A_49 : i32
      %add3A_51 = arith.constant 0 : i32
      %add3A_52 = arith.addi %add3A_51, %mul3A_50 : i32
      %mul3A_53 = arith.constant 2 : i32
      %mul3A_54 = arith.muli %add3A_52, %mul3A_53 : i32
      %add3A_55 = arith.constant 0 : i32
      %add3A_56 = arith.addi %mul3A_54, %add3A_55 : i32
      %lt3A = arith.constant 125 : i32
      %lt3A_57 = arith.cmpi slt, %add3A_56, %lt3A : i32
      %convert_element_type3A = arith.extui %lt3A_57 : i1 to i32
      %cond3A = arith.constant 0 : i32
      %cond3A_58 = arith.cmpi ne, %convert_element_type3A, %cond3A : i32
      scf.if %cond3A_58 {
        %scan3A_68 = arith.constant 0 : i32
        %scan3A_69 = arith.constant 5 : i32
        %scan3A_70 = arith.addi %scan3A_68, %scan3A_69 : i32
        %scan3A_71 = arith.constant 1 : i32
        scf.for %scan3A_82 = %scan3A_68 to %scan3A_70 step %scan3A_71  : i32 {
          %mul3A_83 = arith.constant 16 : i32
          %mul3A_84 = arith.muli %scan3A_82, %mul3A_83 : i32
          %add3A_85 = arith.constant 0 : i32
          %add3A_86 = arith.addi %add3A_85, %mul3A_84 : i32
          %get3A = arith.index_cast %add3A_86 : i32 to index
          %get3A_87 = tpu.vector_load %arg11[%get3A] {strides = array<i32>} : memref<80xi32, #tpu.memory_space<vmem>>, vector<16xi32>,
          tpu.vector_store_idx %arg16[%get3A_87], %broadcast_in_dim3A_19 {add = true} : memref<10240xf32, #tpu.memory_space<vmem>>[vector<16xi32>], vector<16xf32>,
        }
        %scan3A_72 = arith.constant 5 : i32
        %dma_wait3A = arith.constant 0 : i32
        %dma_wait3A_73 = arith.constant 0 : i32
        %dma_wait3A_74 = tpu.memref_slice %arg2[%dma_wait3A, %dma_wait3A_73] : memref<10000x128xf32, #tpu.memory_space<hbm>> -> memref<10000x128xf32, #tpu.memory_space<hbm>>
        tpu.wait_indirect_dma semaphore(%arg19 : memref<!tpu.dma_semaphore, #tpu.memory_space<semaphore_mem>>) src(%dma_wait3A_74 : memref<10000x128xf32, #tpu.memory_space<hbm>>) dst(%arg13 : memref<80x128xf32, #tpu.memory_space<vmem>>)
        "tpu.region"() ({
          %run_scoped3A = tpu.sem_alloc : memref<!tpu.dma_semaphore, #tpu.memory_space<semaphore_mem>>
          %dma_start3A_82 = arith.constant 0 : i32
          %dma_start3A_83 = arith.constant 0 : i32
          %dma_start3A_84 = tpu.memref_slice %arg7[%dma_start3A_82, %dma_start3A_83] : memref<10240x128xf32, #tpu.memory_space<vmem_shared>> -> memref<10240x128xf32, #tpu.memory_space<vmem_shared>>
          tpu.enqueue_indirect_dma source(%arg13 : memref<80x128xf32, #tpu.memory_space<vmem>>) target(%dma_start3A_84 : memref<10240x128xf32, #tpu.memory_space<vmem_shared>>) offsets(%arg11 : memref<80xi32, #tpu.memory_space<vmem>>) semaphore(%run_scoped3A : memref<!tpu.dma_semaphore, #tpu.memory_space<semaphore_mem>>) {add = true}
          %dma_wait3A_85 = arith.constant 0 : i32
          %dma_wait3A_86 = arith.constant 0 : i32
          %dma_wait3A_87 = tpu.memref_slice %arg7[%dma_wait3A_85, %dma_wait3A_86] : memref<10240x128xf32, #tpu.memory_space<vmem_shared>> -> memref<10240x128xf32, #tpu.memory_space<vmem_shared>>
          tpu.wait_indirect_dma semaphore(%run_scoped3A : memref<!tpu.dma_semaphore, #tpu.memory_space<semaphore_mem>>) src(%arg13 : memref<80x128xf32, #tpu.memory_space<vmem>>) dst(%dma_wait3A_87 : memref<10240x128xf32, #tpu.memory_space<vmem_shared>>)
          tpu.yield
        }) : () -> ()
        %add3A_75 = arith.constant 2 : i32
        %add3A_76 = arith.addi %add3A_56, %add3A_75 : i32
        %lt3A_77 = arith.constant 125 : i32
        %lt3A_78 = arith.cmpi slt, %add3A_76, %lt3A_77 : i32
        %convert_element_type3A_79 = arith.extui %lt3A_78 : i1 to i32
        %cond3A_80 = arith.constant 0 : i32
        %cond3A_81 = arith.cmpi ne, %convert_element_type3A_79, %cond3A_80 : i32
        scf.if %cond3A_81 {
          %add3A_82 = arith.constant 2 : i32
          %add3A_83 = arith.addi %add3A_56, %add3A_82 : i32
          %mul3A_84 = arith.constant 80 : i32
          %mul3A_85 = arith.muli %add3A_83, %mul3A_84 : i32
          %add3A_86 = arith.addi %add3A, %mul3A_85 : i32
          "tpu.region"() ({
            %run_scoped3A = tpu.sem_alloc : memref<!tpu.dma_semaphore, #tpu.memory_space<semaphore_mem>>
            %dma_start3A_90 = tpu.memref_slice %arg3[%add3A_86] : memref<320000xi32, #tpu.memory_space<hbm>> -> memref<80xi32, #tpu.memory_space<hbm>>
            %dma_start3A_91 = tpu.memref_slice %arg3[%add3A_86] : memref<320000xi32, #tpu.memory_space<hbm>> -> memref<80xi32, #tpu.memory_space<hbm>>
            tpu.enqueue_dma source(%dma_start3A_91 : memref<80xi32, #tpu.memory_space<hbm>>) target(%arg9 : memref<80xi32, #tpu.memory_space<vmem>>) target_semaphore(%run_scoped3A : memref<!tpu.dma_semaphore, #tpu.memory_space<semaphore_mem>>)
            %dma_wait3A_92 = tpu.memref_slice %arg3[%add3A_86] : memref<320000xi32, #tpu.memory_space<hbm>> -> memref<80xi32, #tpu.memory_space<hbm>>
            %dma_wait3A_93 = tpu.memref_slice %arg3[%add3A_86] : memref<320000xi32, #tpu.memory_space<hbm>> -> memref<80xi32, #tpu.memory_space<hbm>>
            tpu.wait_dma2 semaphore(%run_scoped3A : memref<!tpu.dma_semaphore, #tpu.memory_space<semaphore_mem>>) src(%dma_wait3A_93 : memref<80xi32, #tpu.memory_space<hbm>>) dst(%arg9 : memref<80xi32, #tpu.memory_space<vmem>>)
            tpu.yield
          }) : () -> ()
          "tpu.region"() ({
            %run_scoped3A = tpu.sem_alloc : memref<!tpu.dma_semaphore, #tpu.memory_space<semaphore_mem>>
            %dma_start3A_90 = tpu.memref_slice %arg4[%add3A_86] : memref<320000xi32, #tpu.memory_space<hbm>> -> memref<80xi32, #tpu.memory_space<hbm>>
            %dma_start3A_91 = tpu.memref_slice %arg4[%add3A_86] : memref<320000xi32, #tpu.memory_space<hbm>> -> memref<80xi32, #tpu.memory_space<hbm>>
            tpu.enqueue_dma source(%dma_start3A_91 : memref<80xi32, #tpu.memory_space<hbm>>) target(%arg11 : memref<80xi32, #tpu.memory_space<vmem>>) target_semaphore(%run_scoped3A : memref<!tpu.dma_semaphore, #tpu.memory_space<semaphore_mem>>)
            %dma_wait3A_92 = tpu.memref_slice %arg4[%add3A_86] : memref<320000xi32, #tpu.memory_space<hbm>> -> memref<80xi32, #tpu.memory_space<hbm>>
            %dma_wait3A_93 = tpu.memref_slice %arg4[%add3A_86] : memref<320000xi32, #tpu.memory_space<hbm>> -> memref<80xi32, #tpu.memory_space<hbm>>
            tpu.wait_dma2 semaphore(%run_scoped3A : memref<!tpu.dma_semaphore, #tpu.memory_space<semaphore_mem>>) src(%dma_wait3A_93 : memref<80xi32, #tpu.memory_space<hbm>>) dst(%arg11 : memref<80xi32, #tpu.memory_space<vmem>>)
            tpu.yield
          }) : () -> ()
          %dma_start3A_87 = arith.constant 0 : i32
          %dma_start3A_88 = arith.constant 0 : i32
          %dma_start3A_89 = tpu.memref_slice %arg2[%dma_start3A_87, %dma_start3A_88] : memref<10000x128xf32, #tpu.memory_space<hbm>> -> memref<10000x128xf32, #tpu.memory_space<hbm>>
          tpu.enqueue_indirect_dma source(%dma_start3A_89 : memref<10000x128xf32, #tpu.memory_space<hbm>>) target(%arg13 : memref<80x128xf32, #tpu.memory_space<vmem>>) offsets(%arg9 : memref<80xi32, #tpu.memory_space<vmem>>) semaphore(%arg19 : memref<!tpu.dma_semaphore, #tpu.memory_space<semaphore_mem>>)
        } else {
        }
      } else {
      }
      %mul3A_59 = arith.constant 2 : i32
      %mul3A_60 = arith.muli %add3A_52, %mul3A_59 : i32
      %add3A_61 = arith.constant 1 : i32
      %add3A_62 = arith.addi %mul3A_60, %add3A_61 : i32
      %lt3A_63 = arith.constant 125 : i32
      %lt3A_64 = arith.cmpi slt, %add3A_62, %lt3A_63 : i32
      %convert_element_type3A_65 = arith.extui %lt3A_64 : i1 to i32
      %cond3A_66 = arith.constant 0 : i32
      %cond3A_67 = arith.cmpi ne, %convert_element_type3A_65, %cond3A_66 : i32
      scf.if %cond3A_67 {
        %scan3A_68 = arith.constant 0 : i32
        %scan3A_69 = arith.constant 5 : i32
        %scan3A_70 = arith.addi %scan3A_68, %scan3A_69 : i32
        %scan3A_71 = arith.constant 1 : i32
        scf.for %scan3A_82 = %scan3A_68 to %scan3A_70 step %scan3A_71  : i32 {
          %mul3A_83 = arith.constant 16 : i32
          %mul3A_84 = arith.muli %scan3A_82, %mul3A_83 : i32
          %add3A_85 = arith.constant 0 : i32
          %add3A_86 = arith.addi %add3A_85, %mul3A_84 : i32
          %get3A = arith.index_cast %add3A_86 : i32 to index
          %get3A_87 = tpu.vector_load %arg12[%get3A] {strides = array<i32>} : memref<80xi32, #tpu.memory_space<vmem>>, vector<16xi32>,
          tpu.vector_store_idx %arg16[%get3A_87], %broadcast_in_dim3A_19 {add = true} : memref<10240xf32, #tpu.memory_space<vmem>>[vector<16xi32>], vector<16xf32>,
        }
        %scan3A_72 = arith.constant 5 : i32
        %dma_wait3A = arith.constant 0 : i32
        %dma_wait3A_73 = arith.constant 0 : i32
        %dma_wait3A_74 = tpu.memref_slice %arg2[%dma_wait3A, %dma_wait3A_73] : memref<10000x128xf32, #tpu.memory_space<hbm>> -> memref<10000x128xf32, #tpu.memory_space<hbm>>
        tpu.wait_indirect_dma semaphore(%arg20 : memref<!tpu.dma_semaphore, #tpu.memory_space<semaphore_mem>>) src(%dma_wait3A_74 : memref<10000x128xf32, #tpu.memory_space<hbm>>) dst(%arg14 : memref<80x128xf32, #tpu.memory_space<vmem>>)
        "tpu.region"() ({
          %run_scoped3A = tpu.sem_alloc : memref<!tpu.dma_semaphore, #tpu.memory_space<semaphore_mem>>
          %dma_start3A_82 = arith.constant 0 : i32
          %dma_start3A_83 = arith.constant 0 : i32
          %dma_start3A_84 = tpu.memref_slice %arg7[%dma_start3A_82, %dma_start3A_83] : memref<10240x128xf32, #tpu.memory_space<vmem_shared>> -> memref<10240x128xf32, #tpu.memory_space<vmem_shared>>
          tpu.enqueue_indirect_dma source(%arg14 : memref<80x128xf32, #tpu.memory_space<vmem>>) target(%dma_start3A_84 : memref<10240x128xf32, #tpu.memory_space<vmem_shared>>) offsets(%arg12 : memref<80xi32, #tpu.memory_space<vmem>>) semaphore(%run_scoped3A : memref<!tpu.dma_semaphore, #tpu.memory_space<semaphore_mem>>) {add = true}
          %dma_wait3A_85 = arith.constant 0 : i32
          %dma_wait3A_86 = arith.constant 0 : i32
          %dma_wait3A_87 = tpu.memref_slice %arg7[%dma_wait3A_85, %dma_wait3A_86] : memref<10240x128xf32, #tpu.memory_space<vmem_shared>> -> memref<10240x128xf32, #tpu.memory_space<vmem_shared>>
          tpu.wait_indirect_dma semaphore(%run_scoped3A : memref<!tpu.dma_semaphore, #tpu.memory_space<semaphore_mem>>) src(%arg14 : memref<80x128xf32, #tpu.memory_space<vmem>>) dst(%dma_wait3A_87 : memref<10240x128xf32, #tpu.memory_space<vmem_shared>>)
          tpu.yield
        }) : () -> ()
        %add3A_75 = arith.constant 2 : i32
        %add3A_76 = arith.addi %add3A_62, %add3A_75 : i32
        %lt3A_77 = arith.constant 125 : i32
        %lt3A_78 = arith.cmpi slt, %add3A_76, %lt3A_77 : i32
        %convert_element_type3A_79 = arith.extui %lt3A_78 : i1 to i32
        %cond3A_80 = arith.constant 0 : i32
        %cond3A_81 = arith.cmpi ne, %convert_element_type3A_79, %cond3A_80 : i32
        scf.if %cond3A_81 {
          %add3A_82 = arith.constant 2 : i32
          %add3A_83 = arith.addi %add3A_62, %add3A_82 : i32
          %mul3A_84 = arith.constant 80 : i32
          %mul3A_85 = arith.muli %add3A_83, %mul3A_84 : i32
          %add3A_86 = arith.addi %add3A, %mul3A_85 : i32
          "tpu.region"() ({
            %run_scoped3A = tpu.sem_alloc : memref<!tpu.dma_semaphore, #tpu.memory_space<semaphore_mem>>
            %dma_start3A_90 = tpu.memref_slice %arg3[%add3A_86] : memref<320000xi32, #tpu.memory_space<hbm>> -> memref<80xi32, #tpu.memory_space<hbm>>
            %dma_start3A_91 = tpu.memref_slice %arg3[%add3A_86] : memref<320000xi32, #tpu.memory_space<hbm>> -> memref<80xi32, #tpu.memory_space<hbm>>
            tpu.enqueue_dma source(%dma_start3A_91 : memref<80xi32, #tpu.memory_space<hbm>>) target(%arg10 : memref<80xi32, #tpu.memory_space<vmem>>) target_semaphore(%run_scoped3A : memref<!tpu.dma_semaphore, #tpu.memory_space<semaphore_mem>>)
            %dma_wait3A_92 = tpu.memref_slice %arg3[%add3A_86] : memref<320000xi32, #tpu.memory_space<hbm>> -> memref<80xi32, #tpu.memory_space<hbm>>
            %dma_wait3A_93 = tpu.memref_slice %arg3[%add3A_86] : memref<320000xi32, #tpu.memory_space<hbm>> -> memref<80xi32, #tpu.memory_space<hbm>>
            tpu.wait_dma2 semaphore(%run_scoped3A : memref<!tpu.dma_semaphore, #tpu.memory_space<semaphore_mem>>) src(%dma_wait3A_93 : memref<80xi32, #tpu.memory_space<hbm>>) dst(%arg10 : memref<80xi32, #tpu.memory_space<vmem>>)
            tpu.yield
          }) : () -> ()
          "tpu.region"() ({
            %run_scoped3A = tpu.sem_alloc : memref<!tpu.dma_semaphore, #tpu.memory_space<semaphore_mem>>
            %dma_start3A_90 = tpu.memref_slice %arg4[%add3A_86] : memref<320000xi32, #tpu.memory_space<hbm>> -> memref<80xi32, #tpu.memory_space<hbm>>
            %dma_start3A_91 = tpu.memref_slice %arg4[%add3A_86] : memref<320000xi32, #tpu.memory_space<hbm>> -> memref<80xi32, #tpu.memory_space<hbm>>
            tpu.enqueue_dma source(%dma_start3A_91 : memref<80xi32, #tpu.memory_space<hbm>>) target(%arg12 : memref<80xi32, #tpu.memory_space<vmem>>) target_semaphore(%run_scoped3A : memref<!tpu.dma_semaphore, #tpu.memory_space<semaphore_mem>>)
            %dma_wait3A_92 = tpu.memref_slice %arg4[%add3A_86] : memref<320000xi32, #tpu.memory_space<hbm>> -> memref<80xi32, #tpu.memory_space<hbm>>
            %dma_wait3A_93 = tpu.memref_slice %arg4[%add3A_86] : memref<320000xi32, #tpu.memory_space<hbm>> -> memref<80xi32, #tpu.memory_space<hbm>>
            tpu.wait_dma2 semaphore(%run_scoped3A : memref<!tpu.dma_semaphore, #tpu.memory_space<semaphore_mem>>) src(%dma_wait3A_93 : memref<80xi32, #tpu.memory_space<hbm>>) dst(%arg12 : memref<80xi32, #tpu.memory_space<vmem>>)
            tpu.yield
          }) : () -> ()
          %dma_start3A_87 = arith.constant 0 : i32
          %dma_start3A_88 = arith.constant 0 : i32
          %dma_start3A_89 = tpu.memref_slice %arg2[%dma_start3A_87, %dma_start3A_88] : memref<10000x128xf32, #tpu.memory_space<hbm>> -> memref<10000x128xf32, #tpu.memory_space<hbm>>
          tpu.enqueue_indirect_dma source(%dma_start3A_89 : memref<10000x128xf32, #tpu.memory_space<hbm>>) target(%arg14 : memref<80x128xf32, #tpu.memory_space<vmem>>) offsets(%arg10 : memref<80xi32, #tpu.memory_space<vmem>>) semaphore(%arg20 : memref<!tpu.dma_semaphore, #tpu.memory_space<semaphore_mem>>)
        } else {
        }
      } else {
      }
    }
    %scan3A_33 = arith.constant 63 : i32
    "tpu.region"() ({
      %run_scoped3A = tpu.sem_alloc : memref<!tpu.dma_semaphore, #tpu.memory_space<semaphore_mem>>
      %dma_start3A_48 = arith.constant 0 : i32
      %dma_start3A_49 = tpu.memref_slice %arg8[%arg1, %dma_start3A_48] : memref<16x10240xf32, #tpu.memory_space<vmem_shared>> -> memref<1x10240xf32, #tpu.memory_space<vmem_shared>>
      %dma_start3A_50 = tpu.memref_squeeze %dma_start3A_49 : memref<1x10240xf32, #tpu.memory_space<vmem_shared>> -> memref<10240xf32, #tpu.memory_space<vmem_shared>>
      %dma_start3A_51 = arith.constant 0 : i32
      %dma_start3A_52 = tpu.memref_slice %arg8[%arg1, %dma_start3A_51] : memref<16x10240xf32, #tpu.memory_space<vmem_shared>> -> memref<1x10240xf32, #tpu.memory_space<vmem_shared>>
      %dma_start3A_53 = tpu.memref_squeeze %dma_start3A_52 : memref<1x10240xf32, #tpu.memory_space<vmem_shared>> -> memref<10240xf32, #tpu.memory_space<vmem_shared>>
      tpu.enqueue_dma source(%arg16 : memref<10240xf32, #tpu.memory_space<vmem>>) target(%dma_start3A_53 : memref<10240xf32, #tpu.memory_space<vmem_shared>>) target_semaphore(%run_scoped3A : memref<!tpu.dma_semaphore, #tpu.memory_space<semaphore_mem>>)
      %dma_wait3A = arith.constant 0 : i32
      %dma_wait3A_54 = tpu.memref_slice %arg8[%arg1, %dma_wait3A] : memref<16x10240xf32, #tpu.memory_space<vmem_shared>> -> memref<1x10240xf32, #tpu.memory_space<vmem_shared>>
      %dma_wait3A_55 = tpu.memref_squeeze %dma_wait3A_54 : memref<1x10240xf32, #tpu.memory_space<vmem_shared>> -> memref<10240xf32, #tpu.memory_space<vmem_shared>>
      %dma_wait3A_56 = arith.constant 0 : i32
      %dma_wait3A_57 = tpu.memref_slice %arg8[%arg1, %dma_wait3A_56] : memref<16x10240xf32, #tpu.memory_space<vmem_shared>> -> memref<1x10240xf32, #tpu.memory_space<vmem_shared>>
      %dma_wait3A_58 = tpu.memref_squeeze %dma_wait3A_57 : memref<1x10240xf32, #tpu.memory_space<vmem_shared>> -> memref<10240xf32, #tpu.memory_space<vmem_shared>>
      tpu.wait_dma2 semaphore(%run_scoped3A : memref<!tpu.dma_semaphore, #tpu.memory_space<semaphore_mem>>) src(%arg16 : memref<10240xf32, #tpu.memory_space<vmem>>) dst(%dma_wait3A_58 : memref<10240xf32, #tpu.memory_space<vmem_shared>>)
      tpu.yield
    }) : () -> ()
    %barrier3A_34 = arith.constant 0 : index
    tpu.barrier barrier_id(%barrier3A_34)
    %scan3A_35 = arith.constant 0 : i32
    %scan3A_36 = arith.constant 40 : i32
    %scan3A_37 = arith.addi %scan3A_35, %scan3A_36 : i32
    %scan3A_38 = arith.constant 1 : i32
    scf.for %scan3A_48 = %scan3A_35 to %scan3A_37 step %scan3A_38  : i32 {
      %mul3A_49 = arith.constant 16 : i32
      %mul3A_50 = arith.muli %scan3A_48, %mul3A_49 : i32
      %add3A_51 = arith.constant 0 : i32
      %add3A_52 = arith.addi %add3A_51, %mul3A_50 : i32
      %broadcast_in_dim3A_53 = arith.constant 0.000000e+00 : f32
      %broadcast_in_dim3A_54 = vector.broadcast %broadcast_in_dim3A_53 : f32 to vector<16xf32>
      %swap3A = arith.index_cast %add3A_52 : i32 to index
      %swap3A_55 = tpu.vector_load %arg17[%swap3A] {strides = array<i32>} : memref<640xf32, #tpu.memory_space<vmem>>, vector<16xf32>,
      tpu.vector_store %arg17[%swap3A], %broadcast_in_dim3A_54 {strides = array<i32>} : memref<640xf32, #tpu.memory_space<vmem>>, vector<16xf32>,
    }
    %scan3A_39 = arith.constant 40 : i32
    %scan3A_40 = arith.constant 0 : i32
    %scan3A_41 = arith.constant 16 : i32
    %scan3A_42 = arith.addi %scan3A_40, %scan3A_41 : i32
    %scan3A_43 = arith.constant 1 : i32
    scf.for %scan3A_48 = %scan3A_40 to %scan3A_42 step %scan3A_43  : i32 {
      %mul3A_49 = arith.constant 1 : i32
      %mul3A_50 = arith.muli %scan3A_48, %mul3A_49 : i32
      %add3A_51 = arith.constant 0 : i32
      %add3A_52 = arith.addi %add3A_51, %mul3A_50 : i32
      "tpu.region"() ({
        %run_scoped3A = tpu.sem_alloc : memref<!tpu.dma_semaphore, #tpu.memory_space<semaphore_mem>>
        %dma_start3A_58 = arith.constant 0 : i32
        %dma_start3A_59 = tpu.memref_slice %arg8[%add3A_52, %dma_start3A_58] : memref<16x10240xf32, #tpu.memory_space<vmem_shared>> -> memref<1x10240xf32, #tpu.memory_space<vmem_shared>>
        %dma_start3A_60 = tpu.memref_squeeze %dma_start3A_59 : memref<1x10240xf32, #tpu.memory_space<vmem_shared>> -> memref<10240xf32, #tpu.memory_space<vmem_shared>>
        %dma_start3A_61 = tpu.memref_slice %dma_start3A_60[%mul3A_0] : memref<10240xf32, #tpu.memory_space<vmem_shared>> -> memref<640xf32, #tpu.memory_space<vmem_shared>>
        %dma_start3A_62 = arith.constant 0 : i32
        %dma_start3A_63 = tpu.memref_slice %arg8[%add3A_52, %dma_start3A_62] : memref<16x10240xf32, #tpu.memory_space<vmem_shared>> -> memref<1x10240xf32, #tpu.memory_space<vmem_shared>>
        %dma_start3A_64 = tpu.memref_squeeze %dma_start3A_63 : memref<1x10240xf32, #tpu.memory_space<vmem_shared>> -> memref<10240xf32, #tpu.memory_space<vmem_shared>>
        %dma_start3A_65 = tpu.memref_slice %dma_start3A_64[%mul3A_0] : memref<10240xf32, #tpu.memory_space<vmem_shared>> -> memref<640xf32, #tpu.memory_space<vmem_shared>>
        tpu.enqueue_dma source(%dma_start3A_65 : memref<640xf32, #tpu.memory_space<vmem_shared>>) target(%arg18 : memref<640xf32, #tpu.memory_space<vmem>>) target_semaphore(%run_scoped3A : memref<!tpu.dma_semaphore, #tpu.memory_space<semaphore_mem>>)
        %dma_wait3A = arith.constant 0 : i32
        %dma_wait3A_66 = tpu.memref_slice %arg8[%add3A_52, %dma_wait3A] : memref<16x10240xf32, #tpu.memory_space<vmem_shared>> -> memref<1x10240xf32, #tpu.memory_space<vmem_shared>>
        %dma_wait3A_67 = tpu.memref_squeeze %dma_wait3A_66 : memref<1x10240xf32, #tpu.memory_space<vmem_shared>> -> memref<10240xf32, #tpu.memory_space<vmem_shared>>
        %dma_wait3A_68 = tpu.memref_slice %dma_wait3A_67[%mul3A_0] : memref<10240xf32, #tpu.memory_space<vmem_shared>> -> memref<640xf32, #tpu.memory_space<vmem_shared>>
        %dma_wait3A_69 = arith.constant 0 : i32
        %dma_wait3A_70 = tpu.memref_slice %arg8[%add3A_52, %dma_wait3A_69] : memref<16x10240xf32, #tpu.memory_space<vmem_shared>> -> memref<1x10240xf32, #tpu.memory_space<vmem_shared>>
        %dma_wait3A_71 = tpu.memref_squeeze %dma_wait3A_70 : memref<1x10240xf32, #tpu.memory_space<vmem_shared>> -> memref<10240xf32, #tpu.memory_space<vmem_shared>>
        %dma_wait3A_72 = tpu.memref_slice %dma_wait3A_71[%mul3A_0] : memref<10240xf32, #tpu.memory_space<vmem_shared>> -> memref<640xf32, #tpu.memory_space<vmem_shared>>
        tpu.wait_dma2 semaphore(%run_scoped3A : memref<!tpu.dma_semaphore, #tpu.memory_space<semaphore_mem>>) src(%dma_wait3A_72 : memref<640xf32, #tpu.memory_space<vmem_shared>>) dst(%arg18 : memref<640xf32, #tpu.memory_space<vmem>>)
        tpu.yield
      }) : () -> ()
      %scan3A_53 = arith.constant 0 : i32
      %scan3A_54 = arith.constant 40 : i32
      %scan3A_55 = arith.addi %scan3A_53, %scan3A_54 : i32
      %scan3A_56 = arith.constant 1 : i32
      scf.for %scan3A_58 = %scan3A_53 to %scan3A_55 step %scan3A_56  : i32 {
        %mul3A_59 = arith.constant 16 : i32
        %mul3A_60 = arith.muli %scan3A_58, %mul3A_59 : i32
        %add3A_61 = arith.constant 0 : i32
        %add3A_62 = arith.addi %add3A_61, %mul3A_60 : i32
        %get3A = arith.index_cast %add3A_62 : i32 to index
        %get3A_63 = tpu.vector_load %arg17[%get3A] {strides = array<i32>} : memref<640xf32, #tpu.memory_space<vmem>>, vector<16xf32>,
        %get3A_64 = arith.index_cast %add3A_62 : i32 to index
        %get3A_65 = tpu.vector_load %arg18[%get3A_64] {strides = array<i32>} : memref<640xf32, #tpu.memory_space<vmem>>, vector<16xf32>,
        %add3A_66 = arith.addf %get3A_63, %get3A_65 : vector<16xf32>
        %swap3A = arith.index_cast %add3A_62 : i32 to index
        %swap3A_67 = tpu.vector_load %arg17[%swap3A] {strides = array<i32>} : memref<640xf32, #tpu.memory_space<vmem>>, vector<16xf32>,
        tpu.vector_store %arg17[%swap3A], %add3A_66 {strides = array<i32>} : memref<640xf32, #tpu.memory_space<vmem>>, vector<16xf32>,
      }
      %scan3A_57 = arith.constant 40 : i32
    }
    %scan3A_44 = arith.constant 16 : i32
    %mul3A_45 = arith.constant 10240 : i32
    %mul3A_46 = arith.muli %arg0, %mul3A_45 : i32
    %add3A_47 = arith.addi %mul3A_46, %mul3A_0 : i32
    "tpu.region"() ({
      %run_scoped3A = tpu.sem_alloc : memref<!tpu.dma_semaphore, #tpu.memory_space<semaphore_mem>>
      %dma_start3A_48 = tpu.memref_slice %arg6[%add3A_47] : memref<20480xf32, #tpu.memory_space<hbm>> -> memref<640xf32, #tpu.memory_space<hbm>>
      %dma_start3A_49 = tpu.memref_slice %arg6[%add3A_47] : memref<20480xf32, #tpu.memory_space<hbm>> -> memref<640xf32, #tpu.memory_space<hbm>>
      tpu.enqueue_dma source(%arg17 : memref<640xf32, #tpu.memory_space<vmem>>) target(%dma_start3A_49 : memref<640xf32, #tpu.memory_space<hbm>>) target_semaphore(%run_scoped3A : memref<!tpu.dma_semaphore, #tpu.memory_space<semaphore_mem>>)
      %dma_wait3A = tpu.memref_slice %arg6[%add3A_47] : memref<20480xf32, #tpu.memory_space<hbm>> -> memref<640xf32, #tpu.memory_space<hbm>>
      %dma_wait3A_50 = tpu.memref_slice %arg6[%add3A_47] : memref<20480xf32, #tpu.memory_space<hbm>> -> memref<640xf32, #tpu.memory_space<hbm>>
      tpu.wait_dma2 semaphore(%run_scoped3A : memref<!tpu.dma_semaphore, #tpu.memory_space<semaphore_mem>>) src(%arg17 : memref<640xf32, #tpu.memory_space<vmem>>) dst(%dma_wait3A_50 : memref<640xf32, #tpu.memory_space<hbm>>)
      tpu.yield
    }) : () -> ()
    "tpu.region"() ({
      %run_scoped3A = tpu.sem_alloc : memref<!tpu.dma_semaphore, #tpu.memory_space<semaphore_mem>>
      %dma_start3A_48 = arith.constant 0 : i32
      %dma_start3A_49 = arith.constant 0 : i32
      %dma_start3A_50 = tpu.memref_slice %arg5[%arg0, %dma_start3A_48, %dma_start3A_49] : memref<2x10240x128xf32, #tpu.memory_space<hbm>> -> memref<1x10240x128xf32, #tpu.memory_space<hbm>>
      %dma_start3A_51 = tpu.memref_squeeze %dma_start3A_50 : memref<1x10240x128xf32, #tpu.memory_space<hbm>> -> memref<10240x128xf32, #tpu.memory_space<hbm>>
      %dma_start3A_52 = arith.constant 0 : i32
      %dma_start3A_53 = tpu.memref_slice %dma_start3A_51[%mul3A_0, %dma_start3A_52] : memref<10240x128xf32, #tpu.memory_space<hbm>> -> memref<640x128xf32, #tpu.memory_space<hbm>>
      %dma_start3A_54 = arith.constant 0 : i32
      %dma_start3A_55 = tpu.memref_slice %arg7[%mul3A_0, %dma_start3A_54] : memref<10240x128xf32, #tpu.memory_space<vmem_shared>> -> memref<640x128xf32, #tpu.memory_space<vmem_shared>>
      tpu.enqueue_dma source(%dma_start3A_55 : memref<640x128xf32, #tpu.memory_space<vmem_shared>>) target(%dma_start3A_53 : memref<640x128xf32, #tpu.memory_space<hbm>>) target_semaphore(%run_scoped3A : memref<!tpu.dma_semaphore, #tpu.memory_space<semaphore_mem>>)
      %dma_wait3A = arith.constant 0 : i32
      %dma_wait3A_56 = arith.constant 0 : i32
      %dma_wait3A_57 = tpu.memref_slice %arg5[%arg0, %dma_wait3A, %dma_wait3A_56] : memref<2x10240x128xf32, #tpu.memory_space<hbm>> -> memref<1x10240x128xf32, #tpu.memory_space<hbm>>
      %dma_wait3A_58 = tpu.memref_squeeze %dma_wait3A_57 : memref<1x10240x128xf32, #tpu.memory_space<hbm>> -> memref<10240x128xf32, #tpu.memory_space<hbm>>
      %dma_wait3A_59 = arith.constant 0 : i32
      %dma_wait3A_60 = tpu.memref_slice %dma_wait3A_58[%mul3A_0, %dma_wait3A_59] : memref<10240x128xf32, #tpu.memory_space<hbm>> -> memref<640x128xf32, #tpu.memory_space<hbm>>
      %dma_wait3A_61 = arith.constant 0 : i32
      %dma_wait3A_62 = tpu.memref_slice %arg7[%mul3A_0, %dma_wait3A_61] : memref<10240x128xf32, #tpu.memory_space<vmem_shared>> -> memref<640x128xf32, #tpu.memory_space<vmem_shared>>
      tpu.wait_dma2 semaphore(%run_scoped3A : memref<!tpu.dma_semaphore, #tpu.memory_space<semaphore_mem>>) src(%dma_wait3A_62 : memref<640x128xf32, #tpu.memory_space<vmem_shared>>) dst(%dma_wait3A_60 : memref<640x128xf32, #tpu.memory_space<hbm>>)
      tpu.yield
    }) : () -> ()
    return
  }
}

#map = affine_map<(d0, d1) -> (0, 0)>
#map1 = affine_map<(d0, d1) -> (0)>
#map2 = affine_map<(d0, d1) -> (0, 0, 0)>
module attributes {stable_mosaic.version = 14 : i64} {
  func.func @_sc_agg_body(%arg0: i32, %arg1: i32, %arg2: memref<10000x128xf32, #tpu.memory_space<hbm>>, %arg3: memref<320000xi32, #tpu.memory_space<hbm>>, %arg4: memref<320000xi32, #tpu.memory_space<hbm>>, %arg5: memref<2x10240x128xf32, #tpu.memory_space<hbm>>, %arg6: memref<20480xf32, #tpu.memory_space<hbm>>, %arg7: memref<10240x128xf32, #tpu.memory_space<vmem_shared>>, %arg8: memref<16x10240xf32, #tpu.memory_space<vmem_shared>>, %arg9: memref<80xi32, #tpu.memory_space<vmem>>, %arg10: memref<80xi32, #tpu.memory_space<vmem>>, %arg11: memref<80xi32, #tpu.memory_space<vmem>>, %arg12: memref<80xi32, #tpu.memory_space<vmem>>, %arg13: memref<80x128xf32, #tpu.memory_space<vmem>>, %arg14: memref<80x128xf32, #tpu.memory_space<vmem>>, %arg15: memref<32x128xf32, #tpu.memory_space<vmem>>, %arg16: memref<10240xf32, #tpu.memory_space<vmem>>, %arg17: memref<640xf32, #tpu.memory_space<vmem>>, %arg18: memref<640xf32, #tpu.memory_space<vmem>>, %arg19: memref<!tpu.dma_semaphore, #tpu.memory_space<semaphore_mem>>, %arg20: memref<!tpu.dma_semaphore, #tpu.memory_space<semaphore_mem>>) attributes {dimension_semantics = [#tpu.dimension_semantics<core_parallel>, #tpu.dimension_semantics<subcore_parallel>], iteration_bounds = array<i64: 2, 16>, scalar_prefetch = 0 : i64, scratch_operands = 14 : i64, tpu.core_type = #tpu.core_type<sc_vector_subcore>, window_params = [{transform_indices = #map}, {transform_indices = #map1}, {transform_indices = #map1}, {transform_indices = #map2}, {transform_indices = #map1}]} {
    %mul3A = arith.constant 640 : i32
    %mul3A_0 = arith.muli %arg1, %mul3A : i32
    %scan3A = arith.constant 0 : i32
    %scan3A_1 = arith.constant 32 : i32
    %scan3A_2 = arith.addi %scan3A, %scan3A_1 : i32
    %scan3A_3 = arith.constant 1 : i32
    scf.for %scan3A_48 = %scan3A to %scan3A_2 step %scan3A_3  : i32 {
      %mul3A_49 = arith.constant 1 : i32
      %mul3A_50 = arith.muli %scan3A_48, %mul3A_49 : i32
      %add3A_51 = arith.constant 0 : i32
      %add3A_52 = arith.addi %add3A_51, %mul3A_50 : i32
      %scan3A_53 = arith.constant 0 : i32
      %scan3A_54 = arith.constant 8 : i32
      %scan3A_55 = arith.addi %scan3A_53, %scan3A_54 : i32
      %scan3A_56 = arith.constant 1 : i32
      scf.for %scan3A_58 = %scan3A_53 to %scan3A_55 step %scan3A_56  : i32 {
        %mul3A_59 = arith.constant 16 : i32
        %mul3A_60 = arith.muli %scan3A_58, %mul3A_59 : i32
        %add3A_61 = arith.constant 0 : i32
        %add3A_62 = arith.addi %add3A_61, %mul3A_60 : i32
        %broadcast_in_dim3A_63 = arith.constant 0.000000e+00 : f32
        %broadcast_in_dim3A_64 = vector.broadcast %broadcast_in_dim3A_63 : f32 to vector<16xf32>
        %swap3A = arith.index_cast %add3A_52 : i32 to index
        %swap3A_65 = arith.index_cast %add3A_62 : i32 to index
        %swap3A_66 = tpu.vector_load %arg15[%swap3A, %swap3A_65] {strides = array<i32>} : memref<32x128xf32, #tpu.memory_space<vmem>>, vector<16xf32>,
        tpu.vector_store %arg15[%swap3A, %swap3A_65], %broadcast_in_dim3A_64 {strides = array<i32>} : memref<32x128xf32, #tpu.memory_space<vmem>>, vector<16xf32>,
      }
      %scan3A_57 = arith.constant 8 : i32
    }
    %scan3A_4 = arith.constant 32 : i32
    %scan3A_5 = arith.constant 0 : i32
    %scan3A_6 = arith.constant 20 : i32
    %scan3A_7 = arith.addi %scan3A_5, %scan3A_6 : i32
    %scan3A_8 = arith.constant 1 : i32
    scf.for %scan3A_48 = %scan3A_5 to %scan3A_7 step %scan3A_8  : i32 {
      %mul3A_49 = arith.constant 1 : i32
      %mul3A_50 = arith.muli %scan3A_48, %mul3A_49 : i32
      %add3A_51 = arith.constant 0 : i32
      %add3A_52 = arith.addi %add3A_51, %mul3A_50 : i32
      %mul3A_53 = arith.constant 32 : i32
      %mul3A_54 = arith.muli %add3A_52, %mul3A_53 : i32
      %add3A_55 = arith.addi %mul3A_0, %mul3A_54 : i32
      "tpu.region"() ({
        %run_scoped3A = tpu.sem_alloc : memref<!tpu.dma_semaphore, #tpu.memory_space<semaphore_mem>>
        %dma_start3A_56 = arith.constant 0 : i32
        %dma_start3A_57 = tpu.memref_slice %arg7[%add3A_55, %dma_start3A_56] : memref<10240x128xf32, #tpu.memory_space<vmem_shared>> -> memref<32x128xf32, #tpu.memory_space<vmem_shared>>
        %dma_start3A_58 = arith.constant 0 : i32
        %dma_start3A_59 = tpu.memref_slice %arg7[%add3A_55, %dma_start3A_58] : memref<10240x128xf32, #tpu.memory_space<vmem_shared>> -> memref<32x128xf32, #tpu.memory_space<vmem_shared>>
        tpu.enqueue_dma source(%arg15 : memref<32x128xf32, #tpu.memory_space<vmem>>) target(%dma_start3A_59 : memref<32x128xf32, #tpu.memory_space<vmem_shared>>) target_semaphore(%run_scoped3A : memref<!tpu.dma_semaphore, #tpu.memory_space<semaphore_mem>>)
        %dma_wait3A = arith.constant 0 : i32
        %dma_wait3A_60 = tpu.memref_slice %arg7[%add3A_55, %dma_wait3A] : memref<10240x128xf32, #tpu.memory_space<vmem_shared>> -> memref<32x128xf32, #tpu.memory_space<vmem_shared>>
        %dma_wait3A_61 = arith.constant 0 : i32
        %dma_wait3A_62 = tpu.memref_slice %arg7[%add3A_55, %dma_wait3A_61] : memref<10240x128xf32, #tpu.memory_space<vmem_shared>> -> memref<32x128xf32, #tpu.memory_space<vmem_shared>>
        tpu.wait_dma2 semaphore(%run_scoped3A : memref<!tpu.dma_semaphore, #tpu.memory_space<semaphore_mem>>) src(%arg15 : memref<32x128xf32, #tpu.memory_space<vmem>>) dst(%dma_wait3A_62 : memref<32x128xf32, #tpu.memory_space<vmem_shared>>)
        tpu.yield
      }) : () -> ()
    }
    %scan3A_9 = arith.constant 20 : i32
    %scan3A_10 = arith.constant 0 : i32
    %scan3A_11 = arith.constant 640 : i32
    %scan3A_12 = arith.addi %scan3A_10, %scan3A_11 : i32
    %scan3A_13 = arith.constant 1 : i32
    scf.for %scan3A_48 = %scan3A_10 to %scan3A_12 step %scan3A_13  : i32 {
      %mul3A_49 = arith.constant 16 : i32
      %mul3A_50 = arith.muli %scan3A_48, %mul3A_49 : i32
      %add3A_51 = arith.constant 0 : i32
      %add3A_52 = arith.addi %add3A_51, %mul3A_50 : i32
      %broadcast_in_dim3A_53 = arith.constant 0.000000e+00 : f32
      %broadcast_in_dim3A_54 = vector.broadcast %broadcast_in_dim3A_53 : f32 to vector<16xf32>
      %swap3A = arith.index_cast %add3A_52 : i32 to index
      %swap3A_55 = tpu.vector_load %arg16[%swap3A] {strides = array<i32>} : memref<10240xf32, #tpu.memory_space<vmem>>, vector<16xf32>,
      tpu.vector_store %arg16[%swap3A], %broadcast_in_dim3A_54 {strides = array<i32>} : memref<10240xf32, #tpu.memory_space<vmem>>, vector<16xf32>,
    }
    %scan3A_14 = arith.constant 640 : i32
    %barrier3A = arith.constant 0 : index
    tpu.barrier barrier_id(%barrier3A)
    %mul3A_15 = arith.constant 160000 : i32
    %mul3A_16 = arith.muli %arg0, %mul3A_15 : i32
    %mul3A_17 = arith.constant 10000 : i32
    %mul3A_18 = arith.muli %arg1, %mul3A_17 : i32
    %add3A = arith.addi %mul3A_16, %mul3A_18 : i32
    %broadcast_in_dim3A = arith.constant 1.000000e+00 : f32
    %broadcast_in_dim3A_19 = vector.broadcast %broadcast_in_dim3A : f32 to vector<16xf32>
    %add3A_20 = arith.constant 0 : i32
    %add3A_21 = arith.addi %add3A, %add3A_20 : i32
    "tpu.region"() ({
      %run_scoped3A = tpu.sem_alloc : memref<!tpu.dma_semaphore, #tpu.memory_space<semaphore_mem>>
      %dma_start3A_48 = tpu.memref_slice %arg3[%add3A_21] : memref<320000xi32, #tpu.memory_space<hbm>> -> memref<80xi32, #tpu.memory_space<hbm>>
      %dma_start3A_49 = tpu.memref_slice %arg3[%add3A_21] : memref<320000xi32, #tpu.memory_space<hbm>> -> memref<80xi32, #tpu.memory_space<hbm>>
      tpu.enqueue_dma source(%dma_start3A_49 : memref<80xi32, #tpu.memory_space<hbm>>) target(%arg9 : memref<80xi32, #tpu.memory_space<vmem>>) target_semaphore(%run_scoped3A : memref<!tpu.dma_semaphore, #tpu.memory_space<semaphore_mem>>)
      %dma_wait3A = tpu.memref_slice %arg3[%add3A_21] : memref<320000xi32, #tpu.memory_space<hbm>> -> memref<80xi32, #tpu.memory_space<hbm>>
      %dma_wait3A_50 = tpu.memref_slice %arg3[%add3A_21] : memref<320000xi32, #tpu.memory_space<hbm>> -> memref<80xi32, #tpu.memory_space<hbm>>
      tpu.wait_dma2 semaphore(%run_scoped3A : memref<!tpu.dma_semaphore, #tpu.memory_space<semaphore_mem>>) src(%dma_wait3A_50 : memref<80xi32, #tpu.memory_space<hbm>>) dst(%arg9 : memref<80xi32, #tpu.memory_space<vmem>>)
      tpu.yield
    }) : () -> ()
    "tpu.region"() ({
      %run_scoped3A = tpu.sem_alloc : memref<!tpu.dma_semaphore, #tpu.memory_space<semaphore_mem>>
      %dma_start3A_48 = tpu.memref_slice %arg4[%add3A_21] : memref<320000xi32, #tpu.memory_space<hbm>> -> memref<80xi32, #tpu.memory_space<hbm>>
      %dma_start3A_49 = tpu.memref_slice %arg4[%add3A_21] : memref<320000xi32, #tpu.memory_space<hbm>> -> memref<80xi32, #tpu.memory_space<hbm>>
      tpu.enqueue_dma source(%dma_start3A_49 : memref<80xi32, #tpu.memory_space<hbm>>) target(%arg11 : memref<80xi32, #tpu.memory_space<vmem>>) target_semaphore(%run_scoped3A : memref<!tpu.dma_semaphore, #tpu.memory_space<semaphore_mem>>)
      %dma_wait3A = tpu.memref_slice %arg4[%add3A_21] : memref<320000xi32, #tpu.memory_space<hbm>> -> memref<80xi32, #tpu.memory_space<hbm>>
      %dma_wait3A_50 = tpu.memref_slice %arg4[%add3A_21] : memref<320000xi32, #tpu.memory_space<hbm>> -> memref<80xi32, #tpu.memory_space<hbm>>
      tpu.wait_dma2 semaphore(%run_scoped3A : memref<!tpu.dma_semaphore, #tpu.memory_space<semaphore_mem>>) src(%dma_wait3A_50 : memref<80xi32, #tpu.memory_space<hbm>>) dst(%arg11 : memref<80xi32, #tpu.memory_space<vmem>>)
      tpu.yield
    }) : () -> ()
    %dma_start3A = arith.constant 0 : i32
    %dma_start3A_22 = arith.constant 0 : i32
    %dma_start3A_23 = tpu.memref_slice %arg2[%dma_start3A, %dma_start3A_22] : memref<10000x128xf32, #tpu.memory_space<hbm>> -> memref<10000x128xf32, #tpu.memory_space<hbm>>
    tpu.enqueue_indirect_dma source(%dma_start3A_23 : memref<10000x128xf32, #tpu.memory_space<hbm>>) target(%arg13 : memref<80x128xf32, #tpu.memory_space<vmem>>) offsets(%arg9 : memref<80xi32, #tpu.memory_space<vmem>>) semaphore(%arg19 : memref<!tpu.dma_semaphore, #tpu.memory_space<semaphore_mem>>)
    %add3A_24 = arith.constant 80 : i32
    %add3A_25 = arith.addi %add3A, %add3A_24 : i32
    "tpu.region"() ({
      %run_scoped3A = tpu.sem_alloc : memref<!tpu.dma_semaphore, #tpu.memory_space<semaphore_mem>>
      %dma_start3A_48 = tpu.memref_slice %arg3[%add3A_25] : memref<320000xi32, #tpu.memory_space<hbm>> -> memref<80xi32, #tpu.memory_space<hbm>>
      %dma_start3A_49 = tpu.memref_slice %arg3[%add3A_25] : memref<320000xi32, #tpu.memory_space<hbm>> -> memref<80xi32, #tpu.memory_space<hbm>>
      tpu.enqueue_dma source(%dma_start3A_49 : memref<80xi32, #tpu.memory_space<hbm>>) target(%arg10 : memref<80xi32, #tpu.memory_space<vmem>>) target_semaphore(%run_scoped3A : memref<!tpu.dma_semaphore, #tpu.memory_space<semaphore_mem>>)
      %dma_wait3A = tpu.memref_slice %arg3[%add3A_25] : memref<320000xi32, #tpu.memory_space<hbm>> -> memref<80xi32, #tpu.memory_space<hbm>>
      %dma_wait3A_50 = tpu.memref_slice %arg3[%add3A_25] : memref<320000xi32, #tpu.memory_space<hbm>> -> memref<80xi32, #tpu.memory_space<hbm>>
      tpu.wait_dma2 semaphore(%run_scoped3A : memref<!tpu.dma_semaphore, #tpu.memory_space<semaphore_mem>>) src(%dma_wait3A_50 : memref<80xi32, #tpu.memory_space<hbm>>) dst(%arg10 : memref<80xi32, #tpu.memory_space<vmem>>)
      tpu.yield
    }) : () -> ()
    "tpu.region"() ({
      %run_scoped3A = tpu.sem_alloc : memref<!tpu.dma_semaphore, #tpu.memory_space<semaphore_mem>>
      %dma_start3A_48 = tpu.memref_slice %arg4[%add3A_25] : memref<320000xi32, #tpu.memory_space<hbm>> -> memref<80xi32, #tpu.memory_space<hbm>>
      %dma_start3A_49 = tpu.memref_slice %arg4[%add3A_25] : memref<320000xi32, #tpu.memory_space<hbm>> -> memref<80xi32, #tpu.memory_space<hbm>>
      tpu.enqueue_dma source(%dma_start3A_49 : memref<80xi32, #tpu.memory_space<hbm>>) target(%arg12 : memref<80xi32, #tpu.memory_space<vmem>>) target_semaphore(%run_scoped3A : memref<!tpu.dma_semaphore, #tpu.memory_space<semaphore_mem>>)
      %dma_wait3A = tpu.memref_slice %arg4[%add3A_25] : memref<320000xi32, #tpu.memory_space<hbm>> -> memref<80xi32, #tpu.memory_space<hbm>>
      %dma_wait3A_50 = tpu.memref_slice %arg4[%add3A_25] : memref<320000xi32, #tpu.memory_space<hbm>> -> memref<80xi32, #tpu.memory_space<hbm>>
      tpu.wait_dma2 semaphore(%run_scoped3A : memref<!tpu.dma_semaphore, #tpu.memory_space<semaphore_mem>>) src(%dma_wait3A_50 : memref<80xi32, #tpu.memory_space<hbm>>) dst(%arg12 : memref<80xi32, #tpu.memory_space<vmem>>)
      tpu.yield
    }) : () -> ()
    %dma_start3A_26 = arith.constant 0 : i32
    %dma_start3A_27 = arith.constant 0 : i32
    %dma_start3A_28 = tpu.memref_slice %arg2[%dma_start3A_26, %dma_start3A_27] : memref<10000x128xf32, #tpu.memory_space<hbm>> -> memref<10000x128xf32, #tpu.memory_space<hbm>>
    tpu.enqueue_indirect_dma source(%dma_start3A_28 : memref<10000x128xf32, #tpu.memory_space<hbm>>) target(%arg14 : memref<80x128xf32, #tpu.memory_space<vmem>>) offsets(%arg10 : memref<80xi32, #tpu.memory_space<vmem>>) semaphore(%arg20 : memref<!tpu.dma_semaphore, #tpu.memory_space<semaphore_mem>>)
    %scan3A_29 = arith.constant 0 : i32
    %scan3A_30 = arith.constant 63 : i32
    %scan3A_31 = arith.addi %scan3A_29, %scan3A_30 : i32
    %scan3A_32 = arith.constant 1 : i32
    scf.for %scan3A_48 = %scan3A_29 to %scan3A_31 step %scan3A_32  : i32 {
      %mul3A_49 = arith.constant 1 : i32
      %mul3A_50 = arith.muli %scan3A_48, %mul3A_49 : i32
      %add3A_51 = arith.constant 0 : i32
      %add3A_52 = arith.addi %add3A_51, %mul3A_50 : i32
      %mul3A_53 = arith.constant 2 : i32
      %mul3A_54 = arith.muli %add3A_52, %mul3A_53 : i32
      %add3A_55 = arith.constant 0 : i32
      %add3A_56 = arith.addi %mul3A_54, %add3A_55 : i32
      %lt3A = arith.constant 125 : i32
      %lt3A_57 = arith.cmpi slt, %add3A_56, %lt3A : i32
      %convert_element_type3A = arith.extui %lt3A_57 : i1 to i32
      %cond3A = arith.constant 0 : i32
      %cond3A_58 = arith.cmpi ne, %convert_element_type3A, %cond3A : i32
      scf.if %cond3A_58 {
        %scan3A_68 = arith.constant 0 : i32
        %scan3A_69 = arith.constant 5 : i32
        %scan3A_70 = arith.addi %scan3A_68, %scan3A_69 : i32
        %scan3A_71 = arith.constant 1 : i32
        scf.for %scan3A_82 = %scan3A_68 to %scan3A_70 step %scan3A_71  : i32 {
          %mul3A_83 = arith.constant 16 : i32
          %mul3A_84 = arith.muli %scan3A_82, %mul3A_83 : i32
          %add3A_85 = arith.constant 0 : i32
          %add3A_86 = arith.addi %add3A_85, %mul3A_84 : i32
          %get3A = arith.index_cast %add3A_86 : i32 to index
          %get3A_87 = tpu.vector_load %arg11[%get3A] {strides = array<i32>} : memref<80xi32, #tpu.memory_space<vmem>>, vector<16xi32>,
          tpu.vector_store_idx %arg16[%get3A_87], %broadcast_in_dim3A_19 {add = true} : memref<10240xf32, #tpu.memory_space<vmem>>[vector<16xi32>], vector<16xf32>,
        }
        %scan3A_72 = arith.constant 5 : i32
        %dma_wait3A = arith.constant 0 : i32
        %dma_wait3A_73 = arith.constant 0 : i32
        %dma_wait3A_74 = tpu.memref_slice %arg2[%dma_wait3A, %dma_wait3A_73] : memref<10000x128xf32, #tpu.memory_space<hbm>> -> memref<10000x128xf32, #tpu.memory_space<hbm>>
        tpu.wait_indirect_dma semaphore(%arg19 : memref<!tpu.dma_semaphore, #tpu.memory_space<semaphore_mem>>) src(%dma_wait3A_74 : memref<10000x128xf32, #tpu.memory_space<hbm>>) dst(%arg13 : memref<80x128xf32, #tpu.memory_space<vmem>>)
        "tpu.region"() ({
          %run_scoped3A = tpu.sem_alloc : memref<!tpu.dma_semaphore, #tpu.memory_space<semaphore_mem>>
          %dma_start3A_82 = arith.constant 0 : i32
          %dma_start3A_83 = arith.constant 0 : i32
          %dma_start3A_84 = tpu.memref_slice %arg7[%dma_start3A_82, %dma_start3A_83] : memref<10240x128xf32, #tpu.memory_space<vmem_shared>> -> memref<10240x128xf32, #tpu.memory_space<vmem_shared>>
          tpu.enqueue_indirect_dma source(%arg13 : memref<80x128xf32, #tpu.memory_space<vmem>>) target(%dma_start3A_84 : memref<10240x128xf32, #tpu.memory_space<vmem_shared>>) offsets(%arg11 : memref<80xi32, #tpu.memory_space<vmem>>) semaphore(%run_scoped3A : memref<!tpu.dma_semaphore, #tpu.memory_space<semaphore_mem>>) {add = true}
          %dma_wait3A_85 = arith.constant 0 : i32
          %dma_wait3A_86 = arith.constant 0 : i32
          %dma_wait3A_87 = tpu.memref_slice %arg7[%dma_wait3A_85, %dma_wait3A_86] : memref<10240x128xf32, #tpu.memory_space<vmem_shared>> -> memref<10240x128xf32, #tpu.memory_space<vmem_shared>>
          tpu.wait_indirect_dma semaphore(%run_scoped3A : memref<!tpu.dma_semaphore, #tpu.memory_space<semaphore_mem>>) src(%arg13 : memref<80x128xf32, #tpu.memory_space<vmem>>) dst(%dma_wait3A_87 : memref<10240x128xf32, #tpu.memory_space<vmem_shared>>)
          tpu.yield
        }) : () -> ()
        %add3A_75 = arith.constant 2 : i32
        %add3A_76 = arith.addi %add3A_56, %add3A_75 : i32
        %lt3A_77 = arith.constant 125 : i32
        %lt3A_78 = arith.cmpi slt, %add3A_76, %lt3A_77 : i32
        %convert_element_type3A_79 = arith.extui %lt3A_78 : i1 to i32
        %cond3A_80 = arith.constant 0 : i32
        %cond3A_81 = arith.cmpi ne, %convert_element_type3A_79, %cond3A_80 : i32
        scf.if %cond3A_81 {
          %add3A_82 = arith.constant 2 : i32
          %add3A_83 = arith.addi %add3A_56, %add3A_82 : i32
          %mul3A_84 = arith.constant 80 : i32
          %mul3A_85 = arith.muli %add3A_83, %mul3A_84 : i32
          %add3A_86 = arith.addi %add3A, %mul3A_85 : i32
          "tpu.region"() ({
            %run_scoped3A = tpu.sem_alloc : memref<!tpu.dma_semaphore, #tpu.memory_space<semaphore_mem>>
            %dma_start3A_90 = tpu.memref_slice %arg3[%add3A_86] : memref<320000xi32, #tpu.memory_space<hbm>> -> memref<80xi32, #tpu.memory_space<hbm>>
            %dma_start3A_91 = tpu.memref_slice %arg3[%add3A_86] : memref<320000xi32, #tpu.memory_space<hbm>> -> memref<80xi32, #tpu.memory_space<hbm>>
            tpu.enqueue_dma source(%dma_start3A_91 : memref<80xi32, #tpu.memory_space<hbm>>) target(%arg9 : memref<80xi32, #tpu.memory_space<vmem>>) target_semaphore(%run_scoped3A : memref<!tpu.dma_semaphore, #tpu.memory_space<semaphore_mem>>)
            %dma_wait3A_92 = tpu.memref_slice %arg3[%add3A_86] : memref<320000xi32, #tpu.memory_space<hbm>> -> memref<80xi32, #tpu.memory_space<hbm>>
            %dma_wait3A_93 = tpu.memref_slice %arg3[%add3A_86] : memref<320000xi32, #tpu.memory_space<hbm>> -> memref<80xi32, #tpu.memory_space<hbm>>
            tpu.wait_dma2 semaphore(%run_scoped3A : memref<!tpu.dma_semaphore, #tpu.memory_space<semaphore_mem>>) src(%dma_wait3A_93 : memref<80xi32, #tpu.memory_space<hbm>>) dst(%arg9 : memref<80xi32, #tpu.memory_space<vmem>>)
            tpu.yield
          }) : () -> ()
          "tpu.region"() ({
            %run_scoped3A = tpu.sem_alloc : memref<!tpu.dma_semaphore, #tpu.memory_space<semaphore_mem>>
            %dma_start3A_90 = tpu.memref_slice %arg4[%add3A_86] : memref<320000xi32, #tpu.memory_space<hbm>> -> memref<80xi32, #tpu.memory_space<hbm>>
            %dma_start3A_91 = tpu.memref_slice %arg4[%add3A_86] : memref<320000xi32, #tpu.memory_space<hbm>> -> memref<80xi32, #tpu.memory_space<hbm>>
            tpu.enqueue_dma source(%dma_start3A_91 : memref<80xi32, #tpu.memory_space<hbm>>) target(%arg11 : memref<80xi32, #tpu.memory_space<vmem>>) target_semaphore(%run_scoped3A : memref<!tpu.dma_semaphore, #tpu.memory_space<semaphore_mem>>)
            %dma_wait3A_92 = tpu.memref_slice %arg4[%add3A_86] : memref<320000xi32, #tpu.memory_space<hbm>> -> memref<80xi32, #tpu.memory_space<hbm>>
            %dma_wait3A_93 = tpu.memref_slice %arg4[%add3A_86] : memref<320000xi32, #tpu.memory_space<hbm>> -> memref<80xi32, #tpu.memory_space<hbm>>
            tpu.wait_dma2 semaphore(%run_scoped3A : memref<!tpu.dma_semaphore, #tpu.memory_space<semaphore_mem>>) src(%dma_wait3A_93 : memref<80xi32, #tpu.memory_space<hbm>>) dst(%arg11 : memref<80xi32, #tpu.memory_space<vmem>>)
            tpu.yield
          }) : () -> ()
          %dma_start3A_87 = arith.constant 0 : i32
          %dma_start3A_88 = arith.constant 0 : i32
          %dma_start3A_89 = tpu.memref_slice %arg2[%dma_start3A_87, %dma_start3A_88] : memref<10000x128xf32, #tpu.memory_space<hbm>> -> memref<10000x128xf32, #tpu.memory_space<hbm>>
          tpu.enqueue_indirect_dma source(%dma_start3A_89 : memref<10000x128xf32, #tpu.memory_space<hbm>>) target(%arg13 : memref<80x128xf32, #tpu.memory_space<vmem>>) offsets(%arg9 : memref<80xi32, #tpu.memory_space<vmem>>) semaphore(%arg19 : memref<!tpu.dma_semaphore, #tpu.memory_space<semaphore_mem>>)
        } else {
        }
      } else {
      }
      %mul3A_59 = arith.constant 2 : i32
      %mul3A_60 = arith.muli %add3A_52, %mul3A_59 : i32
      %add3A_61 = arith.constant 1 : i32
      %add3A_62 = arith.addi %mul3A_60, %add3A_61 : i32
      %lt3A_63 = arith.constant 125 : i32
      %lt3A_64 = arith.cmpi slt, %add3A_62, %lt3A_63 : i32
      %convert_element_type3A_65 = arith.extui %lt3A_64 : i1 to i32
      %cond3A_66 = arith.constant 0 : i32
      %cond3A_67 = arith.cmpi ne, %convert_element_type3A_65, %cond3A_66 : i32
      scf.if %cond3A_67 {
        %scan3A_68 = arith.constant 0 : i32
        %scan3A_69 = arith.constant 5 : i32
        %scan3A_70 = arith.addi %scan3A_68, %scan3A_69 : i32
        %scan3A_71 = arith.constant 1 : i32
        scf.for %scan3A_82 = %scan3A_68 to %scan3A_70 step %scan3A_71  : i32 {
          %mul3A_83 = arith.constant 16 : i32
          %mul3A_84 = arith.muli %scan3A_82, %mul3A_83 : i32
          %add3A_85 = arith.constant 0 : i32
          %add3A_86 = arith.addi %add3A_85, %mul3A_84 : i32
          %get3A = arith.index_cast %add3A_86 : i32 to index
          %get3A_87 = tpu.vector_load %arg12[%get3A] {strides = array<i32>} : memref<80xi32, #tpu.memory_space<vmem>>, vector<16xi32>,
          tpu.vector_store_idx %arg16[%get3A_87], %broadcast_in_dim3A_19 {add = true} : memref<10240xf32, #tpu.memory_space<vmem>>[vector<16xi32>], vector<16xf32>,
        }
        %scan3A_72 = arith.constant 5 : i32
        %dma_wait3A = arith.constant 0 : i32
        %dma_wait3A_73 = arith.constant 0 : i32
        %dma_wait3A_74 = tpu.memref_slice %arg2[%dma_wait3A, %dma_wait3A_73] : memref<10000x128xf32, #tpu.memory_space<hbm>> -> memref<10000x128xf32, #tpu.memory_space<hbm>>
        tpu.wait_indirect_dma semaphore(%arg20 : memref<!tpu.dma_semaphore, #tpu.memory_space<semaphore_mem>>) src(%dma_wait3A_74 : memref<10000x128xf32, #tpu.memory_space<hbm>>) dst(%arg14 : memref<80x128xf32, #tpu.memory_space<vmem>>)
        "tpu.region"() ({
          %run_scoped3A = tpu.sem_alloc : memref<!tpu.dma_semaphore, #tpu.memory_space<semaphore_mem>>
          %dma_start3A_82 = arith.constant 0 : i32
          %dma_start3A_83 = arith.constant 0 : i32
          %dma_start3A_84 = tpu.memref_slice %arg7[%dma_start3A_82, %dma_start3A_83] : memref<10240x128xf32, #tpu.memory_space<vmem_shared>> -> memref<10240x128xf32, #tpu.memory_space<vmem_shared>>
          tpu.enqueue_indirect_dma source(%arg14 : memref<80x128xf32, #tpu.memory_space<vmem>>) target(%dma_start3A_84 : memref<10240x128xf32, #tpu.memory_space<vmem_shared>>) offsets(%arg12 : memref<80xi32, #tpu.memory_space<vmem>>) semaphore(%run_scoped3A : memref<!tpu.dma_semaphore, #tpu.memory_space<semaphore_mem>>) {add = true}
          %dma_wait3A_85 = arith.constant 0 : i32
          %dma_wait3A_86 = arith.constant 0 : i32
          %dma_wait3A_87 = tpu.memref_slice %arg7[%dma_wait3A_85, %dma_wait3A_86] : memref<10240x128xf32, #tpu.memory_space<vmem_shared>> -> memref<10240x128xf32, #tpu.memory_space<vmem_shared>>
          tpu.wait_indirect_dma semaphore(%run_scoped3A : memref<!tpu.dma_semaphore, #tpu.memory_space<semaphore_mem>>) src(%arg14 : memref<80x128xf32, #tpu.memory_space<vmem>>) dst(%dma_wait3A_87 : memref<10240x128xf32, #tpu.memory_space<vmem_shared>>)
          tpu.yield
        }) : () -> ()
        %add3A_75 = arith.constant 2 : i32
        %add3A_76 = arith.addi %add3A_62, %add3A_75 : i32
        %lt3A_77 = arith.constant 125 : i32
        %lt3A_78 = arith.cmpi slt, %add3A_76, %lt3A_77 : i32
        %convert_element_type3A_79 = arith.extui %lt3A_78 : i1 to i32
        %cond3A_80 = arith.constant 0 : i32
        %cond3A_81 = arith.cmpi ne, %convert_element_type3A_79, %cond3A_80 : i32
        scf.if %cond3A_81 {
          %add3A_82 = arith.constant 2 : i32
          %add3A_83 = arith.addi %add3A_62, %add3A_82 : i32
          %mul3A_84 = arith.constant 80 : i32
          %mul3A_85 = arith.muli %add3A_83, %mul3A_84 : i32
          %add3A_86 = arith.addi %add3A, %mul3A_85 : i32
          "tpu.region"() ({
            %run_scoped3A = tpu.sem_alloc : memref<!tpu.dma_semaphore, #tpu.memory_space<semaphore_mem>>
            %dma_start3A_90 = tpu.memref_slice %arg3[%add3A_86] : memref<320000xi32, #tpu.memory_space<hbm>> -> memref<80xi32, #tpu.memory_space<hbm>>
            %dma_start3A_91 = tpu.memref_slice %arg3[%add3A_86] : memref<320000xi32, #tpu.memory_space<hbm>> -> memref<80xi32, #tpu.memory_space<hbm>>
            tpu.enqueue_dma source(%dma_start3A_91 : memref<80xi32, #tpu.memory_space<hbm>>) target(%arg10 : memref<80xi32, #tpu.memory_space<vmem>>) target_semaphore(%run_scoped3A : memref<!tpu.dma_semaphore, #tpu.memory_space<semaphore_mem>>)
            %dma_wait3A_92 = tpu.memref_slice %arg3[%add3A_86] : memref<320000xi32, #tpu.memory_space<hbm>> -> memref<80xi32, #tpu.memory_space<hbm>>
            %dma_wait3A_93 = tpu.memref_slice %arg3[%add3A_86] : memref<320000xi32, #tpu.memory_space<hbm>> -> memref<80xi32, #tpu.memory_space<hbm>>
            tpu.wait_dma2 semaphore(%run_scoped3A : memref<!tpu.dma_semaphore, #tpu.memory_space<semaphore_mem>>) src(%dma_wait3A_93 : memref<80xi32, #tpu.memory_space<hbm>>) dst(%arg10 : memref<80xi32, #tpu.memory_space<vmem>>)
            tpu.yield
          }) : () -> ()
          "tpu.region"() ({
            %run_scoped3A = tpu.sem_alloc : memref<!tpu.dma_semaphore, #tpu.memory_space<semaphore_mem>>
            %dma_start3A_90 = tpu.memref_slice %arg4[%add3A_86] : memref<320000xi32, #tpu.memory_space<hbm>> -> memref<80xi32, #tpu.memory_space<hbm>>
            %dma_start3A_91 = tpu.memref_slice %arg4[%add3A_86] : memref<320000xi32, #tpu.memory_space<hbm>> -> memref<80xi32, #tpu.memory_space<hbm>>
            tpu.enqueue_dma source(%dma_start3A_91 : memref<80xi32, #tpu.memory_space<hbm>>) target(%arg12 : memref<80xi32, #tpu.memory_space<vmem>>) target_semaphore(%run_scoped3A : memref<!tpu.dma_semaphore, #tpu.memory_space<semaphore_mem>>)
            %dma_wait3A_92 = tpu.memref_slice %arg4[%add3A_86] : memref<320000xi32, #tpu.memory_space<hbm>> -> memref<80xi32, #tpu.memory_space<hbm>>
            %dma_wait3A_93 = tpu.memref_slice %arg4[%add3A_86] : memref<320000xi32, #tpu.memory_space<hbm>> -> memref<80xi32, #tpu.memory_space<hbm>>
            tpu.wait_dma2 semaphore(%run_scoped3A : memref<!tpu.dma_semaphore, #tpu.memory_space<semaphore_mem>>) src(%dma_wait3A_93 : memref<80xi32, #tpu.memory_space<hbm>>) dst(%arg12 : memref<80xi32, #tpu.memory_space<vmem>>)
            tpu.yield
          }) : () -> ()
          %dma_start3A_87 = arith.constant 0 : i32
          %dma_start3A_88 = arith.constant 0 : i32
          %dma_start3A_89 = tpu.memref_slice %arg2[%dma_start3A_87, %dma_start3A_88] : memref<10000x128xf32, #tpu.memory_space<hbm>> -> memref<10000x128xf32, #tpu.memory_space<hbm>>
          tpu.enqueue_indirect_dma source(%dma_start3A_89 : memref<10000x128xf32, #tpu.memory_space<hbm>>) target(%arg14 : memref<80x128xf32, #tpu.memory_space<vmem>>) offsets(%arg10 : memref<80xi32, #tpu.memory_space<vmem>>) semaphore(%arg20 : memref<!tpu.dma_semaphore, #tpu.memory_space<semaphore_mem>>)
        } else {
        }
      } else {
      }
    }
    %scan3A_33 = arith.constant 63 : i32
    "tpu.region"() ({
      %run_scoped3A = tpu.sem_alloc : memref<!tpu.dma_semaphore, #tpu.memory_space<semaphore_mem>>
      %dma_start3A_48 = arith.constant 0 : i32
      %dma_start3A_49 = tpu.memref_slice %arg8[%arg1, %dma_start3A_48] : memref<16x10240xf32, #tpu.memory_space<vmem_shared>> -> memref<1x10240xf32, #tpu.memory_space<vmem_shared>>
      %dma_start3A_50 = tpu.memref_squeeze %dma_start3A_49 : memref<1x10240xf32, #tpu.memory_space<vmem_shared>> -> memref<10240xf32, #tpu.memory_space<vmem_shared>>
      %dma_start3A_51 = arith.constant 0 : i32
      %dma_start3A_52 = tpu.memref_slice %arg8[%arg1, %dma_start3A_51] : memref<16x10240xf32, #tpu.memory_space<vmem_shared>> -> memref<1x10240xf32, #tpu.memory_space<vmem_shared>>
      %dma_start3A_53 = tpu.memref_squeeze %dma_start3A_52 : memref<1x10240xf32, #tpu.memory_space<vmem_shared>> -> memref<10240xf32, #tpu.memory_space<vmem_shared>>
      tpu.enqueue_dma source(%arg16 : memref<10240xf32, #tpu.memory_space<vmem>>) target(%dma_start3A_53 : memref<10240xf32, #tpu.memory_space<vmem_shared>>) target_semaphore(%run_scoped3A : memref<!tpu.dma_semaphore, #tpu.memory_space<semaphore_mem>>)
      %dma_wait3A = arith.constant 0 : i32
      %dma_wait3A_54 = tpu.memref_slice %arg8[%arg1, %dma_wait3A] : memref<16x10240xf32, #tpu.memory_space<vmem_shared>> -> memref<1x10240xf32, #tpu.memory_space<vmem_shared>>
      %dma_wait3A_55 = tpu.memref_squeeze %dma_wait3A_54 : memref<1x10240xf32, #tpu.memory_space<vmem_shared>> -> memref<10240xf32, #tpu.memory_space<vmem_shared>>
      %dma_wait3A_56 = arith.constant 0 : i32
      %dma_wait3A_57 = tpu.memref_slice %arg8[%arg1, %dma_wait3A_56] : memref<16x10240xf32, #tpu.memory_space<vmem_shared>> -> memref<1x10240xf32, #tpu.memory_space<vmem_shared>>
      %dma_wait3A_58 = tpu.memref_squeeze %dma_wait3A_57 : memref<1x10240xf32, #tpu.memory_space<vmem_shared>> -> memref<10240xf32, #tpu.memory_space<vmem_shared>>
      tpu.wait_dma2 semaphore(%run_scoped3A : memref<!tpu.dma_semaphore, #tpu.memory_space<semaphore_mem>>) src(%arg16 : memref<10240xf32, #tpu.memory_space<vmem>>) dst(%dma_wait3A_58 : memref<10240xf32, #tpu.memory_space<vmem_shared>>)
      tpu.yield
    }) : () -> ()
    %barrier3A_34 = arith.constant 0 : index
    tpu.barrier barrier_id(%barrier3A_34)
    %scan3A_35 = arith.constant 0 : i32
    %scan3A_36 = arith.constant 40 : i32
    %scan3A_37 = arith.addi %scan3A_35, %scan3A_36 : i32
    %scan3A_38 = arith.constant 1 : i32
    scf.for %scan3A_48 = %scan3A_35 to %scan3A_37 step %scan3A_38  : i32 {
      %mul3A_49 = arith.constant 16 : i32
      %mul3A_50 = arith.muli %scan3A_48, %mul3A_49 : i32
      %add3A_51 = arith.constant 0 : i32
      %add3A_52 = arith.addi %add3A_51, %mul3A_50 : i32
      %broadcast_in_dim3A_53 = arith.constant 0.000000e+00 : f32
      %broadcast_in_dim3A_54 = vector.broadcast %broadcast_in_dim3A_53 : f32 to vector<16xf32>
      %swap3A = arith.index_cast %add3A_52 : i32 to index
      %swap3A_55 = tpu.vector_load %arg17[%swap3A] {strides = array<i32>} : memref<640xf32, #tpu.memory_space<vmem>>, vector<16xf32>,
      tpu.vector_store %arg17[%swap3A], %broadcast_in_dim3A_54 {strides = array<i32>} : memref<640xf32, #tpu.memory_space<vmem>>, vector<16xf32>,
    }
    %scan3A_39 = arith.constant 40 : i32
    %scan3A_40 = arith.constant 0 : i32
    %scan3A_41 = arith.constant 16 : i32
    %scan3A_42 = arith.addi %scan3A_40, %scan3A_41 : i32
    %scan3A_43 = arith.constant 1 : i32
    scf.for %scan3A_48 = %scan3A_40 to %scan3A_42 step %scan3A_43  : i32 {
      %mul3A_49 = arith.constant 1 : i32
      %mul3A_50 = arith.muli %scan3A_48, %mul3A_49 : i32
      %add3A_51 = arith.constant 0 : i32
      %add3A_52 = arith.addi %add3A_51, %mul3A_50 : i32
      "tpu.region"() ({
        %run_scoped3A = tpu.sem_alloc : memref<!tpu.dma_semaphore, #tpu.memory_space<semaphore_mem>>
        %dma_start3A_58 = arith.constant 0 : i32
        %dma_start3A_59 = tpu.memref_slice %arg8[%add3A_52, %dma_start3A_58] : memref<16x10240xf32, #tpu.memory_space<vmem_shared>> -> memref<1x10240xf32, #tpu.memory_space<vmem_shared>>
        %dma_start3A_60 = tpu.memref_squeeze %dma_start3A_59 : memref<1x10240xf32, #tpu.memory_space<vmem_shared>> -> memref<10240xf32, #tpu.memory_space<vmem_shared>>
        %dma_start3A_61 = tpu.memref_slice %dma_start3A_60[%mul3A_0] : memref<10240xf32, #tpu.memory_space<vmem_shared>> -> memref<640xf32, #tpu.memory_space<vmem_shared>>
        %dma_start3A_62 = arith.constant 0 : i32
        %dma_start3A_63 = tpu.memref_slice %arg8[%add3A_52, %dma_start3A_62] : memref<16x10240xf32, #tpu.memory_space<vmem_shared>> -> memref<1x10240xf32, #tpu.memory_space<vmem_shared>>
        %dma_start3A_64 = tpu.memref_squeeze %dma_start3A_63 : memref<1x10240xf32, #tpu.memory_space<vmem_shared>> -> memref<10240xf32, #tpu.memory_space<vmem_shared>>
        %dma_start3A_65 = tpu.memref_slice %dma_start3A_64[%mul3A_0] : memref<10240xf32, #tpu.memory_space<vmem_shared>> -> memref<640xf32, #tpu.memory_space<vmem_shared>>
        tpu.enqueue_dma source(%dma_start3A_65 : memref<640xf32, #tpu.memory_space<vmem_shared>>) target(%arg18 : memref<640xf32, #tpu.memory_space<vmem>>) target_semaphore(%run_scoped3A : memref<!tpu.dma_semaphore, #tpu.memory_space<semaphore_mem>>)
        %dma_wait3A = arith.constant 0 : i32
        %dma_wait3A_66 = tpu.memref_slice %arg8[%add3A_52, %dma_wait3A] : memref<16x10240xf32, #tpu.memory_space<vmem_shared>> -> memref<1x10240xf32, #tpu.memory_space<vmem_shared>>
        %dma_wait3A_67 = tpu.memref_squeeze %dma_wait3A_66 : memref<1x10240xf32, #tpu.memory_space<vmem_shared>> -> memref<10240xf32, #tpu.memory_space<vmem_shared>>
        %dma_wait3A_68 = tpu.memref_slice %dma_wait3A_67[%mul3A_0] : memref<10240xf32, #tpu.memory_space<vmem_shared>> -> memref<640xf32, #tpu.memory_space<vmem_shared>>
        %dma_wait3A_69 = arith.constant 0 : i32
        %dma_wait3A_70 = tpu.memref_slice %arg8[%add3A_52, %dma_wait3A_69] : memref<16x10240xf32, #tpu.memory_space<vmem_shared>> -> memref<1x10240xf32, #tpu.memory_space<vmem_shared>>
        %dma_wait3A_71 = tpu.memref_squeeze %dma_wait3A_70 : memref<1x10240xf32, #tpu.memory_space<vmem_shared>> -> memref<10240xf32, #tpu.memory_space<vmem_shared>>
        %dma_wait3A_72 = tpu.memref_slice %dma_wait3A_71[%mul3A_0] : memref<10240xf32, #tpu.memory_space<vmem_shared>> -> memref<640xf32, #tpu.memory_space<vmem_shared>>
        tpu.wait_dma2 semaphore(%run_scoped3A : memref<!tpu.dma_semaphore, #tpu.memory_space<semaphore_mem>>) src(%dma_wait3A_72 : memref<640xf32, #tpu.memory_space<vmem_shared>>) dst(%arg18 : memref<640xf32, #tpu.memory_space<vmem>>)
        tpu.yield
      }) : () -> ()
      %scan3A_53 = arith.constant 0 : i32
      %scan3A_54 = arith.constant 40 : i32
      %scan3A_55 = arith.addi %scan3A_53, %scan3A_54 : i32
      %scan3A_56 = arith.constant 1 : i32
      scf.for %scan3A_58 = %scan3A_53 to %scan3A_55 step %scan3A_56  : i32 {
        %mul3A_59 = arith.constant 16 : i32
        %mul3A_60 = arith.muli %scan3A_58, %mul3A_59 : i32
        %add3A_61 = arith.constant 0 : i32
        %add3A_62 = arith.addi %add3A_61, %mul3A_60 : i32
        %get3A = arith.index_cast %add3A_62 : i32 to index
        %get3A_63 = tpu.vector_load %arg17[%get3A] {strides = array<i32>} : memref<640xf32, #tpu.memory_space<vmem>>, vector<16xf32>,
        %get3A_64 = arith.index_cast %add3A_62 : i32 to index
        %get3A_65 = tpu.vector_load %arg18[%get3A_64] {strides = array<i32>} : memref<640xf32, #tpu.memory_space<vmem>>, vector<16xf32>,
        %add3A_66 = arith.addf %get3A_63, %get3A_65 : vector<16xf32>
        %swap3A = arith.index_cast %add3A_62 : i32 to index
        %swap3A_67 = tpu.vector_load %arg17[%swap3A] {strides = array<i32>} : memref<640xf32, #tpu.memory_space<vmem>>, vector<16xf32>,
        tpu.vector_store %arg17[%swap3A], %add3A_66 {strides = array<i32>} : memref<640xf32, #tpu.memory_space<vmem>>, vector<16xf32>,
      }
      %scan3A_57 = arith.constant 40 : i32
    }
    %scan3A_44 = arith.constant 16 : i32
    %mul3A_45 = arith.constant 10240 : i32
    %mul3A_46 = arith.muli %arg0, %mul3A_45 : i32
    %add3A_47 = arith.addi %mul3A_46, %mul3A_0 : i32
    "tpu.region"() ({
      %run_scoped3A = tpu.sem_alloc : memref<!tpu.dma_semaphore, #tpu.memory_space<semaphore_mem>>
      %dma_start3A_48 = tpu.memref_slice %arg6[%add3A_47] : memref<20480xf32, #tpu.memory_space<hbm>> -> memref<640xf32, #tpu.memory_space<hbm>>
      %dma_start3A_49 = tpu.memref_slice %arg6[%add3A_47] : memref<20480xf32, #tpu.memory_space<hbm>> -> memref<640xf32, #tpu.memory_space<hbm>>
      tpu.enqueue_dma source(%arg17 : memref<640xf32, #tpu.memory_space<vmem>>) target(%dma_start3A_49 : memref<640xf32, #tpu.memory_space<hbm>>) target_semaphore(%run_scoped3A : memref<!tpu.dma_semaphore, #tpu.memory_space<semaphore_mem>>)
      %dma_wait3A = tpu.memref_slice %arg6[%add3A_47] : memref<20480xf32, #tpu.memory_space<hbm>> -> memref<640xf32, #tpu.memory_space<hbm>>
      %dma_wait3A_50 = tpu.memref_slice %arg6[%add3A_47] : memref<20480xf32, #tpu.memory_space<hbm>> -> memref<640xf32, #tpu.memory_space<hbm>>
      tpu.wait_dma2 semaphore(%run_scoped3A : memref<!tpu.dma_semaphore, #tpu.memory_space<semaphore_mem>>) src(%arg17 : memref<640xf32, #tpu.memory_space<vmem>>) dst(%dma_wait3A_50 : memref<640xf32, #tpu.memory_space<hbm>>)
      tpu.yield
    }) : () -> ()
    "tpu.region"() ({
      %run_scoped3A = tpu.sem_alloc : memref<!tpu.dma_semaphore, #tpu.memory_space<semaphore_mem>>
      %dma_start3A_48 = arith.constant 0 : i32
      %dma_start3A_49 = arith.constant 0 : i32
      %dma_start3A_50 = tpu.memref_slice %arg5[%arg0, %dma_start3A_48, %dma_start3A_49] : memref<2x10240x128xf32, #tpu.memory_space<hbm>> -> memref<1x10240x128xf32, #tpu.memory_space<hbm>>
      %dma_start3A_51 = tpu.memref_squeeze %dma_start3A_50 : memref<1x10240x128xf32, #tpu.memory_space<hbm>> -> memref<10240x128xf32, #tpu.memory_space<hbm>>
      %dma_start3A_52 = arith.constant 0 : i32
      %dma_start3A_53 = tpu.memref_slice %dma_start3A_51[%mul3A_0, %dma_start3A_52] : memref<10240x128xf32, #tpu.memory_space<hbm>> -> memref<640x128xf32, #tpu.memory_space<hbm>>
      %dma_start3A_54 = arith.constant 0 : i32
      %dma_start3A_55 = tpu.memref_slice %arg7[%mul3A_0, %dma_start3A_54] : memref<10240x128xf32, #tpu.memory_space<vmem_shared>> -> memref<640x128xf32, #tpu.memory_space<vmem_shared>>
      tpu.enqueue_dma source(%dma_start3A_55 : memref<640x128xf32, #tpu.memory_space<vmem_shared>>) target(%dma_start3A_53 : memref<640x128xf32, #tpu.memory_space<hbm>>) target_semaphore(%run_scoped3A : memref<!tpu.dma_semaphore, #tpu.memory_space<semaphore_mem>>)
      %dma_wait3A = arith.constant 0 : i32
      %dma_wait3A_56 = arith.constant 0 : i32
      %dma_wait3A_57 = tpu.memref_slice %arg5[%arg0, %dma_wait3A, %dma_wait3A_56] : memref<2x10240x128xf32, #tpu.memory_space<hbm>> -> memref<1x10240x128xf32, #tpu.memory_space<hbm>>
      %dma_wait3A_58 = tpu.memref_squeeze %dma_wait3A_57 : memref<1x10240x128xf32, #tpu.memory_space<hbm>> -> memref<10240x128xf32, #tpu.memory_space<hbm>>
      %dma_wait3A_59 = arith.constant 0 : i32
      %dma_wait3A_60 = tpu.memref_slice %dma_wait3A_58[%mul3A_0, %dma_wait3A_59] : memref<10240x128xf32, #tpu.memory_space<hbm>> -> memref<640x128xf32, #tpu.memory_space<hbm>>
      %dma_wait3A_61 = arith.constant 0 : i32
      %dma_wait3A_62 = tpu.memref_slice %arg7[%mul3A_0, %dma_wait3A_61] : memref<10240x128xf32, #tpu.memory_space<vmem_shared>> -> memref<640x128xf32, #tpu.memory_space<vmem_shared>>
      tpu.wait_dma2 semaphore(%run_scoped3A : memref<!tpu.dma_semaphore, #tpu.memory_space<semaphore_mem>>) src(%dma_wait3A_62 : memref<640x128xf32, #tpu.memory_space<vmem_shared>>) dst(%dma_wait3A_60 : memref<640x128xf32, #tpu.memory_space<hbm>>)
      tpu.yield
    }) : () -> ()
    return
  }
}

#map = affine_map<(d0, d1) -> (0, 0)>
#map1 = affine_map<(d0, d1) -> (0)>
#map2 = affine_map<(d0, d1) -> (0, 0, 0)>
module attributes {stable_mosaic.version = 14 : i64} {
  func.func @_sc_agg_body(%arg0: i32, %arg1: i32, %arg2: memref<10000x128xf32, #tpu.memory_space<hbm>>, %arg3: memref<320000xi32, #tpu.memory_space<hbm>>, %arg4: memref<320000xi32, #tpu.memory_space<hbm>>, %arg5: memref<2x10240x128xf32, #tpu.memory_space<hbm>>, %arg6: memref<20480xf32, #tpu.memory_space<hbm>>, %arg7: memref<10240x128xf32, #tpu.memory_space<vmem_shared>>, %arg8: memref<16x10240xf32, #tpu.memory_space<vmem_shared>>, %arg9: memref<80xi32, #tpu.memory_space<vmem>>, %arg10: memref<80xi32, #tpu.memory_space<vmem>>, %arg11: memref<80xi32, #tpu.memory_space<vmem>>, %arg12: memref<80xi32, #tpu.memory_space<vmem>>, %arg13: memref<80x128xf32, #tpu.memory_space<vmem>>, %arg14: memref<80x128xf32, #tpu.memory_space<vmem>>, %arg15: memref<32x128xf32, #tpu.memory_space<vmem>>, %arg16: memref<10240xf32, #tpu.memory_space<vmem>>, %arg17: memref<640xf32, #tpu.memory_space<vmem>>, %arg18: memref<640xf32, #tpu.memory_space<vmem>>, %arg19: memref<!tpu.dma_semaphore, #tpu.memory_space<semaphore_mem>>, %arg20: memref<!tpu.dma_semaphore, #tpu.memory_space<semaphore_mem>>) attributes {dimension_semantics = [#tpu.dimension_semantics<core_parallel>, #tpu.dimension_semantics<subcore_parallel>], iteration_bounds = array<i64: 2, 16>, scalar_prefetch = 0 : i64, scratch_operands = 14 : i64, tpu.core_type = #tpu.core_type<sc_vector_subcore>, window_params = [{transform_indices = #map}, {transform_indices = #map1}, {transform_indices = #map1}, {transform_indices = #map2}, {transform_indices = #map1}]} {
    %mul3A = arith.constant 640 : i32
    %mul3A_0 = arith.muli %arg1, %mul3A : i32
    %scan3A = arith.constant 0 : i32
    %scan3A_1 = arith.constant 32 : i32
    %scan3A_2 = arith.addi %scan3A, %scan3A_1 : i32
    %scan3A_3 = arith.constant 1 : i32
    scf.for %scan3A_48 = %scan3A to %scan3A_2 step %scan3A_3  : i32 {
      %mul3A_49 = arith.constant 1 : i32
      %mul3A_50 = arith.muli %scan3A_48, %mul3A_49 : i32
      %add3A_51 = arith.constant 0 : i32
      %add3A_52 = arith.addi %add3A_51, %mul3A_50 : i32
      %scan3A_53 = arith.constant 0 : i32
      %scan3A_54 = arith.constant 8 : i32
      %scan3A_55 = arith.addi %scan3A_53, %scan3A_54 : i32
      %scan3A_56 = arith.constant 1 : i32
      scf.for %scan3A_58 = %scan3A_53 to %scan3A_55 step %scan3A_56  : i32 {
        %mul3A_59 = arith.constant 16 : i32
        %mul3A_60 = arith.muli %scan3A_58, %mul3A_59 : i32
        %add3A_61 = arith.constant 0 : i32
        %add3A_62 = arith.addi %add3A_61, %mul3A_60 : i32
        %broadcast_in_dim3A_63 = arith.constant 0.000000e+00 : f32
        %broadcast_in_dim3A_64 = vector.broadcast %broadcast_in_dim3A_63 : f32 to vector<16xf32>
        %swap3A = arith.index_cast %add3A_52 : i32 to index
        %swap3A_65 = arith.index_cast %add3A_62 : i32 to index
        %swap3A_66 = tpu.vector_load %arg15[%swap3A, %swap3A_65] {strides = array<i32>} : memref<32x128xf32, #tpu.memory_space<vmem>>, vector<16xf32>,
        tpu.vector_store %arg15[%swap3A, %swap3A_65], %broadcast_in_dim3A_64 {strides = array<i32>} : memref<32x128xf32, #tpu.memory_space<vmem>>, vector<16xf32>,
      }
      %scan3A_57 = arith.constant 8 : i32
    }
    %scan3A_4 = arith.constant 32 : i32
    %scan3A_5 = arith.constant 0 : i32
    %scan3A_6 = arith.constant 20 : i32
    %scan3A_7 = arith.addi %scan3A_5, %scan3A_6 : i32
    %scan3A_8 = arith.constant 1 : i32
    scf.for %scan3A_48 = %scan3A_5 to %scan3A_7 step %scan3A_8  : i32 {
      %mul3A_49 = arith.constant 1 : i32
      %mul3A_50 = arith.muli %scan3A_48, %mul3A_49 : i32
      %add3A_51 = arith.constant 0 : i32
      %add3A_52 = arith.addi %add3A_51, %mul3A_50 : i32
      %mul3A_53 = arith.constant 32 : i32
      %mul3A_54 = arith.muli %add3A_52, %mul3A_53 : i32
      %add3A_55 = arith.addi %mul3A_0, %mul3A_54 : i32
      "tpu.region"() ({
        %run_scoped3A = tpu.sem_alloc : memref<!tpu.dma_semaphore, #tpu.memory_space<semaphore_mem>>
        %dma_start3A_56 = arith.constant 0 : i32
        %dma_start3A_57 = tpu.memref_slice %arg7[%add3A_55, %dma_start3A_56] : memref<10240x128xf32, #tpu.memory_space<vmem_shared>> -> memref<32x128xf32, #tpu.memory_space<vmem_shared>>
        %dma_start3A_58 = arith.constant 0 : i32
        %dma_start3A_59 = tpu.memref_slice %arg7[%add3A_55, %dma_start3A_58] : memref<10240x128xf32, #tpu.memory_space<vmem_shared>> -> memref<32x128xf32, #tpu.memory_space<vmem_shared>>
        tpu.enqueue_dma source(%arg15 : memref<32x128xf32, #tpu.memory_space<vmem>>) target(%dma_start3A_59 : memref<32x128xf32, #tpu.memory_space<vmem_shared>>) target_semaphore(%run_scoped3A : memref<!tpu.dma_semaphore, #tpu.memory_space<semaphore_mem>>)
        %dma_wait3A = arith.constant 0 : i32
        %dma_wait3A_60 = tpu.memref_slice %arg7[%add3A_55, %dma_wait3A] : memref<10240x128xf32, #tpu.memory_space<vmem_shared>> -> memref<32x128xf32, #tpu.memory_space<vmem_shared>>
        %dma_wait3A_61 = arith.constant 0 : i32
        %dma_wait3A_62 = tpu.memref_slice %arg7[%add3A_55, %dma_wait3A_61] : memref<10240x128xf32, #tpu.memory_space<vmem_shared>> -> memref<32x128xf32, #tpu.memory_space<vmem_shared>>
        tpu.wait_dma2 semaphore(%run_scoped3A : memref<!tpu.dma_semaphore, #tpu.memory_space<semaphore_mem>>) src(%arg15 : memref<32x128xf32, #tpu.memory_space<vmem>>) dst(%dma_wait3A_62 : memref<32x128xf32, #tpu.memory_space<vmem_shared>>)
        tpu.yield
      }) : () -> ()
    }
    %scan3A_9 = arith.constant 20 : i32
    %scan3A_10 = arith.constant 0 : i32
    %scan3A_11 = arith.constant 640 : i32
    %scan3A_12 = arith.addi %scan3A_10, %scan3A_11 : i32
    %scan3A_13 = arith.constant 1 : i32
    scf.for %scan3A_48 = %scan3A_10 to %scan3A_12 step %scan3A_13  : i32 {
      %mul3A_49 = arith.constant 16 : i32
      %mul3A_50 = arith.muli %scan3A_48, %mul3A_49 : i32
      %add3A_51 = arith.constant 0 : i32
      %add3A_52 = arith.addi %add3A_51, %mul3A_50 : i32
      %broadcast_in_dim3A_53 = arith.constant 0.000000e+00 : f32
      %broadcast_in_dim3A_54 = vector.broadcast %broadcast_in_dim3A_53 : f32 to vector<16xf32>
      %swap3A = arith.index_cast %add3A_52 : i32 to index
      %swap3A_55 = tpu.vector_load %arg16[%swap3A] {strides = array<i32>} : memref<10240xf32, #tpu.memory_space<vmem>>, vector<16xf32>,
      tpu.vector_store %arg16[%swap3A], %broadcast_in_dim3A_54 {strides = array<i32>} : memref<10240xf32, #tpu.memory_space<vmem>>, vector<16xf32>,
    }
    %scan3A_14 = arith.constant 640 : i32
    %barrier3A = arith.constant 0 : index
    tpu.barrier barrier_id(%barrier3A)
    %mul3A_15 = arith.constant 160000 : i32
    %mul3A_16 = arith.muli %arg0, %mul3A_15 : i32
    %mul3A_17 = arith.constant 10000 : i32
    %mul3A_18 = arith.muli %arg1, %mul3A_17 : i32
    %add3A = arith.addi %mul3A_16, %mul3A_18 : i32
    %broadcast_in_dim3A = arith.constant 1.000000e+00 : f32
    %broadcast_in_dim3A_19 = vector.broadcast %broadcast_in_dim3A : f32 to vector<16xf32>
    %add3A_20 = arith.constant 0 : i32
    %add3A_21 = arith.addi %add3A, %add3A_20 : i32
    "tpu.region"() ({
      %run_scoped3A = tpu.sem_alloc : memref<!tpu.dma_semaphore, #tpu.memory_space<semaphore_mem>>
      %dma_start3A_48 = tpu.memref_slice %arg3[%add3A_21] : memref<320000xi32, #tpu.memory_space<hbm>> -> memref<80xi32, #tpu.memory_space<hbm>>
      %dma_start3A_49 = tpu.memref_slice %arg3[%add3A_21] : memref<320000xi32, #tpu.memory_space<hbm>> -> memref<80xi32, #tpu.memory_space<hbm>>
      tpu.enqueue_dma source(%dma_start3A_49 : memref<80xi32, #tpu.memory_space<hbm>>) target(%arg9 : memref<80xi32, #tpu.memory_space<vmem>>) target_semaphore(%run_scoped3A : memref<!tpu.dma_semaphore, #tpu.memory_space<semaphore_mem>>)
      %dma_wait3A = tpu.memref_slice %arg3[%add3A_21] : memref<320000xi32, #tpu.memory_space<hbm>> -> memref<80xi32, #tpu.memory_space<hbm>>
      %dma_wait3A_50 = tpu.memref_slice %arg3[%add3A_21] : memref<320000xi32, #tpu.memory_space<hbm>> -> memref<80xi32, #tpu.memory_space<hbm>>
      tpu.wait_dma2 semaphore(%run_scoped3A : memref<!tpu.dma_semaphore, #tpu.memory_space<semaphore_mem>>) src(%dma_wait3A_50 : memref<80xi32, #tpu.memory_space<hbm>>) dst(%arg9 : memref<80xi32, #tpu.memory_space<vmem>>)
      tpu.yield
    }) : () -> ()
    "tpu.region"() ({
      %run_scoped3A = tpu.sem_alloc : memref<!tpu.dma_semaphore, #tpu.memory_space<semaphore_mem>>
      %dma_start3A_48 = tpu.memref_slice %arg4[%add3A_21] : memref<320000xi32, #tpu.memory_space<hbm>> -> memref<80xi32, #tpu.memory_space<hbm>>
      %dma_start3A_49 = tpu.memref_slice %arg4[%add3A_21] : memref<320000xi32, #tpu.memory_space<hbm>> -> memref<80xi32, #tpu.memory_space<hbm>>
      tpu.enqueue_dma source(%dma_start3A_49 : memref<80xi32, #tpu.memory_space<hbm>>) target(%arg11 : memref<80xi32, #tpu.memory_space<vmem>>) target_semaphore(%run_scoped3A : memref<!tpu.dma_semaphore, #tpu.memory_space<semaphore_mem>>)
      %dma_wait3A = tpu.memref_slice %arg4[%add3A_21] : memref<320000xi32, #tpu.memory_space<hbm>> -> memref<80xi32, #tpu.memory_space<hbm>>
      %dma_wait3A_50 = tpu.memref_slice %arg4[%add3A_21] : memref<320000xi32, #tpu.memory_space<hbm>> -> memref<80xi32, #tpu.memory_space<hbm>>
      tpu.wait_dma2 semaphore(%run_scoped3A : memref<!tpu.dma_semaphore, #tpu.memory_space<semaphore_mem>>) src(%dma_wait3A_50 : memref<80xi32, #tpu.memory_space<hbm>>) dst(%arg11 : memref<80xi32, #tpu.memory_space<vmem>>)
      tpu.yield
    }) : () -> ()
    %dma_start3A = arith.constant 0 : i32
    %dma_start3A_22 = arith.constant 0 : i32
    %dma_start3A_23 = tpu.memref_slice %arg2[%dma_start3A, %dma_start3A_22] : memref<10000x128xf32, #tpu.memory_space<hbm>> -> memref<10000x128xf32, #tpu.memory_space<hbm>>
    tpu.enqueue_indirect_dma source(%dma_start3A_23 : memref<10000x128xf32, #tpu.memory_space<hbm>>) target(%arg13 : memref<80x128xf32, #tpu.memory_space<vmem>>) offsets(%arg9 : memref<80xi32, #tpu.memory_space<vmem>>) semaphore(%arg19 : memref<!tpu.dma_semaphore, #tpu.memory_space<semaphore_mem>>)
    %add3A_24 = arith.constant 80 : i32
    %add3A_25 = arith.addi %add3A, %add3A_24 : i32
    "tpu.region"() ({
      %run_scoped3A = tpu.sem_alloc : memref<!tpu.dma_semaphore, #tpu.memory_space<semaphore_mem>>
      %dma_start3A_48 = tpu.memref_slice %arg3[%add3A_25] : memref<320000xi32, #tpu.memory_space<hbm>> -> memref<80xi32, #tpu.memory_space<hbm>>
      %dma_start3A_49 = tpu.memref_slice %arg3[%add3A_25] : memref<320000xi32, #tpu.memory_space<hbm>> -> memref<80xi32, #tpu.memory_space<hbm>>
      tpu.enqueue_dma source(%dma_start3A_49 : memref<80xi32, #tpu.memory_space<hbm>>) target(%arg10 : memref<80xi32, #tpu.memory_space<vmem>>) target_semaphore(%run_scoped3A : memref<!tpu.dma_semaphore, #tpu.memory_space<semaphore_mem>>)
      %dma_wait3A = tpu.memref_slice %arg3[%add3A_25] : memref<320000xi32, #tpu.memory_space<hbm>> -> memref<80xi32, #tpu.memory_space<hbm>>
      %dma_wait3A_50 = tpu.memref_slice %arg3[%add3A_25] : memref<320000xi32, #tpu.memory_space<hbm>> -> memref<80xi32, #tpu.memory_space<hbm>>
      tpu.wait_dma2 semaphore(%run_scoped3A : memref<!tpu.dma_semaphore, #tpu.memory_space<semaphore_mem>>) src(%dma_wait3A_50 : memref<80xi32, #tpu.memory_space<hbm>>) dst(%arg10 : memref<80xi32, #tpu.memory_space<vmem>>)
      tpu.yield
    }) : () -> ()
    "tpu.region"() ({
      %run_scoped3A = tpu.sem_alloc : memref<!tpu.dma_semaphore, #tpu.memory_space<semaphore_mem>>
      %dma_start3A_48 = tpu.memref_slice %arg4[%add3A_25] : memref<320000xi32, #tpu.memory_space<hbm>> -> memref<80xi32, #tpu.memory_space<hbm>>
      %dma_start3A_49 = tpu.memref_slice %arg4[%add3A_25] : memref<320000xi32, #tpu.memory_space<hbm>> -> memref<80xi32, #tpu.memory_space<hbm>>
      tpu.enqueue_dma source(%dma_start3A_49 : memref<80xi32, #tpu.memory_space<hbm>>) target(%arg12 : memref<80xi32, #tpu.memory_space<vmem>>) target_semaphore(%run_scoped3A : memref<!tpu.dma_semaphore, #tpu.memory_space<semaphore_mem>>)
      %dma_wait3A = tpu.memref_slice %arg4[%add3A_25] : memref<320000xi32, #tpu.memory_space<hbm>> -> memref<80xi32, #tpu.memory_space<hbm>>
      %dma_wait3A_50 = tpu.memref_slice %arg4[%add3A_25] : memref<320000xi32, #tpu.memory_space<hbm>> -> memref<80xi32, #tpu.memory_space<hbm>>
      tpu.wait_dma2 semaphore(%run_scoped3A : memref<!tpu.dma_semaphore, #tpu.memory_space<semaphore_mem>>) src(%dma_wait3A_50 : memref<80xi32, #tpu.memory_space<hbm>>) dst(%arg12 : memref<80xi32, #tpu.memory_space<vmem>>)
      tpu.yield
    }) : () -> ()
    %dma_start3A_26 = arith.constant 0 : i32
    %dma_start3A_27 = arith.constant 0 : i32
    %dma_start3A_28 = tpu.memref_slice %arg2[%dma_start3A_26, %dma_start3A_27] : memref<10000x128xf32, #tpu.memory_space<hbm>> -> memref<10000x128xf32, #tpu.memory_space<hbm>>
    tpu.enqueue_indirect_dma source(%dma_start3A_28 : memref<10000x128xf32, #tpu.memory_space<hbm>>) target(%arg14 : memref<80x128xf32, #tpu.memory_space<vmem>>) offsets(%arg10 : memref<80xi32, #tpu.memory_space<vmem>>) semaphore(%arg20 : memref<!tpu.dma_semaphore, #tpu.memory_space<semaphore_mem>>)
    %scan3A_29 = arith.constant 0 : i32
    %scan3A_30 = arith.constant 63 : i32
    %scan3A_31 = arith.addi %scan3A_29, %scan3A_30 : i32
    %scan3A_32 = arith.constant 1 : i32
    scf.for %scan3A_48 = %scan3A_29 to %scan3A_31 step %scan3A_32  : i32 {
      %mul3A_49 = arith.constant 1 : i32
      %mul3A_50 = arith.muli %scan3A_48, %mul3A_49 : i32
      %add3A_51 = arith.constant 0 : i32
      %add3A_52 = arith.addi %add3A_51, %mul3A_50 : i32
      %mul3A_53 = arith.constant 2 : i32
      %mul3A_54 = arith.muli %add3A_52, %mul3A_53 : i32
      %add3A_55 = arith.constant 0 : i32
      %add3A_56 = arith.addi %mul3A_54, %add3A_55 : i32
      %lt3A = arith.constant 125 : i32
      %lt3A_57 = arith.cmpi slt, %add3A_56, %lt3A : i32
      %convert_element_type3A = arith.extui %lt3A_57 : i1 to i32
      %cond3A = arith.constant 0 : i32
      %cond3A_58 = arith.cmpi ne, %convert_element_type3A, %cond3A : i32
      scf.if %cond3A_58 {
        %scan3A_68 = arith.constant 0 : i32
        %scan3A_69 = arith.constant 5 : i32
        %scan3A_70 = arith.addi %scan3A_68, %scan3A_69 : i32
        %scan3A_71 = arith.constant 1 : i32
        scf.for %scan3A_82 = %scan3A_68 to %scan3A_70 step %scan3A_71  : i32 {
          %mul3A_83 = arith.constant 16 : i32
          %mul3A_84 = arith.muli %scan3A_82, %mul3A_83 : i32
          %add3A_85 = arith.constant 0 : i32
          %add3A_86 = arith.addi %add3A_85, %mul3A_84 : i32
          %get3A = arith.index_cast %add3A_86 : i32 to index
          %get3A_87 = tpu.vector_load %arg11[%get3A] {strides = array<i32>} : memref<80xi32, #tpu.memory_space<vmem>>, vector<16xi32>,
          tpu.vector_store_idx %arg16[%get3A_87], %broadcast_in_dim3A_19 {add = true} : memref<10240xf32, #tpu.memory_space<vmem>>[vector<16xi32>], vector<16xf32>,
        }
        %scan3A_72 = arith.constant 5 : i32
        %dma_wait3A = arith.constant 0 : i32
        %dma_wait3A_73 = arith.constant 0 : i32
        %dma_wait3A_74 = tpu.memref_slice %arg2[%dma_wait3A, %dma_wait3A_73] : memref<10000x128xf32, #tpu.memory_space<hbm>> -> memref<10000x128xf32, #tpu.memory_space<hbm>>
        tpu.wait_indirect_dma semaphore(%arg19 : memref<!tpu.dma_semaphore, #tpu.memory_space<semaphore_mem>>) src(%dma_wait3A_74 : memref<10000x128xf32, #tpu.memory_space<hbm>>) dst(%arg13 : memref<80x128xf32, #tpu.memory_space<vmem>>)
        "tpu.region"() ({
          %run_scoped3A = tpu.sem_alloc : memref<!tpu.dma_semaphore, #tpu.memory_space<semaphore_mem>>
          %dma_start3A_82 = arith.constant 0 : i32
          %dma_start3A_83 = arith.constant 0 : i32
          %dma_start3A_84 = tpu.memref_slice %arg7[%dma_start3A_82, %dma_start3A_83] : memref<10240x128xf32, #tpu.memory_space<vmem_shared>> -> memref<10240x128xf32, #tpu.memory_space<vmem_shared>>
          tpu.enqueue_indirect_dma source(%arg13 : memref<80x128xf32, #tpu.memory_space<vmem>>) target(%dma_start3A_84 : memref<10240x128xf32, #tpu.memory_space<vmem_shared>>) offsets(%arg11 : memref<80xi32, #tpu.memory_space<vmem>>) semaphore(%run_scoped3A : memref<!tpu.dma_semaphore, #tpu.memory_space<semaphore_mem>>) {add = true}
          %dma_wait3A_85 = arith.constant 0 : i32
          %dma_wait3A_86 = arith.constant 0 : i32
          %dma_wait3A_87 = tpu.memref_slice %arg7[%dma_wait3A_85, %dma_wait3A_86] : memref<10240x128xf32, #tpu.memory_space<vmem_shared>> -> memref<10240x128xf32, #tpu.memory_space<vmem_shared>>
          tpu.wait_indirect_dma semaphore(%run_scoped3A : memref<!tpu.dma_semaphore, #tpu.memory_space<semaphore_mem>>) src(%arg13 : memref<80x128xf32, #tpu.memory_space<vmem>>) dst(%dma_wait3A_87 : memref<10240x128xf32, #tpu.memory_space<vmem_shared>>)
          tpu.yield
        }) : () -> ()
        %add3A_75 = arith.constant 2 : i32
        %add3A_76 = arith.addi %add3A_56, %add3A_75 : i32
        %lt3A_77 = arith.constant 125 : i32
        %lt3A_78 = arith.cmpi slt, %add3A_76, %lt3A_77 : i32
        %convert_element_type3A_79 = arith.extui %lt3A_78 : i1 to i32
        %cond3A_80 = arith.constant 0 : i32
        %cond3A_81 = arith.cmpi ne, %convert_element_type3A_79, %cond3A_80 : i32
        scf.if %cond3A_81 {
          %add3A_82 = arith.constant 2 : i32
          %add3A_83 = arith.addi %add3A_56, %add3A_82 : i32
          %mul3A_84 = arith.constant 80 : i32
          %mul3A_85 = arith.muli %add3A_83, %mul3A_84 : i32
          %add3A_86 = arith.addi %add3A, %mul3A_85 : i32
          "tpu.region"() ({
            %run_scoped3A = tpu.sem_alloc : memref<!tpu.dma_semaphore, #tpu.memory_space<semaphore_mem>>
            %dma_start3A_90 = tpu.memref_slice %arg3[%add3A_86] : memref<320000xi32, #tpu.memory_space<hbm>> -> memref<80xi32, #tpu.memory_space<hbm>>
            %dma_start3A_91 = tpu.memref_slice %arg3[%add3A_86] : memref<320000xi32, #tpu.memory_space<hbm>> -> memref<80xi32, #tpu.memory_space<hbm>>
            tpu.enqueue_dma source(%dma_start3A_91 : memref<80xi32, #tpu.memory_space<hbm>>) target(%arg9 : memref<80xi32, #tpu.memory_space<vmem>>) target_semaphore(%run_scoped3A : memref<!tpu.dma_semaphore, #tpu.memory_space<semaphore_mem>>)
            %dma_wait3A_92 = tpu.memref_slice %arg3[%add3A_86] : memref<320000xi32, #tpu.memory_space<hbm>> -> memref<80xi32, #tpu.memory_space<hbm>>
            %dma_wait3A_93 = tpu.memref_slice %arg3[%add3A_86] : memref<320000xi32, #tpu.memory_space<hbm>> -> memref<80xi32, #tpu.memory_space<hbm>>
            tpu.wait_dma2 semaphore(%run_scoped3A : memref<!tpu.dma_semaphore, #tpu.memory_space<semaphore_mem>>) src(%dma_wait3A_93 : memref<80xi32, #tpu.memory_space<hbm>>) dst(%arg9 : memref<80xi32, #tpu.memory_space<vmem>>)
            tpu.yield
          }) : () -> ()
          "tpu.region"() ({
            %run_scoped3A = tpu.sem_alloc : memref<!tpu.dma_semaphore, #tpu.memory_space<semaphore_mem>>
            %dma_start3A_90 = tpu.memref_slice %arg4[%add3A_86] : memref<320000xi32, #tpu.memory_space<hbm>> -> memref<80xi32, #tpu.memory_space<hbm>>
            %dma_start3A_91 = tpu.memref_slice %arg4[%add3A_86] : memref<320000xi32, #tpu.memory_space<hbm>> -> memref<80xi32, #tpu.memory_space<hbm>>
            tpu.enqueue_dma source(%dma_start3A_91 : memref<80xi32, #tpu.memory_space<hbm>>) target(%arg11 : memref<80xi32, #tpu.memory_space<vmem>>) target_semaphore(%run_scoped3A : memref<!tpu.dma_semaphore, #tpu.memory_space<semaphore_mem>>)
            %dma_wait3A_92 = tpu.memref_slice %arg4[%add3A_86] : memref<320000xi32, #tpu.memory_space<hbm>> -> memref<80xi32, #tpu.memory_space<hbm>>
            %dma_wait3A_93 = tpu.memref_slice %arg4[%add3A_86] : memref<320000xi32, #tpu.memory_space<hbm>> -> memref<80xi32, #tpu.memory_space<hbm>>
            tpu.wait_dma2 semaphore(%run_scoped3A : memref<!tpu.dma_semaphore, #tpu.memory_space<semaphore_mem>>) src(%dma_wait3A_93 : memref<80xi32, #tpu.memory_space<hbm>>) dst(%arg11 : memref<80xi32, #tpu.memory_space<vmem>>)
            tpu.yield
          }) : () -> ()
          %dma_start3A_87 = arith.constant 0 : i32
          %dma_start3A_88 = arith.constant 0 : i32
          %dma_start3A_89 = tpu.memref_slice %arg2[%dma_start3A_87, %dma_start3A_88] : memref<10000x128xf32, #tpu.memory_space<hbm>> -> memref<10000x128xf32, #tpu.memory_space<hbm>>
          tpu.enqueue_indirect_dma source(%dma_start3A_89 : memref<10000x128xf32, #tpu.memory_space<hbm>>) target(%arg13 : memref<80x128xf32, #tpu.memory_space<vmem>>) offsets(%arg9 : memref<80xi32, #tpu.memory_space<vmem>>) semaphore(%arg19 : memref<!tpu.dma_semaphore, #tpu.memory_space<semaphore_mem>>)
        } else {
        }
      } else {
      }
      %mul3A_59 = arith.constant 2 : i32
      %mul3A_60 = arith.muli %add3A_52, %mul3A_59 : i32
      %add3A_61 = arith.constant 1 : i32
      %add3A_62 = arith.addi %mul3A_60, %add3A_61 : i32
      %lt3A_63 = arith.constant 125 : i32
      %lt3A_64 = arith.cmpi slt, %add3A_62, %lt3A_63 : i32
      %convert_element_type3A_65 = arith.extui %lt3A_64 : i1 to i32
      %cond3A_66 = arith.constant 0 : i32
      %cond3A_67 = arith.cmpi ne, %convert_element_type3A_65, %cond3A_66 : i32
      scf.if %cond3A_67 {
        %scan3A_68 = arith.constant 0 : i32
        %scan3A_69 = arith.constant 5 : i32
        %scan3A_70 = arith.addi %scan3A_68, %scan3A_69 : i32
        %scan3A_71 = arith.constant 1 : i32
        scf.for %scan3A_82 = %scan3A_68 to %scan3A_70 step %scan3A_71  : i32 {
          %mul3A_83 = arith.constant 16 : i32
          %mul3A_84 = arith.muli %scan3A_82, %mul3A_83 : i32
          %add3A_85 = arith.constant 0 : i32
          %add3A_86 = arith.addi %add3A_85, %mul3A_84 : i32
          %get3A = arith.index_cast %add3A_86 : i32 to index
          %get3A_87 = tpu.vector_load %arg12[%get3A] {strides = array<i32>} : memref<80xi32, #tpu.memory_space<vmem>>, vector<16xi32>,
          tpu.vector_store_idx %arg16[%get3A_87], %broadcast_in_dim3A_19 {add = true} : memref<10240xf32, #tpu.memory_space<vmem>>[vector<16xi32>], vector<16xf32>,
        }
        %scan3A_72 = arith.constant 5 : i32
        %dma_wait3A = arith.constant 0 : i32
        %dma_wait3A_73 = arith.constant 0 : i32
        %dma_wait3A_74 = tpu.memref_slice %arg2[%dma_wait3A, %dma_wait3A_73] : memref<10000x128xf32, #tpu.memory_space<hbm>> -> memref<10000x128xf32, #tpu.memory_space<hbm>>
        tpu.wait_indirect_dma semaphore(%arg20 : memref<!tpu.dma_semaphore, #tpu.memory_space<semaphore_mem>>) src(%dma_wait3A_74 : memref<10000x128xf32, #tpu.memory_space<hbm>>) dst(%arg14 : memref<80x128xf32, #tpu.memory_space<vmem>>)
        "tpu.region"() ({
          %run_scoped3A = tpu.sem_alloc : memref<!tpu.dma_semaphore, #tpu.memory_space<semaphore_mem>>
          %dma_start3A_82 = arith.constant 0 : i32
          %dma_start3A_83 = arith.constant 0 : i32
          %dma_start3A_84 = tpu.memref_slice %arg7[%dma_start3A_82, %dma_start3A_83] : memref<10240x128xf32, #tpu.memory_space<vmem_shared>> -> memref<10240x128xf32, #tpu.memory_space<vmem_shared>>
          tpu.enqueue_indirect_dma source(%arg14 : memref<80x128xf32, #tpu.memory_space<vmem>>) target(%dma_start3A_84 : memref<10240x128xf32, #tpu.memory_space<vmem_shared>>) offsets(%arg12 : memref<80xi32, #tpu.memory_space<vmem>>) semaphore(%run_scoped3A : memref<!tpu.dma_semaphore, #tpu.memory_space<semaphore_mem>>) {add = true}
          %dma_wait3A_85 = arith.constant 0 : i32
          %dma_wait3A_86 = arith.constant 0 : i32
          %dma_wait3A_87 = tpu.memref_slice %arg7[%dma_wait3A_85, %dma_wait3A_86] : memref<10240x128xf32, #tpu.memory_space<vmem_shared>> -> memref<10240x128xf32, #tpu.memory_space<vmem_shared>>
          tpu.wait_indirect_dma semaphore(%run_scoped3A : memref<!tpu.dma_semaphore, #tpu.memory_space<semaphore_mem>>) src(%arg14 : memref<80x128xf32, #tpu.memory_space<vmem>>) dst(%dma_wait3A_87 : memref<10240x128xf32, #tpu.memory_space<vmem_shared>>)
          tpu.yield
        }) : () -> ()
        %add3A_75 = arith.constant 2 : i32
        %add3A_76 = arith.addi %add3A_62, %add3A_75 : i32
        %lt3A_77 = arith.constant 125 : i32
        %lt3A_78 = arith.cmpi slt, %add3A_76, %lt3A_77 : i32
        %convert_element_type3A_79 = arith.extui %lt3A_78 : i1 to i32
        %cond3A_80 = arith.constant 0 : i32
        %cond3A_81 = arith.cmpi ne, %convert_element_type3A_79, %cond3A_80 : i32
        scf.if %cond3A_81 {
          %add3A_82 = arith.constant 2 : i32
          %add3A_83 = arith.addi %add3A_62, %add3A_82 : i32
          %mul3A_84 = arith.constant 80 : i32
          %mul3A_85 = arith.muli %add3A_83, %mul3A_84 : i32
          %add3A_86 = arith.addi %add3A, %mul3A_85 : i32
          "tpu.region"() ({
            %run_scoped3A = tpu.sem_alloc : memref<!tpu.dma_semaphore, #tpu.memory_space<semaphore_mem>>
            %dma_start3A_90 = tpu.memref_slice %arg3[%add3A_86] : memref<320000xi32, #tpu.memory_space<hbm>> -> memref<80xi32, #tpu.memory_space<hbm>>
            %dma_start3A_91 = tpu.memref_slice %arg3[%add3A_86] : memref<320000xi32, #tpu.memory_space<hbm>> -> memref<80xi32, #tpu.memory_space<hbm>>
            tpu.enqueue_dma source(%dma_start3A_91 : memref<80xi32, #tpu.memory_space<hbm>>) target(%arg10 : memref<80xi32, #tpu.memory_space<vmem>>) target_semaphore(%run_scoped3A : memref<!tpu.dma_semaphore, #tpu.memory_space<semaphore_mem>>)
            %dma_wait3A_92 = tpu.memref_slice %arg3[%add3A_86] : memref<320000xi32, #tpu.memory_space<hbm>> -> memref<80xi32, #tpu.memory_space<hbm>>
            %dma_wait3A_93 = tpu.memref_slice %arg3[%add3A_86] : memref<320000xi32, #tpu.memory_space<hbm>> -> memref<80xi32, #tpu.memory_space<hbm>>
            tpu.wait_dma2 semaphore(%run_scoped3A : memref<!tpu.dma_semaphore, #tpu.memory_space<semaphore_mem>>) src(%dma_wait3A_93 : memref<80xi32, #tpu.memory_space<hbm>>) dst(%arg10 : memref<80xi32, #tpu.memory_space<vmem>>)
            tpu.yield
          }) : () -> ()
          "tpu.region"() ({
            %run_scoped3A = tpu.sem_alloc : memref<!tpu.dma_semaphore, #tpu.memory_space<semaphore_mem>>
            %dma_start3A_90 = tpu.memref_slice %arg4[%add3A_86] : memref<320000xi32, #tpu.memory_space<hbm>> -> memref<80xi32, #tpu.memory_space<hbm>>
            %dma_start3A_91 = tpu.memref_slice %arg4[%add3A_86] : memref<320000xi32, #tpu.memory_space<hbm>> -> memref<80xi32, #tpu.memory_space<hbm>>
            tpu.enqueue_dma source(%dma_start3A_91 : memref<80xi32, #tpu.memory_space<hbm>>) target(%arg12 : memref<80xi32, #tpu.memory_space<vmem>>) target_semaphore(%run_scoped3A : memref<!tpu.dma_semaphore, #tpu.memory_space<semaphore_mem>>)
            %dma_wait3A_92 = tpu.memref_slice %arg4[%add3A_86] : memref<320000xi32, #tpu.memory_space<hbm>> -> memref<80xi32, #tpu.memory_space<hbm>>
            %dma_wait3A_93 = tpu.memref_slice %arg4[%add3A_86] : memref<320000xi32, #tpu.memory_space<hbm>> -> memref<80xi32, #tpu.memory_space<hbm>>
            tpu.wait_dma2 semaphore(%run_scoped3A : memref<!tpu.dma_semaphore, #tpu.memory_space<semaphore_mem>>) src(%dma_wait3A_93 : memref<80xi32, #tpu.memory_space<hbm>>) dst(%arg12 : memref<80xi32, #tpu.memory_space<vmem>>)
            tpu.yield
          }) : () -> ()
          %dma_start3A_87 = arith.constant 0 : i32
          %dma_start3A_88 = arith.constant 0 : i32
          %dma_start3A_89 = tpu.memref_slice %arg2[%dma_start3A_87, %dma_start3A_88] : memref<10000x128xf32, #tpu.memory_space<hbm>> -> memref<10000x128xf32, #tpu.memory_space<hbm>>
          tpu.enqueue_indirect_dma source(%dma_start3A_89 : memref<10000x128xf32, #tpu.memory_space<hbm>>) target(%arg14 : memref<80x128xf32, #tpu.memory_space<vmem>>) offsets(%arg10 : memref<80xi32, #tpu.memory_space<vmem>>) semaphore(%arg20 : memref<!tpu.dma_semaphore, #tpu.memory_space<semaphore_mem>>)
        } else {
        }
      } else {
      }
    }
    %scan3A_33 = arith.constant 63 : i32
    "tpu.region"() ({
      %run_scoped3A = tpu.sem_alloc : memref<!tpu.dma_semaphore, #tpu.memory_space<semaphore_mem>>
      %dma_start3A_48 = arith.constant 0 : i32
      %dma_start3A_49 = tpu.memref_slice %arg8[%arg1, %dma_start3A_48] : memref<16x10240xf32, #tpu.memory_space<vmem_shared>> -> memref<1x10240xf32, #tpu.memory_space<vmem_shared>>
      %dma_start3A_50 = tpu.memref_squeeze %dma_start3A_49 : memref<1x10240xf32, #tpu.memory_space<vmem_shared>> -> memref<10240xf32, #tpu.memory_space<vmem_shared>>
      %dma_start3A_51 = arith.constant 0 : i32
      %dma_start3A_52 = tpu.memref_slice %arg8[%arg1, %dma_start3A_51] : memref<16x10240xf32, #tpu.memory_space<vmem_shared>> -> memref<1x10240xf32, #tpu.memory_space<vmem_shared>>
      %dma_start3A_53 = tpu.memref_squeeze %dma_start3A_52 : memref<1x10240xf32, #tpu.memory_space<vmem_shared>> -> memref<10240xf32, #tpu.memory_space<vmem_shared>>
      tpu.enqueue_dma source(%arg16 : memref<10240xf32, #tpu.memory_space<vmem>>) target(%dma_start3A_53 : memref<10240xf32, #tpu.memory_space<vmem_shared>>) target_semaphore(%run_scoped3A : memref<!tpu.dma_semaphore, #tpu.memory_space<semaphore_mem>>)
      %dma_wait3A = arith.constant 0 : i32
      %dma_wait3A_54 = tpu.memref_slice %arg8[%arg1, %dma_wait3A] : memref<16x10240xf32, #tpu.memory_space<vmem_shared>> -> memref<1x10240xf32, #tpu.memory_space<vmem_shared>>
      %dma_wait3A_55 = tpu.memref_squeeze %dma_wait3A_54 : memref<1x10240xf32, #tpu.memory_space<vmem_shared>> -> memref<10240xf32, #tpu.memory_space<vmem_shared>>
      %dma_wait3A_56 = arith.constant 0 : i32
      %dma_wait3A_57 = tpu.memref_slice %arg8[%arg1, %dma_wait3A_56] : memref<16x10240xf32, #tpu.memory_space<vmem_shared>> -> memref<1x10240xf32, #tpu.memory_space<vmem_shared>>
      %dma_wait3A_58 = tpu.memref_squeeze %dma_wait3A_57 : memref<1x10240xf32, #tpu.memory_space<vmem_shared>> -> memref<10240xf32, #tpu.memory_space<vmem_shared>>
      tpu.wait_dma2 semaphore(%run_scoped3A : memref<!tpu.dma_semaphore, #tpu.memory_space<semaphore_mem>>) src(%arg16 : memref<10240xf32, #tpu.memory_space<vmem>>) dst(%dma_wait3A_58 : memref<10240xf32, #tpu.memory_space<vmem_shared>>)
      tpu.yield
    }) : () -> ()
    %barrier3A_34 = arith.constant 0 : index
    tpu.barrier barrier_id(%barrier3A_34)
    %scan3A_35 = arith.constant 0 : i32
    %scan3A_36 = arith.constant 40 : i32
    %scan3A_37 = arith.addi %scan3A_35, %scan3A_36 : i32
    %scan3A_38 = arith.constant 1 : i32
    scf.for %scan3A_48 = %scan3A_35 to %scan3A_37 step %scan3A_38  : i32 {
      %mul3A_49 = arith.constant 16 : i32
      %mul3A_50 = arith.muli %scan3A_48, %mul3A_49 : i32
      %add3A_51 = arith.constant 0 : i32
      %add3A_52 = arith.addi %add3A_51, %mul3A_50 : i32
      %broadcast_in_dim3A_53 = arith.constant 0.000000e+00 : f32
      %broadcast_in_dim3A_54 = vector.broadcast %broadcast_in_dim3A_53 : f32 to vector<16xf32>
      %swap3A = arith.index_cast %add3A_52 : i32 to index
      %swap3A_55 = tpu.vector_load %arg17[%swap3A] {strides = array<i32>} : memref<640xf32, #tpu.memory_space<vmem>>, vector<16xf32>,
      tpu.vector_store %arg17[%swap3A], %broadcast_in_dim3A_54 {strides = array<i32>} : memref<640xf32, #tpu.memory_space<vmem>>, vector<16xf32>,
    }
    %scan3A_39 = arith.constant 40 : i32
    %scan3A_40 = arith.constant 0 : i32
    %scan3A_41 = arith.constant 16 : i32
    %scan3A_42 = arith.addi %scan3A_40, %scan3A_41 : i32
    %scan3A_43 = arith.constant 1 : i32
    scf.for %scan3A_48 = %scan3A_40 to %scan3A_42 step %scan3A_43  : i32 {
      %mul3A_49 = arith.constant 1 : i32
      %mul3A_50 = arith.muli %scan3A_48, %mul3A_49 : i32
      %add3A_51 = arith.constant 0 : i32
      %add3A_52 = arith.addi %add3A_51, %mul3A_50 : i32
      "tpu.region"() ({
        %run_scoped3A = tpu.sem_alloc : memref<!tpu.dma_semaphore, #tpu.memory_space<semaphore_mem>>
        %dma_start3A_58 = arith.constant 0 : i32
        %dma_start3A_59 = tpu.memref_slice %arg8[%add3A_52, %dma_start3A_58] : memref<16x10240xf32, #tpu.memory_space<vmem_shared>> -> memref<1x10240xf32, #tpu.memory_space<vmem_shared>>
        %dma_start3A_60 = tpu.memref_squeeze %dma_start3A_59 : memref<1x10240xf32, #tpu.memory_space<vmem_shared>> -> memref<10240xf32, #tpu.memory_space<vmem_shared>>
        %dma_start3A_61 = tpu.memref_slice %dma_start3A_60[%mul3A_0] : memref<10240xf32, #tpu.memory_space<vmem_shared>> -> memref<640xf32, #tpu.memory_space<vmem_shared>>
        %dma_start3A_62 = arith.constant 0 : i32
        %dma_start3A_63 = tpu.memref_slice %arg8[%add3A_52, %dma_start3A_62] : memref<16x10240xf32, #tpu.memory_space<vmem_shared>> -> memref<1x10240xf32, #tpu.memory_space<vmem_shared>>
        %dma_start3A_64 = tpu.memref_squeeze %dma_start3A_63 : memref<1x10240xf32, #tpu.memory_space<vmem_shared>> -> memref<10240xf32, #tpu.memory_space<vmem_shared>>
        %dma_start3A_65 = tpu.memref_slice %dma_start3A_64[%mul3A_0] : memref<10240xf32, #tpu.memory_space<vmem_shared>> -> memref<640xf32, #tpu.memory_space<vmem_shared>>
        tpu.enqueue_dma source(%dma_start3A_65 : memref<640xf32, #tpu.memory_space<vmem_shared>>) target(%arg18 : memref<640xf32, #tpu.memory_space<vmem>>) target_semaphore(%run_scoped3A : memref<!tpu.dma_semaphore, #tpu.memory_space<semaphore_mem>>)
        %dma_wait3A = arith.constant 0 : i32
        %dma_wait3A_66 = tpu.memref_slice %arg8[%add3A_52, %dma_wait3A] : memref<16x10240xf32, #tpu.memory_space<vmem_shared>> -> memref<1x10240xf32, #tpu.memory_space<vmem_shared>>
        %dma_wait3A_67 = tpu.memref_squeeze %dma_wait3A_66 : memref<1x10240xf32, #tpu.memory_space<vmem_shared>> -> memref<10240xf32, #tpu.memory_space<vmem_shared>>
        %dma_wait3A_68 = tpu.memref_slice %dma_wait3A_67[%mul3A_0] : memref<10240xf32, #tpu.memory_space<vmem_shared>> -> memref<640xf32, #tpu.memory_space<vmem_shared>>
        %dma_wait3A_69 = arith.constant 0 : i32
        %dma_wait3A_70 = tpu.memref_slice %arg8[%add3A_52, %dma_wait3A_69] : memref<16x10240xf32, #tpu.memory_space<vmem_shared>> -> memref<1x10240xf32, #tpu.memory_space<vmem_shared>>
        %dma_wait3A_71 = tpu.memref_squeeze %dma_wait3A_70 : memref<1x10240xf32, #tpu.memory_space<vmem_shared>> -> memref<10240xf32, #tpu.memory_space<vmem_shared>>
        %dma_wait3A_72 = tpu.memref_slice %dma_wait3A_71[%mul3A_0] : memref<10240xf32, #tpu.memory_space<vmem_shared>> -> memref<640xf32, #tpu.memory_space<vmem_shared>>
        tpu.wait_dma2 semaphore(%run_scoped3A : memref<!tpu.dma_semaphore, #tpu.memory_space<semaphore_mem>>) src(%dma_wait3A_72 : memref<640xf32, #tpu.memory_space<vmem_shared>>) dst(%arg18 : memref<640xf32, #tpu.memory_space<vmem>>)
        tpu.yield
      }) : () -> ()
      %scan3A_53 = arith.constant 0 : i32
      %scan3A_54 = arith.constant 40 : i32
      %scan3A_55 = arith.addi %scan3A_53, %scan3A_54 : i32
      %scan3A_56 = arith.constant 1 : i32
      scf.for %scan3A_58 = %scan3A_53 to %scan3A_55 step %scan3A_56  : i32 {
        %mul3A_59 = arith.constant 16 : i32
        %mul3A_60 = arith.muli %scan3A_58, %mul3A_59 : i32
        %add3A_61 = arith.constant 0 : i32
        %add3A_62 = arith.addi %add3A_61, %mul3A_60 : i32
        %get3A = arith.index_cast %add3A_62 : i32 to index
        %get3A_63 = tpu.vector_load %arg17[%get3A] {strides = array<i32>} : memref<640xf32, #tpu.memory_space<vmem>>, vector<16xf32>,
        %get3A_64 = arith.index_cast %add3A_62 : i32 to index
        %get3A_65 = tpu.vector_load %arg18[%get3A_64] {strides = array<i32>} : memref<640xf32, #tpu.memory_space<vmem>>, vector<16xf32>,
        %add3A_66 = arith.addf %get3A_63, %get3A_65 : vector<16xf32>
        %swap3A = arith.index_cast %add3A_62 : i32 to index
        %swap3A_67 = tpu.vector_load %arg17[%swap3A] {strides = array<i32>} : memref<640xf32, #tpu.memory_space<vmem>>, vector<16xf32>,
        tpu.vector_store %arg17[%swap3A], %add3A_66 {strides = array<i32>} : memref<640xf32, #tpu.memory_space<vmem>>, vector<16xf32>,
      }
      %scan3A_57 = arith.constant 40 : i32
    }
    %scan3A_44 = arith.constant 16 : i32
    %mul3A_45 = arith.constant 10240 : i32
    %mul3A_46 = arith.muli %arg0, %mul3A_45 : i32
    %add3A_47 = arith.addi %mul3A_46, %mul3A_0 : i32
    "tpu.region"() ({
      %run_scoped3A = tpu.sem_alloc : memref<!tpu.dma_semaphore, #tpu.memory_space<semaphore_mem>>
      %dma_start3A_48 = tpu.memref_slice %arg6[%add3A_47] : memref<20480xf32, #tpu.memory_space<hbm>> -> memref<640xf32, #tpu.memory_space<hbm>>
      %dma_start3A_49 = tpu.memref_slice %arg6[%add3A_47] : memref<20480xf32, #tpu.memory_space<hbm>> -> memref<640xf32, #tpu.memory_space<hbm>>
      tpu.enqueue_dma source(%arg17 : memref<640xf32, #tpu.memory_space<vmem>>) target(%dma_start3A_49 : memref<640xf32, #tpu.memory_space<hbm>>) target_semaphore(%run_scoped3A : memref<!tpu.dma_semaphore, #tpu.memory_space<semaphore_mem>>)
      %dma_wait3A = tpu.memref_slice %arg6[%add3A_47] : memref<20480xf32, #tpu.memory_space<hbm>> -> memref<640xf32, #tpu.memory_space<hbm>>
      %dma_wait3A_50 = tpu.memref_slice %arg6[%add3A_47] : memref<20480xf32, #tpu.memory_space<hbm>> -> memref<640xf32, #tpu.memory_space<hbm>>
      tpu.wait_dma2 semaphore(%run_scoped3A : memref<!tpu.dma_semaphore, #tpu.memory_space<semaphore_mem>>) src(%arg17 : memref<640xf32, #tpu.memory_space<vmem>>) dst(%dma_wait3A_50 : memref<640xf32, #tpu.memory_space<hbm>>)
      tpu.yield
    }) : () -> ()
    "tpu.region"() ({
      %run_scoped3A = tpu.sem_alloc : memref<!tpu.dma_semaphore, #tpu.memory_space<semaphore_mem>>
      %dma_start3A_48 = arith.constant 0 : i32
      %dma_start3A_49 = arith.constant 0 : i32
      %dma_start3A_50 = tpu.memref_slice %arg5[%arg0, %dma_start3A_48, %dma_start3A_49] : memref<2x10240x128xf32, #tpu.memory_space<hbm>> -> memref<1x10240x128xf32, #tpu.memory_space<hbm>>
      %dma_start3A_51 = tpu.memref_squeeze %dma_start3A_50 : memref<1x10240x128xf32, #tpu.memory_space<hbm>> -> memref<10240x128xf32, #tpu.memory_space<hbm>>
      %dma_start3A_52 = arith.constant 0 : i32
      %dma_start3A_53 = tpu.memref_slice %dma_start3A_51[%mul3A_0, %dma_start3A_52] : memref<10240x128xf32, #tpu.memory_space<hbm>> -> memref<640x128xf32, #tpu.memory_space<hbm>>
      %dma_start3A_54 = arith.constant 0 : i32
      %dma_start3A_55 = tpu.memref_slice %arg7[%mul3A_0, %dma_start3A_54] : memref<10240x128xf32, #tpu.memory_space<vmem_shared>> -> memref<640x128xf32, #tpu.memory_space<vmem_shared>>
      tpu.enqueue_dma source(%dma_start3A_55 : memref<640x128xf32, #tpu.memory_space<vmem_shared>>) target(%dma_start3A_53 : memref<640x128xf32, #tpu.memory_space<hbm>>) target_semaphore(%run_scoped3A : memref<!tpu.dma_semaphore, #tpu.memory_space<semaphore_mem>>)
      %dma_wait3A = arith.constant 0 : i32
      %dma_wait3A_56 = arith.constant 0 : i32
      %dma_wait3A_57 = tpu.memref_slice %arg5[%arg0, %dma_wait3A, %dma_wait3A_56] : memref<2x10240x128xf32, #tpu.memory_space<hbm>> -> memref<1x10240x128xf32, #tpu.memory_space<hbm>>
      %dma_wait3A_58 = tpu.memref_squeeze %dma_wait3A_57 : memref<1x10240x128xf32, #tpu.memory_space<hbm>> -> memref<10240x128xf32, #tpu.memory_space<hbm>>
      %dma_wait3A_59 = arith.constant 0 : i32
      %dma_wait3A_60 = tpu.memref_slice %dma_wait3A_58[%mul3A_0, %dma_wait3A_59] : memref<10240x128xf32, #tpu.memory_space<hbm>> -> memref<640x128xf32, #tpu.memory_space<hbm>>
      %dma_wait3A_61 = arith.constant 0 : i32
      %dma_wait3A_62 = tpu.memref_slice %arg7[%mul3A_0, %dma_wait3A_61] : memref<10240x128xf32, #tpu.memory_space<vmem_shared>> -> memref<640x128xf32, #tpu.memory_space<vmem_shared>>
      tpu.wait_dma2 semaphore(%run_scoped3A : memref<!tpu.dma_semaphore, #tpu.memory_space<semaphore_mem>>) src(%dma_wait3A_62 : memref<640x128xf32, #tpu.memory_space<vmem_shared>>) dst(%dma_wait3A_60 : memref<640x128xf32, #tpu.memory_space<hbm>>)
      tpu.yield
    }) : () -> ()
    return
  }
}

module attributes {stable_mosaic.version = 14 : i64} {
  func.func @body(%arg0: i32, %arg1: memref<2x2000x128xf32, #tpu.memory_space<vmem>>, %arg2: memref<2000x1xf32, #tpu.memory_space<vmem>>, %arg3: memref<2000x128xf32, #tpu.memory_space<vmem>>, %arg4: memref<128x128xf32, #tpu.memory_space<vmem>>, %arg5: memref<128x128xf32, #tpu.memory_space<vmem>>, %arg6: memref<1x128xf32, #tpu.memory_space<vmem>>, %arg7: memref<1x128xf32, #tpu.memory_space<vmem>>, %arg8: memref<1x128xf32, #tpu.memory_space<vmem>>, %arg9: memref<2000x128xf32, #tpu.memory_space<vmem>>) attributes {dimension_semantics = [#tpu.dimension_semantics<arbitrary>], iteration_bounds = array<i64: 5>, scalar_prefetch = 0 : i64, scratch_operands = 0 : i64, tpu.core_type = #tpu.core_type<tc>, window_params = [{transform_indices = @transform_0, window_bounds = array<i64: 2, 2000, 128>}, {transform_indices = @transform_1, window_bounds = array<i64: 2000, 1>}, {transform_indices = @transform_2, window_bounds = array<i64: 2000, 128>}, {pipeline_mode = #tpu.pipeline_mode<synchronous>, transform_indices = @transform_3, window_bounds = array<i64: 128, 128>}, {pipeline_mode = #tpu.pipeline_mode<synchronous>, transform_indices = @transform_4, window_bounds = array<i64: 128, 128>}, {pipeline_mode = #tpu.pipeline_mode<synchronous>, transform_indices = @transform_5, window_bounds = array<i64: 1, 128>}, {pipeline_mode = #tpu.pipeline_mode<synchronous>, transform_indices = @transform_6, window_bounds = array<i64: 1, 128>}, {pipeline_mode = #tpu.pipeline_mode<synchronous>, transform_indices = @transform_7, window_bounds = array<i64: 1, 128>}, {transform_indices = @transform_8, window_bounds = array<i64: 2000, 128>}]} {
    %get3A = arith.constant 0 : index
    %get3A_0 = arith.constant 0 : index
    %get3A_1 = vector.load %arg2[%get3A, %get3A_0] : memref<2000x1xf32, #tpu.memory_space<vmem>>, vector<2000x1xf32>
    %max3A = arith.constant 1.000000e+00 : f32
    %max3A_2 = vector.broadcast %max3A : f32 to vector<2000x1xf32>
    %max3A_3 = arith.maximumf %get3A_1, %max3A_2 : vector<2000x1xf32>
    %div3A = arith.constant 1.000000e+00 : f32
    %div3A_4 = vector.broadcast %div3A : f32 to vector<2000x1xf32>
    %div3A_5 = arith.divf %div3A_4, %max3A_3 : vector<2000x1xf32>
    %get3A_6 = arith.constant 0 : index
    %get3A_7 = arith.constant 0 : index
    %get3A_8 = arith.constant 0 : index
    %get3A_9 = vector.load %arg1[%get3A_6, %get3A_7, %get3A_8] : memref<2x2000x128xf32, #tpu.memory_space<vmem>>, vector<1x2000x128xf32>
    %get3A_10 = vector.shape_cast %get3A_9 : vector<1x2000x128xf32> to vector<2000x128xf32>
    %get3A_11 = arith.constant 1 : index
    %get3A_12 = arith.constant 0 : index
    %get3A_13 = arith.constant 0 : index
    %get3A_14 = vector.load %arg1[%get3A_11, %get3A_12, %get3A_13] : memref<2x2000x128xf32, #tpu.memory_space<vmem>>, vector<1x2000x128xf32>
    %get3A_15 = vector.shape_cast %get3A_14 : vector<1x2000x128xf32> to vector<2000x128xf32>
    %add3A = arith.addf %get3A_10, %get3A_15 : vector<2000x128xf32>
    %mul3A = vector.broadcast %div3A_5 : vector<2000x1xf32> to vector<2000x128xf32>
    %mul3A_16 = arith.mulf %add3A, %mul3A : vector<2000x128xf32>
    %get3A_17 = arith.constant 0 : index
    %get3A_18 = arith.constant 0 : index
    %get3A_19 = vector.load %arg3[%get3A_17, %get3A_18] : memref<2000x128xf32, #tpu.memory_space<vmem>>, vector<2000x128xf32>
    %get3A_20 = arith.constant 0 : index
    %get3A_21 = arith.constant 0 : index
    %get3A_22 = vector.load %arg4[%get3A_20, %get3A_21] : memref<128x128xf32, #tpu.memory_space<vmem>>, vector<128x128xf32>
    %dot_general3A = arith.constant dense<0.000000e+00> : vector<2000x128xf32>
    %dot_general3A_23 = tpu.matmul %mul3A_16, %get3A_22, %dot_general3A {dimension_numbers = #tpu.dot_dimension_numbers<[1], [0], [0], [1], [0, 0, 1, 1], [], []>, transpose_lhs_hint = false} : vector<2000x128xf32>, vector<128x128xf32>, vector<2000x128xf32> -> vector<2000x128xf32>
    %get3A_24 = arith.constant 0 : index
    %get3A_25 = arith.constant 0 : index
    %get3A_26 = vector.load %arg5[%get3A_24, %get3A_25] : memref<128x128xf32, #tpu.memory_space<vmem>>, vector<128x128xf32>
    %dot_general3A_27 = arith.constant dense<0.000000e+00> : vector<2000x128xf32>
    %dot_general3A_28 = tpu.matmul %get3A_19, %get3A_26, %dot_general3A_27 {dimension_numbers = #tpu.dot_dimension_numbers<[1], [0], [0], [1], [0, 0, 1, 1], [], []>, transpose_lhs_hint = false} : vector<2000x128xf32>, vector<128x128xf32>, vector<2000x128xf32> -> vector<2000x128xf32>
    %add3A_29 = arith.addf %dot_general3A_23, %dot_general3A_28 : vector<2000x128xf32>
    %get3A_30 = arith.constant 0 : index
    %get3A_31 = arith.constant 0 : index
    %get3A_32 = vector.load %arg6[%get3A_30, %get3A_31] : memref<1x128xf32, #tpu.memory_space<vmem>>, vector<1x128xf32>
    %add3A_33 = vector.broadcast %get3A_32 : vector<1x128xf32> to vector<2000x128xf32>
    %add3A_34 = arith.addf %add3A_29, %add3A_33 : vector<2000x128xf32>
    %reduce_sum3A = arith.constant dense<0.000000e+00> : vector<2000xf32>
    %reduce_sum3A_35 = vector.multi_reduction <add>, %add3A_34, %reduce_sum3A [1] : vector<2000x128xf32> to vector<2000xf32>
    %broadcast_in_dim3A = vector.shape_cast %reduce_sum3A_35 : vector<2000xf32> to vector<2000x1xf32>
    %div3A_36 = arith.constant 1.280000e+02 : f32
    %div3A_37 = vector.broadcast %div3A_36 : f32 to vector<2000x1xf32>
    %div3A_38 = arith.divf %broadcast_in_dim3A, %div3A_37 : vector<2000x1xf32>
    %sub3A = vector.broadcast %div3A_38 : vector<2000x1xf32> to vector<2000x128xf32>
    %sub3A_39 = arith.subf %add3A_34, %sub3A : vector<2000x128xf32>
    %mul3A_40 = arith.mulf %sub3A_39, %sub3A_39 : vector<2000x128xf32>
    %reduce_sum3A_41 = arith.constant dense<0.000000e+00> : vector<2000xf32>
    %reduce_sum3A_42 = vector.multi_reduction <add>, %mul3A_40, %reduce_sum3A_41 [1] : vector<2000x128xf32> to vector<2000xf32>
    %broadcast_in_dim3A_43 = vector.shape_cast %reduce_sum3A_42 : vector<2000xf32> to vector<2000x1xf32>
    %div3A_44 = arith.constant 1.280000e+02 : f32
    %div3A_45 = vector.broadcast %div3A_44 : f32 to vector<2000x1xf32>
    %div3A_46 = arith.divf %broadcast_in_dim3A_43, %div3A_45 : vector<2000x1xf32>
    %add3A_47 = arith.constant 9.99999974E-6 : f32
    %add3A_48 = vector.broadcast %add3A_47 : f32 to vector<2000x1xf32>
    %add3A_49 = arith.addf %div3A_46, %add3A_48 : vector<2000x1xf32>
    %rsqrt3A = math.rsqrt %add3A_49 : vector<2000x1xf32>
    %mul3A_50 = vector.broadcast %rsqrt3A : vector<2000x1xf32> to vector<2000x128xf32>
    %mul3A_51 = arith.mulf %sub3A_39, %mul3A_50 : vector<2000x128xf32>
    %get3A_52 = arith.constant 0 : index
    %get3A_53 = arith.constant 0 : index
    %get3A_54 = vector.load %arg7[%get3A_52, %get3A_53] : memref<1x128xf32, #tpu.memory_space<vmem>>, vector<1x128xf32>
    %mul3A_55 = vector.broadcast %get3A_54 : vector<1x128xf32> to vector<2000x128xf32>
    %mul3A_56 = arith.mulf %mul3A_51, %mul3A_55 : vector<2000x128xf32>
    %get3A_57 = arith.constant 0 : index
    %get3A_58 = arith.constant 0 : index
    %get3A_59 = vector.load %arg8[%get3A_57, %get3A_58] : memref<1x128xf32, #tpu.memory_space<vmem>>, vector<1x128xf32>
    %add3A_60 = vector.broadcast %get3A_59 : vector<1x128xf32> to vector<2000x128xf32>
    %add3A_61 = arith.addf %mul3A_56, %add3A_60 : vector<2000x128xf32>
    %max3A_62 = arith.constant 0.000000e+00 : f32
    %max3A_63 = vector.broadcast %max3A_62 : f32 to vector<2000x128xf32>
    %max3A_64 = arith.maximumf %add3A_61, %max3A_63 : vector<2000x128xf32>
    %add3A_65 = arith.addf %max3A_64, %get3A_19 : vector<2000x128xf32>
    %swap3A = arith.constant 0 : index
    %swap3A_66 = arith.constant 0 : index
    %swap3A_67 = vector.load %arg9[%swap3A, %swap3A_66] : memref<2000x128xf32, #tpu.memory_space<vmem>>, vector<2000x128xf32>
    tpu.vector_store %arg9[%swap3A, %swap3A_66], %add3A_65 {strides = array<i32>} : memref<2000x128xf32, #tpu.memory_space<vmem>>, vector<2000x128xf32>,
    return
  }
  func.func @transform_0(%arg0: i32) -> (i32, i32, i32) {
    %c0_i32 = arith.constant 0 : i32
    %c0_i32_0 = arith.constant 0 : i32
    %c0_i32_1 = arith.constant 0 : i32
    return %c0_i32, %arg0, %c0_i32_0 : i32, i32, i32
  }
  func.func @transform_1(%arg0: i32) -> (i32, i32) {
    %c0_i32 = arith.constant 0 : i32
    %c0_i32_0 = arith.constant 0 : i32
    return %arg0, %c0_i32 : i32, i32
  }
  func.func @transform_2(%arg0: i32) -> (i32, i32) {
    %c0_i32 = arith.constant 0 : i32
    %c0_i32_0 = arith.constant 0 : i32
    return %arg0, %c0_i32 : i32, i32
  }
  func.func @transform_3(%arg0: i32) -> (i32, i32) {
    %c0_i32 = arith.constant 0 : i32
    %c0_i32_0 = arith.constant 0 : i32
    %c0_i32_1 = arith.constant 0 : i32
    return %c0_i32, %c0_i32_0 : i32, i32
  }
  func.func @transform_4(%arg0: i32) -> (i32, i32) {
    %c0_i32 = arith.constant 0 : i32
    %c0_i32_0 = arith.constant 0 : i32
    %c0_i32_1 = arith.constant 0 : i32
    return %c0_i32, %c0_i32_0 : i32, i32
  }
  func.func @transform_5(%arg0: i32) -> (i32, i32) {
    %c0_i32 = arith.constant 0 : i32
    %c0_i32_0 = arith.constant 0 : i32
    %c0_i32_1 = arith.constant 0 : i32
    return %c0_i32, %c0_i32_0 : i32, i32
  }
  func.func @transform_6(%arg0: i32) -> (i32, i32) {
    %c0_i32 = arith.constant 0 : i32
    %c0_i32_0 = arith.constant 0 : i32
    %c0_i32_1 = arith.constant 0 : i32
    return %c0_i32, %c0_i32_0 : i32, i32
  }
  func.func @transform_7(%arg0: i32) -> (i32, i32) {
    %c0_i32 = arith.constant 0 : i32
    %c0_i32_0 = arith.constant 0 : i32
    %c0_i32_1 = arith.constant 0 : i32
    return %c0_i32, %c0_i32_0 : i32, i32
  }
  func.func @transform_8(%arg0: i32) -> (i32, i32) {
    %c0_i32 = arith.constant 0 : i32
    %c0_i32_0 = arith.constant 0 : i32
    return %arg0, %c0_i32 : i32, i32
  }
}

module attributes {stable_mosaic.version = 14 : i64} {
  func.func @body(%arg0: i32, %arg1: memref<2x2000x128xf32, #tpu.memory_space<vmem>>, %arg2: memref<2000x1xf32, #tpu.memory_space<vmem>>, %arg3: memref<2000x128xf32, #tpu.memory_space<vmem>>, %arg4: memref<128x128xf32, #tpu.memory_space<vmem>>, %arg5: memref<128x128xf32, #tpu.memory_space<vmem>>, %arg6: memref<1x128xf32, #tpu.memory_space<vmem>>, %arg7: memref<1x128xf32, #tpu.memory_space<vmem>>, %arg8: memref<1x128xf32, #tpu.memory_space<vmem>>, %arg9: memref<2000x128xf32, #tpu.memory_space<vmem>>) attributes {dimension_semantics = [#tpu.dimension_semantics<arbitrary>], iteration_bounds = array<i64: 5>, scalar_prefetch = 0 : i64, scratch_operands = 0 : i64, tpu.core_type = #tpu.core_type<tc>, window_params = [{transform_indices = @transform_0, window_bounds = array<i64: 2, 2000, 128>}, {transform_indices = @transform_1, window_bounds = array<i64: 2000, 1>}, {transform_indices = @transform_2, window_bounds = array<i64: 2000, 128>}, {pipeline_mode = #tpu.pipeline_mode<synchronous>, transform_indices = @transform_3, window_bounds = array<i64: 128, 128>}, {pipeline_mode = #tpu.pipeline_mode<synchronous>, transform_indices = @transform_4, window_bounds = array<i64: 128, 128>}, {pipeline_mode = #tpu.pipeline_mode<synchronous>, transform_indices = @transform_5, window_bounds = array<i64: 1, 128>}, {pipeline_mode = #tpu.pipeline_mode<synchronous>, transform_indices = @transform_6, window_bounds = array<i64: 1, 128>}, {pipeline_mode = #tpu.pipeline_mode<synchronous>, transform_indices = @transform_7, window_bounds = array<i64: 1, 128>}, {transform_indices = @transform_8, window_bounds = array<i64: 2000, 128>}]} {
    %get3A = arith.constant 0 : index
    %get3A_0 = arith.constant 0 : index
    %get3A_1 = vector.load %arg2[%get3A, %get3A_0] : memref<2000x1xf32, #tpu.memory_space<vmem>>, vector<2000x1xf32>
    %max3A = arith.constant 1.000000e+00 : f32
    %max3A_2 = vector.broadcast %max3A : f32 to vector<2000x1xf32>
    %max3A_3 = arith.maximumf %get3A_1, %max3A_2 : vector<2000x1xf32>
    %div3A = arith.constant 1.000000e+00 : f32
    %div3A_4 = vector.broadcast %div3A : f32 to vector<2000x1xf32>
    %div3A_5 = arith.divf %div3A_4, %max3A_3 : vector<2000x1xf32>
    %get3A_6 = arith.constant 0 : index
    %get3A_7 = arith.constant 0 : index
    %get3A_8 = arith.constant 0 : index
    %get3A_9 = vector.load %arg1[%get3A_6, %get3A_7, %get3A_8] : memref<2x2000x128xf32, #tpu.memory_space<vmem>>, vector<1x2000x128xf32>
    %get3A_10 = vector.shape_cast %get3A_9 : vector<1x2000x128xf32> to vector<2000x128xf32>
    %get3A_11 = arith.constant 1 : index
    %get3A_12 = arith.constant 0 : index
    %get3A_13 = arith.constant 0 : index
    %get3A_14 = vector.load %arg1[%get3A_11, %get3A_12, %get3A_13] : memref<2x2000x128xf32, #tpu.memory_space<vmem>>, vector<1x2000x128xf32>
    %get3A_15 = vector.shape_cast %get3A_14 : vector<1x2000x128xf32> to vector<2000x128xf32>
    %add3A = arith.addf %get3A_10, %get3A_15 : vector<2000x128xf32>
    %mul3A = vector.broadcast %div3A_5 : vector<2000x1xf32> to vector<2000x128xf32>
    %mul3A_16 = arith.mulf %add3A, %mul3A : vector<2000x128xf32>
    %get3A_17 = arith.constant 0 : index
    %get3A_18 = arith.constant 0 : index
    %get3A_19 = vector.load %arg3[%get3A_17, %get3A_18] : memref<2000x128xf32, #tpu.memory_space<vmem>>, vector<2000x128xf32>
    %get3A_20 = arith.constant 0 : index
    %get3A_21 = arith.constant 0 : index
    %get3A_22 = vector.load %arg4[%get3A_20, %get3A_21] : memref<128x128xf32, #tpu.memory_space<vmem>>, vector<128x128xf32>
    %dot_general3A = arith.constant dense<0.000000e+00> : vector<2000x128xf32>
    %dot_general3A_23 = tpu.matmul %mul3A_16, %get3A_22, %dot_general3A {dimension_numbers = #tpu.dot_dimension_numbers<[1], [0], [0], [1], [0, 0, 1, 1], [], []>, transpose_lhs_hint = false} : vector<2000x128xf32>, vector<128x128xf32>, vector<2000x128xf32> -> vector<2000x128xf32>
    %get3A_24 = arith.constant 0 : index
    %get3A_25 = arith.constant 0 : index
    %get3A_26 = vector.load %arg5[%get3A_24, %get3A_25] : memref<128x128xf32, #tpu.memory_space<vmem>>, vector<128x128xf32>
    %dot_general3A_27 = arith.constant dense<0.000000e+00> : vector<2000x128xf32>
    %dot_general3A_28 = tpu.matmul %get3A_19, %get3A_26, %dot_general3A_27 {dimension_numbers = #tpu.dot_dimension_numbers<[1], [0], [0], [1], [0, 0, 1, 1], [], []>, transpose_lhs_hint = false} : vector<2000x128xf32>, vector<128x128xf32>, vector<2000x128xf32> -> vector<2000x128xf32>
    %add3A_29 = arith.addf %dot_general3A_23, %dot_general3A_28 : vector<2000x128xf32>
    %get3A_30 = arith.constant 0 : index
    %get3A_31 = arith.constant 0 : index
    %get3A_32 = vector.load %arg6[%get3A_30, %get3A_31] : memref<1x128xf32, #tpu.memory_space<vmem>>, vector<1x128xf32>
    %add3A_33 = vector.broadcast %get3A_32 : vector<1x128xf32> to vector<2000x128xf32>
    %add3A_34 = arith.addf %add3A_29, %add3A_33 : vector<2000x128xf32>
    %reduce_sum3A = arith.constant dense<0.000000e+00> : vector<2000xf32>
    %reduce_sum3A_35 = vector.multi_reduction <add>, %add3A_34, %reduce_sum3A [1] : vector<2000x128xf32> to vector<2000xf32>
    %broadcast_in_dim3A = vector.shape_cast %reduce_sum3A_35 : vector<2000xf32> to vector<2000x1xf32>
    %div3A_36 = arith.constant 1.280000e+02 : f32
    %div3A_37 = vector.broadcast %div3A_36 : f32 to vector<2000x1xf32>
    %div3A_38 = arith.divf %broadcast_in_dim3A, %div3A_37 : vector<2000x1xf32>
    %sub3A = vector.broadcast %div3A_38 : vector<2000x1xf32> to vector<2000x128xf32>
    %sub3A_39 = arith.subf %add3A_34, %sub3A : vector<2000x128xf32>
    %mul3A_40 = arith.mulf %sub3A_39, %sub3A_39 : vector<2000x128xf32>
    %reduce_sum3A_41 = arith.constant dense<0.000000e+00> : vector<2000xf32>
    %reduce_sum3A_42 = vector.multi_reduction <add>, %mul3A_40, %reduce_sum3A_41 [1] : vector<2000x128xf32> to vector<2000xf32>
    %broadcast_in_dim3A_43 = vector.shape_cast %reduce_sum3A_42 : vector<2000xf32> to vector<2000x1xf32>
    %div3A_44 = arith.constant 1.280000e+02 : f32
    %div3A_45 = vector.broadcast %div3A_44 : f32 to vector<2000x1xf32>
    %div3A_46 = arith.divf %broadcast_in_dim3A_43, %div3A_45 : vector<2000x1xf32>
    %add3A_47 = arith.constant 9.99999974E-6 : f32
    %add3A_48 = vector.broadcast %add3A_47 : f32 to vector<2000x1xf32>
    %add3A_49 = arith.addf %div3A_46, %add3A_48 : vector<2000x1xf32>
    %rsqrt3A = math.rsqrt %add3A_49 : vector<2000x1xf32>
    %mul3A_50 = vector.broadcast %rsqrt3A : vector<2000x1xf32> to vector<2000x128xf32>
    %mul3A_51 = arith.mulf %sub3A_39, %mul3A_50 : vector<2000x128xf32>
    %get3A_52 = arith.constant 0 : index
    %get3A_53 = arith.constant 0 : index
    %get3A_54 = vector.load %arg7[%get3A_52, %get3A_53] : memref<1x128xf32, #tpu.memory_space<vmem>>, vector<1x128xf32>
    %mul3A_55 = vector.broadcast %get3A_54 : vector<1x128xf32> to vector<2000x128xf32>
    %mul3A_56 = arith.mulf %mul3A_51, %mul3A_55 : vector<2000x128xf32>
    %get3A_57 = arith.constant 0 : index
    %get3A_58 = arith.constant 0 : index
    %get3A_59 = vector.load %arg8[%get3A_57, %get3A_58] : memref<1x128xf32, #tpu.memory_space<vmem>>, vector<1x128xf32>
    %add3A_60 = vector.broadcast %get3A_59 : vector<1x128xf32> to vector<2000x128xf32>
    %add3A_61 = arith.addf %mul3A_56, %add3A_60 : vector<2000x128xf32>
    %max3A_62 = arith.constant 0.000000e+00 : f32
    %max3A_63 = vector.broadcast %max3A_62 : f32 to vector<2000x128xf32>
    %max3A_64 = arith.maximumf %add3A_61, %max3A_63 : vector<2000x128xf32>
    %swap3A = arith.constant 0 : index
    %swap3A_65 = arith.constant 0 : index
    %swap3A_66 = vector.load %arg9[%swap3A, %swap3A_65] : memref<2000x128xf32, #tpu.memory_space<vmem>>, vector<2000x128xf32>
    tpu.vector_store %arg9[%swap3A, %swap3A_65], %max3A_64 {strides = array<i32>} : memref<2000x128xf32, #tpu.memory_space<vmem>>, vector<2000x128xf32>,
    return
  }
  func.func @transform_0(%arg0: i32) -> (i32, i32, i32) {
    %c0_i32 = arith.constant 0 : i32
    %c0_i32_0 = arith.constant 0 : i32
    %c0_i32_1 = arith.constant 0 : i32
    return %c0_i32, %arg0, %c0_i32_0 : i32, i32, i32
  }
  func.func @transform_1(%arg0: i32) -> (i32, i32) {
    %c0_i32 = arith.constant 0 : i32
    %c0_i32_0 = arith.constant 0 : i32
    return %arg0, %c0_i32 : i32, i32
  }
  func.func @transform_2(%arg0: i32) -> (i32, i32) {
    %c0_i32 = arith.constant 0 : i32
    %c0_i32_0 = arith.constant 0 : i32
    return %arg0, %c0_i32 : i32, i32
  }
  func.func @transform_3(%arg0: i32) -> (i32, i32) {
    %c0_i32 = arith.constant 0 : i32
    %c0_i32_0 = arith.constant 0 : i32
    %c0_i32_1 = arith.constant 0 : i32
    return %c0_i32, %c0_i32_0 : i32, i32
  }
  func.func @transform_4(%arg0: i32) -> (i32, i32) {
    %c0_i32 = arith.constant 0 : i32
    %c0_i32_0 = arith.constant 0 : i32
    %c0_i32_1 = arith.constant 0 : i32
    return %c0_i32, %c0_i32_0 : i32, i32
  }
  func.func @transform_5(%arg0: i32) -> (i32, i32) {
    %c0_i32 = arith.constant 0 : i32
    %c0_i32_0 = arith.constant 0 : i32
    %c0_i32_1 = arith.constant 0 : i32
    return %c0_i32, %c0_i32_0 : i32, i32
  }
  func.func @transform_6(%arg0: i32) -> (i32, i32) {
    %c0_i32 = arith.constant 0 : i32
    %c0_i32_0 = arith.constant 0 : i32
    %c0_i32_1 = arith.constant 0 : i32
    return %c0_i32, %c0_i32_0 : i32, i32
  }
  func.func @transform_7(%arg0: i32) -> (i32, i32) {
    %c0_i32 = arith.constant 0 : i32
    %c0_i32_0 = arith.constant 0 : i32
    %c0_i32_1 = arith.constant 0 : i32
    return %c0_i32, %c0_i32_0 : i32, i32
  }
  func.func @transform_8(%arg0: i32) -> (i32, i32) {
    %c0_i32 = arith.constant 0 : i32
    %c0_i32_0 = arith.constant 0 : i32
    return %arg0, %c0_i32 : i32, i32
  }
}

module attributes {stable_mosaic.version = 14 : i64} {
  func.func @body(%arg0: i32, %arg1: memref<2x2000x128xf32, #tpu.memory_space<vmem>>, %arg2: memref<2000x1xf32, #tpu.memory_space<vmem>>, %arg3: memref<2000x128xf32, #tpu.memory_space<vmem>>, %arg4: memref<128x128xf32, #tpu.memory_space<vmem>>, %arg5: memref<128x128xf32, #tpu.memory_space<vmem>>, %arg6: memref<1x128xf32, #tpu.memory_space<vmem>>, %arg7: memref<1x128xf32, #tpu.memory_space<vmem>>, %arg8: memref<1x128xf32, #tpu.memory_space<vmem>>, %arg9: memref<2000x128xf32, #tpu.memory_space<vmem>>) attributes {dimension_semantics = [#tpu.dimension_semantics<arbitrary>], iteration_bounds = array<i64: 5>, scalar_prefetch = 0 : i64, scratch_operands = 0 : i64, tpu.core_type = #tpu.core_type<tc>, window_params = [{transform_indices = @transform_0, window_bounds = array<i64: 2, 2000, 128>}, {transform_indices = @transform_1, window_bounds = array<i64: 2000, 1>}, {transform_indices = @transform_2, window_bounds = array<i64: 2000, 128>}, {pipeline_mode = #tpu.pipeline_mode<synchronous>, transform_indices = @transform_3, window_bounds = array<i64: 128, 128>}, {pipeline_mode = #tpu.pipeline_mode<synchronous>, transform_indices = @transform_4, window_bounds = array<i64: 128, 128>}, {pipeline_mode = #tpu.pipeline_mode<synchronous>, transform_indices = @transform_5, window_bounds = array<i64: 1, 128>}, {pipeline_mode = #tpu.pipeline_mode<synchronous>, transform_indices = @transform_6, window_bounds = array<i64: 1, 128>}, {pipeline_mode = #tpu.pipeline_mode<synchronous>, transform_indices = @transform_7, window_bounds = array<i64: 1, 128>}, {transform_indices = @transform_8, window_bounds = array<i64: 2000, 128>}]} {
    %get3A = arith.constant 0 : index
    %get3A_0 = arith.constant 0 : index
    %get3A_1 = vector.load %arg2[%get3A, %get3A_0] : memref<2000x1xf32, #tpu.memory_space<vmem>>, vector<2000x1xf32>
    %max3A = arith.constant 1.000000e+00 : f32
    %max3A_2 = vector.broadcast %max3A : f32 to vector<2000x1xf32>
    %max3A_3 = arith.maximumf %get3A_1, %max3A_2 : vector<2000x1xf32>
    %div3A = arith.constant 1.000000e+00 : f32
    %div3A_4 = vector.broadcast %div3A : f32 to vector<2000x1xf32>
    %div3A_5 = arith.divf %div3A_4, %max3A_3 : vector<2000x1xf32>
    %get3A_6 = arith.constant 0 : index
    %get3A_7 = arith.constant 0 : index
    %get3A_8 = arith.constant 0 : index
    %get3A_9 = vector.load %arg1[%get3A_6, %get3A_7, %get3A_8] : memref<2x2000x128xf32, #tpu.memory_space<vmem>>, vector<1x2000x128xf32>
    %get3A_10 = vector.shape_cast %get3A_9 : vector<1x2000x128xf32> to vector<2000x128xf32>
    %get3A_11 = arith.constant 1 : index
    %get3A_12 = arith.constant 0 : index
    %get3A_13 = arith.constant 0 : index
    %get3A_14 = vector.load %arg1[%get3A_11, %get3A_12, %get3A_13] : memref<2x2000x128xf32, #tpu.memory_space<vmem>>, vector<1x2000x128xf32>
    %get3A_15 = vector.shape_cast %get3A_14 : vector<1x2000x128xf32> to vector<2000x128xf32>
    %add3A = arith.addf %get3A_10, %get3A_15 : vector<2000x128xf32>
    %mul3A = vector.broadcast %div3A_5 : vector<2000x1xf32> to vector<2000x128xf32>
    %mul3A_16 = arith.mulf %add3A, %mul3A : vector<2000x128xf32>
    %get3A_17 = arith.constant 0 : index
    %get3A_18 = arith.constant 0 : index
    %get3A_19 = vector.load %arg3[%get3A_17, %get3A_18] : memref<2000x128xf32, #tpu.memory_space<vmem>>, vector<2000x128xf32>
    %get3A_20 = arith.constant 0 : index
    %get3A_21 = arith.constant 0 : index
    %get3A_22 = vector.load %arg4[%get3A_20, %get3A_21] : memref<128x128xf32, #tpu.memory_space<vmem>>, vector<128x128xf32>
    %dot_general3A = arith.constant dense<0.000000e+00> : vector<2000x128xf32>
    %dot_general3A_23 = tpu.matmul %mul3A_16, %get3A_22, %dot_general3A {dimension_numbers = #tpu.dot_dimension_numbers<[1], [0], [0], [1], [0, 0, 1, 1], [], []>, transpose_lhs_hint = false} : vector<2000x128xf32>, vector<128x128xf32>, vector<2000x128xf32> -> vector<2000x128xf32>
    %get3A_24 = arith.constant 0 : index
    %get3A_25 = arith.constant 0 : index
    %get3A_26 = vector.load %arg5[%get3A_24, %get3A_25] : memref<128x128xf32, #tpu.memory_space<vmem>>, vector<128x128xf32>
    %dot_general3A_27 = arith.constant dense<0.000000e+00> : vector<2000x128xf32>
    %dot_general3A_28 = tpu.matmul %get3A_19, %get3A_26, %dot_general3A_27 {dimension_numbers = #tpu.dot_dimension_numbers<[1], [0], [0], [1], [0, 0, 1, 1], [], []>, transpose_lhs_hint = false} : vector<2000x128xf32>, vector<128x128xf32>, vector<2000x128xf32> -> vector<2000x128xf32>
    %add3A_29 = arith.addf %dot_general3A_23, %dot_general3A_28 : vector<2000x128xf32>
    %get3A_30 = arith.constant 0 : index
    %get3A_31 = arith.constant 0 : index
    %get3A_32 = vector.load %arg6[%get3A_30, %get3A_31] : memref<1x128xf32, #tpu.memory_space<vmem>>, vector<1x128xf32>
    %add3A_33 = vector.broadcast %get3A_32 : vector<1x128xf32> to vector<2000x128xf32>
    %add3A_34 = arith.addf %add3A_29, %add3A_33 : vector<2000x128xf32>
    %reduce_sum3A = arith.constant dense<0.000000e+00> : vector<2000xf32>
    %reduce_sum3A_35 = vector.multi_reduction <add>, %add3A_34, %reduce_sum3A [1] : vector<2000x128xf32> to vector<2000xf32>
    %broadcast_in_dim3A = vector.shape_cast %reduce_sum3A_35 : vector<2000xf32> to vector<2000x1xf32>
    %div3A_36 = arith.constant 1.280000e+02 : f32
    %div3A_37 = vector.broadcast %div3A_36 : f32 to vector<2000x1xf32>
    %div3A_38 = arith.divf %broadcast_in_dim3A, %div3A_37 : vector<2000x1xf32>
    %sub3A = vector.broadcast %div3A_38 : vector<2000x1xf32> to vector<2000x128xf32>
    %sub3A_39 = arith.subf %add3A_34, %sub3A : vector<2000x128xf32>
    %mul3A_40 = arith.mulf %sub3A_39, %sub3A_39 : vector<2000x128xf32>
    %reduce_sum3A_41 = arith.constant dense<0.000000e+00> : vector<2000xf32>
    %reduce_sum3A_42 = vector.multi_reduction <add>, %mul3A_40, %reduce_sum3A_41 [1] : vector<2000x128xf32> to vector<2000xf32>
    %broadcast_in_dim3A_43 = vector.shape_cast %reduce_sum3A_42 : vector<2000xf32> to vector<2000x1xf32>
    %div3A_44 = arith.constant 1.280000e+02 : f32
    %div3A_45 = vector.broadcast %div3A_44 : f32 to vector<2000x1xf32>
    %div3A_46 = arith.divf %broadcast_in_dim3A_43, %div3A_45 : vector<2000x1xf32>
    %add3A_47 = arith.constant 9.99999974E-6 : f32
    %add3A_48 = vector.broadcast %add3A_47 : f32 to vector<2000x1xf32>
    %add3A_49 = arith.addf %div3A_46, %add3A_48 : vector<2000x1xf32>
    %rsqrt3A = math.rsqrt %add3A_49 : vector<2000x1xf32>
    %mul3A_50 = vector.broadcast %rsqrt3A : vector<2000x1xf32> to vector<2000x128xf32>
    %mul3A_51 = arith.mulf %sub3A_39, %mul3A_50 : vector<2000x128xf32>
    %get3A_52 = arith.constant 0 : index
    %get3A_53 = arith.constant 0 : index
    %get3A_54 = vector.load %arg7[%get3A_52, %get3A_53] : memref<1x128xf32, #tpu.memory_space<vmem>>, vector<1x128xf32>
    %mul3A_55 = vector.broadcast %get3A_54 : vector<1x128xf32> to vector<2000x128xf32>
    %mul3A_56 = arith.mulf %mul3A_51, %mul3A_55 : vector<2000x128xf32>
    %get3A_57 = arith.constant 0 : index
    %get3A_58 = arith.constant 0 : index
    %get3A_59 = vector.load %arg8[%get3A_57, %get3A_58] : memref<1x128xf32, #tpu.memory_space<vmem>>, vector<1x128xf32>
    %add3A_60 = vector.broadcast %get3A_59 : vector<1x128xf32> to vector<2000x128xf32>
    %add3A_61 = arith.addf %mul3A_56, %add3A_60 : vector<2000x128xf32>
    %max3A_62 = arith.constant 0.000000e+00 : f32
    %max3A_63 = vector.broadcast %max3A_62 : f32 to vector<2000x128xf32>
    %max3A_64 = arith.maximumf %add3A_61, %max3A_63 : vector<2000x128xf32>
    %add3A_65 = arith.addf %max3A_64, %get3A_19 : vector<2000x128xf32>
    %swap3A = arith.constant 0 : index
    %swap3A_66 = arith.constant 0 : index
    %swap3A_67 = vector.load %arg9[%swap3A, %swap3A_66] : memref<2000x128xf32, #tpu.memory_space<vmem>>, vector<2000x128xf32>
    tpu.vector_store %arg9[%swap3A, %swap3A_66], %add3A_65 {strides = array<i32>} : memref<2000x128xf32, #tpu.memory_space<vmem>>, vector<2000x128xf32>,
    return
  }
  func.func @transform_0(%arg0: i32) -> (i32, i32, i32) {
    %c0_i32 = arith.constant 0 : i32
    %c0_i32_0 = arith.constant 0 : i32
    %c0_i32_1 = arith.constant 0 : i32
    return %c0_i32, %arg0, %c0_i32_0 : i32, i32, i32
  }
  func.func @transform_1(%arg0: i32) -> (i32, i32) {
    %c0_i32 = arith.constant 0 : i32
    %c0_i32_0 = arith.constant 0 : i32
    return %arg0, %c0_i32 : i32, i32
  }
  func.func @transform_2(%arg0: i32) -> (i32, i32) {
    %c0_i32 = arith.constant 0 : i32
    %c0_i32_0 = arith.constant 0 : i32
    return %arg0, %c0_i32 : i32, i32
  }
  func.func @transform_3(%arg0: i32) -> (i32, i32) {
    %c0_i32 = arith.constant 0 : i32
    %c0_i32_0 = arith.constant 0 : i32
    %c0_i32_1 = arith.constant 0 : i32
    return %c0_i32, %c0_i32_0 : i32, i32
  }
  func.func @transform_4(%arg0: i32) -> (i32, i32) {
    %c0_i32 = arith.constant 0 : i32
    %c0_i32_0 = arith.constant 0 : i32
    %c0_i32_1 = arith.constant 0 : i32
    return %c0_i32, %c0_i32_0 : i32, i32
  }
  func.func @transform_5(%arg0: i32) -> (i32, i32) {
    %c0_i32 = arith.constant 0 : i32
    %c0_i32_0 = arith.constant 0 : i32
    %c0_i32_1 = arith.constant 0 : i32
    return %c0_i32, %c0_i32_0 : i32, i32
  }
  func.func @transform_6(%arg0: i32) -> (i32, i32) {
    %c0_i32 = arith.constant 0 : i32
    %c0_i32_0 = arith.constant 0 : i32
    %c0_i32_1 = arith.constant 0 : i32
    return %c0_i32, %c0_i32_0 : i32, i32
  }
  func.func @transform_7(%arg0: i32) -> (i32, i32) {
    %c0_i32 = arith.constant 0 : i32
    %c0_i32_0 = arith.constant 0 : i32
    %c0_i32_1 = arith.constant 0 : i32
    return %c0_i32, %c0_i32_0 : i32, i32
  }
  func.func @transform_8(%arg0: i32) -> (i32, i32) {
    %c0_i32 = arith.constant 0 : i32
    %c0_i32_0 = arith.constant 0 : i32
    return %arg0, %c0_i32 : i32, i32
  }
}

</mosaic_0001>

<sc_bundles>
// kernel: kernel.11.cloned.1.call-start
scs
__scs_entry_jumppad:
0x0: {  	(pc) =	sbr.rel $0x88, $3  }
0x1: {  	(tag) =	ssettag $0x0;
	lr =	simm.s32 $0x1  }
0x2: {  	[smem:$0x3F90] =	sst lr;
	_ =	strace $0xD0000000  }
0x3: {  	_ = 	snop  }
0x4: {  	_ = 	snop  }
0x5: {  	_ = 	snop  }
0x6: {  	_ = 	snop  }
0x7: {  	_ = 	snop  }
__scs_overlays_trampoline_lowered:
0x8: {  	[smem:$0x3F9F] =	sst s0  }
0x9: {  	[smem:$0x3FA0] =	sst s1  }
0xa: {  	[smem:$0x3FA1] =	sst s2  }
0xb: {  	[smem:$0x3FA2] =	sst s3  }
0xc: {  	[smem:$0x3FA3] =	sst s4  }
0xd: {  	[smem:$0x3FA4] =	sst s5  }
0xe: {  	[smem:$0x3FA5] =	sst s6  }
0xf: {  	[smem:$0x3FA6] =	sst s7  }
0x10: {  	[smem:$0x3FA7] =	sst s8  }
0x11: {  	[smem:$0x3FA8] =	sst s9;
	s0 =	simm.s32 @!p0 $0x0  }
0x12: {  	s1 =	sld [smem:$0x3F8E];
	s0 =	simm.s32 @p0 $0x1  }
0x13: {  	[smem:$0x3FA9] =	sst s0;
	s0 =	simm.s32 @!p1 $0x0  }
0x14: {  	s2 =	sld [smem:$0x3F8D];
	s0 =	simm.s32 @p1 $0x1  }
0x15: {  	[smem:$0x3FAA] =	sst s0;
	s0 =	simm.s32 @!p2 $0x0  }
0x16: {  	s3 =	sld [smem:$0x3FDB];
	s0 =	simm.s32 @p2 $0x1  }
0x17: {  	s4 =	simm.s32 $0x1BF5;
	[smem:$0x3FAC] =	sst s0  }
0x18: {  	s0 =	sld [smem:$0x3F8F];
	_ =	swait.ge [sflag:s4], $0x0  }
0x19: {  	s7 =	sld [smem:$0x3F90]  }
0x1a: {  	s8 =	sadd.s32 $0xFFFFE003, lr  }
0x1b: {  	s9 =	sadd.s32 $0xFFFFFEF7, lr;
	s5 =	simm.s32 $0xFFFFFFFF;
	p2 =	slt.u32 s8, $0xFFFFF086  }
0x1c: {  	p1 =	slt.u32 s9, $0xF7A;
	s5 =	simm.s32 @!p2 $0x0  }
0x1d: {  	s5 =	simm.s32 @p1 $0x1;
	p0 =	seq.s32 s7, s2  }
0x1e: {  	s7 =	smul.u32 @!p0 $0xF7A, s2;
	p2 =	seq.s32 @!p0 s5, $0x0  }
0x1f: {  	s9 =	smul.u32 $0xF7A, s1;
	s8 =	simm.s32 @!p0 $0x1BF5;
	p2 =	por !p2, p0  }
0x20: {  	[sflag:s8] =	ssyncset.s32 @!p0 $0xFFFFF086;
	s6 =	sadd.s32 @!p0 s3, s7;
	s7 =	simm.s32 @!p0 $0x108  }
0x21: {  	s3 =	sadd.s32 s3, s9;
	s6 =	sadd.s32 @!p0 $0x88, s6;
	s7 =	simm.s32 @p2 $0x1082  }
0x22: {  	[simem:s7], [sflag:s8] =	dma.local @!p0 [hbm:s6], $0xF7A  }
0x23: {  	s9 =	sor.u32 $0xD0000000, s2;
	s6 =	simm.s32 $0x108;
	_ =	swait.ge @!p0 [sflag:s8], $0x0  }
0x24: {  	s3 =	sadd.s32 $0x88, s3;
	s6 =	simm.s32 @!p1 $0x1082;
	[sflag:s4] =	ssyncset.s32 $0xFFFFF086  }
0x25: {  	[simem:s6], [sflag:s4] =	dma.local [hbm:s3], $0xF7A  }
0x26: {  	[smem:$0x3F90] =	sst s1;
	(tag) =	ssettag s2;
	_ =	strace s9  }
0x27: {  	s1 =	sld [smem:$0x3FA0]  }
0x28: {  	s2 =	sld [smem:$0x3FA1]  }
0x29: {  	s4 =	sld [smem:$0x3FA3]  }
0x2a: {  	p0 =	seq.s32 s5, $0x0;
	s5 =	sld [smem:$0x3FA4]  }
0x2b: {  	s6 =	sld [smem:$0x3FA5]  }
0x2c: {  	s7 =	sld [smem:$0x3FA6]  }
0x2d: {  	s3 =	simm.s32 $0x108;
	s8 =	sld [smem:$0x3FA7]  }
0x2e: {  	s3 =	simm.s32 @!p0 $0x1082;
	s9 =	sld [smem:$0x3FA8]  }
0x2f: {  	lr =	sadd.s32 s0, s3;
	s0 =	sld [smem:$0x3F9F]  }
0x30: {  	s3 =	sld [smem:$0x3FA2]  }
0x31: {  	[smem:$0x3FAB] =	sst s10  }
0x32: {  	s10 =	sld [smem:$0x3FA9];
	_ =	sdelay $0x3  }
0x33: {  	p0 =	seq.s32 s10, $0x1;
	s10 =	sld [smem:$0x3FAB];
	_ =	sdelay $0x3  }
0x34: {  	[smem:$0x3FAB] =	sst s10  }
0x35: {  	s10 =	sld [smem:$0x3FAA];
	_ =	sdelay $0x3  }
0x36: {  	p1 =	seq.s32 s10, $0x1;
	s10 =	sld [smem:$0x3FAB];
	_ =	sdelay $0x3  }
0x37: {  	[smem:$0x3FAB] =	sst s10  }
0x38: {  	s10 =	sld [smem:$0x3FAC]  }
0x39: {  	_ = 	snop;
	(pc) =	sbr.ind lr, $3  }
0x3a: {  	_ = 	snop  }
0x3b: {  	_ = 	snop  }
0x3c: {  	p2 =	seq.s32 s10, $0x1;
	s10 =	sld [smem:$0x3FAB]  }
0x3d: {  	_ =	shalt  }
0x3e: {  	_ =	shalt  }
0x3f: {  	_ =	shalt  }
0x40: {  	_ =	shalt  }
0x41: {  	_ =	shalt  }
0x42: {  	_ =	shalt  }
0x43: {  	_ =	shalt  }
0x44: {  	_ =	shalt  }
0x45: {  	_ =	shalt  }
0x46: {  	_ =	shalt  }
0x47: {  	_ =	shalt  }
0x48: {  	_ =	shalt  }
0x49: {  	_ =	shalt  }
0x4a: {  	_ =	shalt  }
0x4b: {  	_ =	shalt  }
0x4c: {  	_ =	shalt  }
0x4d: {  	_ =	shalt  }
0x4e: {  	_ =	shalt  }
0x4f: {  	_ =	shalt  }
0x50: {  	_ =	shalt  }
0x51: {  	_ =	shalt  }
0x52: {  	_ =	shalt  }
0x53: {  	_ =	shalt  }
0x54: {  	_ =	shalt  }
0x55: {  	_ =	shalt  }
0x56: {  	_ =	shalt  }
0x57: {  	_ =	shalt  }
0x58: {  	_ =	shalt  }
0x59: {  	_ =	shalt  }
0x5a: {  	_ =	shalt  }
0x5b: {  	_ =	shalt  }
0x5c: {  	_ =	shalt  }
0x5d: {  	_ =	shalt  }
0x5e: {  	_ =	shalt  }
0x5f: {  	_ =	shalt  }
0x60: {  	_ =	shalt  }
0x61: {  	_ =	shalt  }
0x62: {  	_ =	shalt  }
0x63: {  	_ =	shalt  }
0x64: {  	_ =	shalt  }
0x65: {  	_ =	shalt  }
0x66: {  	_ =	shalt  }
0x67: {  	_ =	shalt  }
0x68: {  	_ =	shalt  }
0x69: {  	_ =	shalt  }
0x6a: {  	_ =	shalt  }
0x6b: {  	_ =	shalt  }
0x6c: {  	_ =	shalt  }
0x6d: {  	_ =	shalt  }
0x6e: {  	_ =	shalt  }
0x6f: {  	_ =	shalt  }
0x70: {  	_ =	shalt  }
0x71: {  	_ =	shalt  }
0x72: {  	_ =	shalt  }
0x73: {  	_ =	shalt  }
0x74: {  	_ =	shalt  }
0x75: {  	_ =	shalt  }
0x76: {  	_ =	shalt  }
0x77: {  	_ =	shalt  }
0x78: {  	_ =	shalt  }
0x79: {  	_ =	shalt  }
0x7a: {  	_ =	shalt  }
0x7b: {  	_ =	shalt  }
0x7c: {  	_ =	shalt  }
0x7d: {  	_ =	shalt  }
0x7e: {  	_ =	shalt  }
0x7f: {  	_ =	shalt  }
0x80: {  	_ =	shalt  }
0x81: {  	_ =	shalt  }
0x82: {  	_ =	shalt  }
0x83: {  	_ =	shalt  }
0x84: {  	_ =	shalt  }
0x85: {  	_ =	shalt  }
0x86: {  	_ =	shalt  }
0x87: {  	_ =	shalt  }
.Lfunc_end0:
.L_simem_size_0:
called_computation.1_lowered:
.L_overlay_start_0:
0x88: {  	s2 =	sld [smem:$0x3FD9]  }
0x89: {  	s3 =	sld [smem:$0x3FFE];
	_ =	sdelay $0x1  }
0x8a: {  	s1 =	srdreg.scid  }
0x8b: {  	s0 =	sand.u32 $0x1, s1  }
0x8c: {  	s17 =	sshll.u32 s0, $0xA;
	s2 =	sadd.s32 s3, s2  }
0x8d: {  	s2 =	sadd.s32 s2, s17  }
0x8e: {  	[smem:$0x3FB7] =	sst s2  }
0x8f: {  	_ = 	snop  }
0x90: {  	s2 =	sld [smem:$0x3FD0];
	(tm) =	ssettm $0x1  }
0x91: {  	s18 =	sld [smem:$0x3FFB];
	_ =	sdelay $0x3  }
0x92: {  	_ =	strace s18  }
0x93: {  	s3 =	sld [smem:$0x3FFC];
	_ =	sdelay $0x3  }
0x94: {  	_ =	strace s3  }
0x95: {  	s3 =	sld [smem:$0x3FFD];
	_ =	sdelay $0x3  }
0x96: {  	_ =	strace s3  }
0x97: {  	_ =	strace $0x8FFFFFFF  }
0x98: {  	s19 =	sld [smem:$0x3FDB];
	_ =	sdelay $0x1  }
0x99: {  	s4 =	simm.s32 $_scs_section_size  }
0x9a: {  	s5 =	simm.s32 $_size__tile_overlayer_lowered;
	s6 =	simm.s32 $_tile_overlayer_lowered  }
0x9b: {  	s22 =	simm.s32 $0x1BFF;
	s21 =	sshll.u32 s6, $0x1;
	s3 =	sadd.s32 s4, s19  }
0x9c: {  	s7 =	simm.s32 $0x0;
	s20 =	sshll.u32 s5, $0x1;
	s5 =	sadd.s32 s21, s3  }
0x9d: {  	[timem:s7], [sflag:s22] =	dma.local [hbm:s5], s20  }
0x9e: {  	_ =	swait.ge [sflag:s22], s20  }
0x9f: {  	s4 =	ssub.s32 $0x0, s20;
	[sflag:s22] =	ssyncset.done $0x0  }
0xa0: {  	[sflag:s22] =	ssyncadd.s32 s4;
	_ =	sdelay $0x1  }
0xa1: {  	s23 =	simm.s32 $0x1B8B  }
0xa2: {  	_ =	swait.ge [sflag:s23], $0x1  }
0xa3: {  	[sflag:s23] =	ssyncset.done $0x0  }
0xa4: {  	s25 =	simm.s32 $0x1B8E;
	s24 =	sld [smem:$0x3FFE];
	[sflag:s23] =	ssyncadd.s32 $0xFFFFFFFF  }
0xa5: {  	s26 =	simm.s32 $execute0_lowered;
	[smem:$0x3FD2] =	sst s25  }
0xa6: {  	s5 =	sshll.u32 s26, $0x1;
	_ =	strace $0x80000049;
	[dreg:$0x1] =	wrdreg $0xFFFFFFFF  }
0xa7: {  	s28 =	simm.s32 $_size_execute0_lowered;
	s3 =	sadd.s32 s3, s5;
	[dreg:$0x0] =	wrdreg $0x0  }
0xa8: {  	s5 =	sshll.u32 s28, $0x1;
	[dreg:$0x2] =	wrdreg s3  }
0xa9: {  	[dreg:$0x3] =	wrdreg s5  }
0xaa: {  	[dreg:$0x4] =	wrdreg $0xC0  }
0xab: {  	_ =	task [dreg:s7], $0x5FFFF  }
0xac: {  	[dreg:$0x1] =	wrdreg $0xFFFFFFFF  }
0xad: {  	[dreg:$0x0] =	wrdreg $0x60  }
0xae: {  	[dreg:$0x2] =	wrdreg s2  }
0xaf: {  	[dreg:$0x3] =	wrdreg s24  }
0xb0: {  	[dreg:$0x4] =	wrdreg $0x0  }
0xb1: {  	[dreg:$0x5] =	wrdreg $0x140000  }
0xb2: {  	[dreg:$0x6] =	wrdreg $0x9  }
0xb3: {  	_ =	task.clear_ibuf [dreg:s7], $0x7FFFF;
	_ =	strace $0x90000049  }
0xb4: {  	s29 =	simm.s32 $0x9;
	_ =	strace $0x8000004B  }
0xb5: {  	_ =	swait.ge [sflag:s29], $0x1  }
0xb6: {  	[sflag:s29] =	ssyncadd.s32 $0xFFFFFFFF  }
0xb7: {  	_ =	strace $0x9000004B  }
0xb8: {  	_ =	sfence  }
0xb9: {  	s30 =	sld [smem:$0x0];
	_ =	sdelay $0x2  }
0xba: {  	s31 =	sshll.u32 s1, $0xD;
	s1 =	sshrl.u32 s1, $0x2  }
0xbb: {  	s3 =	sand.u32 $0x4000, s31;
	s1 =	sadd.s32 s1, s30  }
0xbc: {  	s0 =	sor.u32 s3, s0;
	s1 =	sshll.u32 s1, $0x11  }
0xbd: {  	s0 =	sor.u32 s1, s0  }
0xbe: {  	s0 =	sadd.s32 $0x8F2B, s0  }
0xbf: {  	[sflag:s0] =	ssyncadd.remote.s32 $0x1  }
0xc0: {  	_ =	sfence.sel $0xFFFF  }
0xc1: {  	[dreg:$0x0] =	wrdreg $0xFFFFFFFF;
	(pc) =	sbr.abs _section_cstart, $3  }
0xc2: {  	[dreg:$0x1] =	wrdreg $0xFFFFFFFF  }
0xc3: {  	_ =	task.clear_ibuf [dreg:s7], $0x2FFFF;
	_ =	strace $0x9FFFFFFF  }
0xc4: {  	(tm) =	ssettm $0x7FFFFFFF  }
0xc5: {  	_ =	shalt  }
tec
execute0_lowered:
.L_overlay_start_1:
0x0: {  	(tag) =	ssettag $0x1  }
0x1: {  	s1 =	rddreg [dreg:$0x0]  }
0x2: {  	s0 =	rddreg [dreg:$0x1]  }
0x3: {  	s3 =	rddreg [dreg:$0x2];
	s14 =	stileid.u32  }
0x4: {  	s4 =	rddreg [dreg:$0x3];
	s8 =	smul.u32 $0x280, s14  }
0x5: {  	s2 =	srdreg.scid;
	s5 =	simm.s32 $0x0;
	s11 =	smul.u32 $0x2710, s14  }
0x6: {  	s2 =	sand.u32 $0x1, s2;
	[smem:$0x7FF] =	sst s5;
	s25 =	smul.u32 $0x50000, s14  }
0x7: {  	s6 =	sadd.s32 $0xDE00, s0;
	s7 =	sadd.s32 $0x4000, s0;
	s9 =	smul.u32 $0x2800, s2  }
0x8: {  	s26 =	sshrl.u32 s14, $0x3;
	s17 =	sshll.u32 s14, $0x7;
	s10 =	smul.u32 $0x28000, s2  }
0x9: {  	_ =	strace $0x8000004A;
	s24 =	smul.u32 $0x27100, s2;
	s2 =	ssub.s32 $0x2, s2  }
0xa: {  	s12 =	sshrl.u32 s2, $0x1;
	s8 =	sadd.s32 s8, s9;
	s10 =	sadd.s32 s10, s0  }
0xb: {  	s9 =	sadd.s32 s11, s24;
	s11 =	smul.u32 $0x50000, s26;
	s2 =	ssub.s32 s2, s12  }
0xc: {  	s12 =	sand.u32 $0x380, s17;
	s13 =	sshrl.u32 s9, $0x3;
	s2 =	smax.u32 s2, $0x1  }
0xd: {  	s24 =	sadd.s32 $0xF0, s9;
	s9 =	sadd.s32 $0xA0, s9;
	[dreg:$0xc] =	wrdreg s2  }
0xe: {  	s8 =	sshrl.u32 s8, $0x3;
	s15 =	sadd.s32 s6, s13;
	[dreg:$0x13] =	wrdreg s9  }
0xf: {  	s16 =	sadd.s32 s7, s13;
	s13 =	sadd.s32 $0xA, s13;
	[dreg:$0x6] =	wrdreg s15  }
0x10: {  	s0 =	sadd.s32 s8, s0;
	[dreg:$0x7] =	wrdreg s16;
	s15 =	sadd.s32 s6, s13  }
0x11: {  	s8 =	sshrl.u32 s25, $0x2;
	s13 =	sadd.s32 s7, s13;
	[dreg:$0x8] =	wrdreg s15  }
0x12: {  	s11 =	sshrl.u32 s11, $0x2;
	s0 =	sadd.s32 $0x17C00, s0;
	[dreg:$0x9] =	wrdreg s13  }
0x13: {  	s8 =	sadd.s32 s8, s3;
	s11 =	sadd.s32 s11, s4;
	[dreg:$0xb] =	wrdreg s0  }
0x14: {  	s11 =	sadd.s32 s12, s11;
	[dreg:$0x5] =	wrdreg s8  }
0x15: {  	s21 =	sadd.s32 $0x1000, s8;
	[dreg:$0xa] =	wrdreg s11  }
0x16: {  	s22 =	sadd.s32 $0x2000, s8;
	[dreg:$0xd] =	wrdreg s21  }
0x17: {  	s23 =	sadd.s32 $0x3000, s8;
	[dreg:$0xe] =	wrdreg s22  }
0x18: {  	s20 =	smul.u32 $0x2800, s14;
	s25 =	sadd.s32 $0x4000, s8;
	[dreg:$0xf] =	wrdreg s23  }
0x19: {  	s19 =	sadd.s32 $0x18600, s10;
	s26 =	sadd.s32 $0x5000, s8;
	[dreg:$0x10] =	wrdreg s25  }
0x1a: {  	s28 =	simm.s32 $0x16980;
	s0 =	sadd.s32 s20, s19;
	[dreg:$0x11] =	wrdreg s26  }
0x1b: {  	s29 =	simm.s32 $0x1CA00;
	s10 =	sadd.s32 $0x6000, s8;
	[dreg:$0x12] =	wrdreg s0  }
0x1c: {  	s30 =	simm.s32 $0x1;
	s12 =	sadd.s32 $0x8000, s8;
	[dreg:$0x14] =	wrdreg s10  }
0x1d: {  	s31 =	simm.s32 $0x80;
	s13 =	sadd.s32 $0x9000, s8;
	[dreg:$0x16] =	wrdreg s12  }
0x1e: {  	s18 =	smul.u32 $0x5000, s14;
	s14 =	sadd.s32 $0xA000, s8;
	[dreg:$0x17] =	wrdreg s13  }
0x1f: {  	s2 =	sshrl.u32 s24, $0x3;
	s15 =	sadd.s32 $0xB000, s8;
	[dreg:$0x18] =	wrdreg s14  }
0x20: {  	s9 =	simm.s32 $0x2;
	s16 =	sadd.s32 $0xC000, s8;
	[dreg:$0x19] =	wrdreg s15  }
0x21: {  	s17 =	sadd.s32 $0xD000, s8;
	s19 =	sadd.s32 $0xF000, s8;
	[dreg:$0x1a] =	wrdreg s16  }
0x22: {  	s20 =	sadd.s32 $0x10000, s8;
	s24 =	sadd.s32 $0x12000, s8;
	[dreg:$0x1b] =	wrdreg s17  }
0x23: {  	s22 =	sadd.s32 s2, s7;
	s23 =	sadd.s32 s2, s6;
	[dreg:$0x1d] =	wrdreg s19  }
0x24: {  	s25 =	sshrl.u32 s18, $0x2;
	s11 =	sadd.s32 $0x7000, s8;
	[dreg:$0x1e] =	wrdreg s20  }
0x25: {  	s18 =	sadd.s32 $0xE000, s8;
	s21 =	sadd.s32 $0x11000, s8;
	[smem:$0x7FC] =	sst s24  }
0x26: {  	s26 =	sadd.s32 $0x13000, s8;
	s16 =	simm.s32 $0x1BA00;
	s17 =	simm.s32 $0x3  }
0x27: {  	s19 =	simm.s32 $0x16900;
	s20 =	simm.s32 $0x50;
	[dreg:$0x15] =	wrdreg s11  }
0x28: {  	s24 =	simm.s32 $0x19200;
	s0 =	simm.s32 $0x400;
	[dreg:$0x1c] =	wrdreg s18  }
0x29: {  	s2 =	simm.s32 $0x1F480;
	s10 =	simm.s32 $0x0;
	[dreg:$0x1f] =	wrdreg s21  }
0x2a: {  	v0 =	vimm.f32 $0.0e+00;
	v1 =	vimm.f32 $1.000000000e+00;
	[smem:$0x7FD] =	sst s26;
	s18 =	simm.s32 $0x16800;
	s21 =	simm.s32 $0x16A00  }
.LBB2_1:
0x2b: {  	s11 =	simm.s32 $0x0;
	s12 =	simm.s32 $0x200  }
.LBB2_2:
0x2c: {  	p0 =	sne.s32 s12, $0x3E00;
	[tilespmem:s11+$0x1BA70] =	vst v0  }
0x2d: {  	[tilespmem:s11+$0x1BA00] =	vst v0  }
0x2e: {  	[tilespmem:s11+$0x1BA10] =	vst v0  }
.Ltmp0:
0x2f: {  	[tilespmem:s11+$0x1BA20] =	vst v0;
	(pc) =	sbr.rel @p0 .LBB2_2-.Ltmp0, $4  }
0x30: {  	[tilespmem:s11+$0x1BA30] =	vst v0  }
0x31: {  	[tilespmem:s11+$0x1BA40] =	vst v0  }
0x32: {  	[tilespmem:s11+$0x1BA50] =	vst v0  }
0x33: {  	[tilespmem:s11+$0x1BA60] =	vst v0;
	s11 =	sshra.s32 s12, $0x2;
	s12 =	sadd.s32 $0x200, s12  }
0x34: {  	[tilespmem:s11+$0x1BA70] =	vst v0  }
0x35: {  	[tilespmem:s11+$0x1BA00] =	vst v0  }
0x36: {  	[tilespmem:s11+$0x1BA10] =	vst v0  }
0x37: {  	[tilespmem:s11+$0x1BA20] =	vst v0  }
0x38: {  	[tilespmem:s11+$0x1BA30] =	vst v0  }
0x39: {  	[tilespmem:s11+$0x1BA40] =	vst v0  }
0x3a: {  	[tilespmem:s11+$0x1BA50] =	vst v0  }
0x3b: {  	[tilespmem:s11+$0x1BA60] =	vst v0;
	s8 =	rddreg [dreg:$0x5]  }
0x3c: {  	[spmem:s8] =	stream.linear.scatter [tilespmem:s16], [sflag:$0x3], $0x1000, $0x38;
	[tilespmem:$0x1F700] =	vst v63  }
0x3d: {  	_ =	swait.ge [sflag:s17], $0x1000  }
0x3e: {  	[sflag:s17] =	ssyncset.done $0x0  }
0x3f: {  	s26 =	rddreg [dreg:$0xd];
	[sflag:s17] =	ssyncadd.s32 $0xFFFFF000  }
0x40: {  	[spmem:s26] =	stream.linear.scatter [tilespmem:s16], [sflag:$0x3], $0x1000, $0x38;
	[tilespmem:$0x1F700] =	vst v63  }
0x41: {  	_ =	swait.ge [sflag:s17], $0x1000  }
0x42: {  	[sflag:s17] =	ssyncset.done $0x0  }
0x43: {  	s11 =	rddreg [dreg:$0xe];
	[sflag:s17] =	ssyncadd.s32 $0xFFFFF000  }
0x44: {  	[spmem:s11] =	stream.linear.scatter [tilespmem:s16], [sflag:$0x3], $0x1000, $0x38;
	[tilespmem:$0x1F700] =	vst v63  }
0x45: {  	_ =	swait.ge [sflag:s17], $0x1000  }
0x46: {  	[sflag:s17] =	ssyncset.done $0x0  }
0x47: {  	s12 =	rddreg [dreg:$0xf];
	[sflag:s17] =	ssyncadd.s32 $0xFFFFF000  }
0x48: {  	[spmem:s12] =	stream.linear.scatter [tilespmem:s16], [sflag:$0x3], $0x1000, $0x38;
	[tilespmem:$0x1F700] =	vst v63  }
0x49: {  	_ =	swait.ge [sflag:s17], $0x1000  }
0x4a: {  	[sflag:s17] =	ssyncset.done $0x0  }
0x4b: {  	s13 =	rddreg [dreg:$0x10];
	[sflag:s17] =	ssyncadd.s32 $0xFFFFF000  }
0x4c: {  	[spmem:s13] =	stream.linear.scatter [tilespmem:s16], [sflag:$0x3], $0x1000, $0x38;
	[tilespmem:$0x1F700] =	vst v63  }
0x4d: {  	_ =	swait.ge [sflag:s17], $0x1000  }
0x4e: {  	[sflag:s17] =	ssyncset.done $0x0  }
0x4f: {  	s14 =	rddreg [dreg:$0x11];
	[sflag:s17] =	ssyncadd.s32 $0xFFFFF000  }
0x50: {  	[spmem:s14] =	stream.linear.scatter [tilespmem:s16], [sflag:$0x3], $0x1000, $0x38;
	[tilespmem:$0x1F700] =	vst v63  }
0x51: {  	_ =	swait.ge [sflag:s17], $0x1000  }
0x52: {  	[sflag:s17] =	ssyncset.done $0x0  }
0x53: {  	s15 =	rddreg [dreg:$0x14];
	[sflag:s17] =	ssyncadd.s32 $0xFFFFF000  }
0x54: {  	[spmem:s15] =	stream.linear.scatter [tilespmem:s16], [sflag:$0x3], $0x1000, $0x38;
	[tilespmem:$0x1F700] =	vst v63  }
0x55: {  	_ =	swait.ge [sflag:s17], $0x1000  }
0x56: {  	[sflag:s17] =	ssyncset.done $0x0  }
0x57: {  	s26 =	rddreg [dreg:$0x15];
	[sflag:s17] =	ssyncadd.s32 $0xFFFFF000  }
0x58: {  	[spmem:s26] =	stream.linear.scatter [tilespmem:s16], [sflag:$0x3], $0x1000, $0x38;
	[tilespmem:$0x1F700] =	vst v63  }
0x59: {  	_ =	swait.ge [sflag:s17], $0x1000  }
0x5a: {  	[sflag:s17] =	ssyncset.done $0x0  }
0x5b: {  	s11 =	rddreg [dreg:$0x16];
	[sflag:s17] =	ssyncadd.s32 $0xFFFFF000  }
0x5c: {  	[spmem:s11] =	stream.linear.scatter [tilespmem:s16], [sflag:$0x3], $0x1000, $0x38;
	[tilespmem:$0x1F700] =	vst v63  }
0x5d: {  	_ =	swait.ge [sflag:s17], $0x1000  }
0x5e: {  	[sflag:s17] =	ssyncset.done $0x0  }
0x5f: {  	s12 =	rddreg [dreg:$0x17];
	[sflag:s17] =	ssyncadd.s32 $0xFFFFF000  }
0x60: {  	[spmem:s12] =	stream.linear.scatter [tilespmem:s16], [sflag:$0x3], $0x1000, $0x38;
	[tilespmem:$0x1F700] =	vst v63  }
0x61: {  	_ =	swait.ge [sflag:s17], $0x1000  }
0x62: {  	[sflag:s17] =	ssyncset.done $0x0  }
0x63: {  	s13 =	rddreg [dreg:$0x18];
	[sflag:s17] =	ssyncadd.s32 $0xFFFFF000  }
0x64: {  	[spmem:s13] =	stream.linear.scatter [tilespmem:s16], [sflag:$0x3], $0x1000, $0x38;
	[tilespmem:$0x1F700] =	vst v63  }
0x65: {  	_ =	swait.ge [sflag:s17], $0x1000  }
0x66: {  	[sflag:s17] =	ssyncset.done $0x0  }
0x67: {  	s14 =	rddreg [dreg:$0x19];
	[sflag:s17] =	ssyncadd.s32 $0xFFFFF000  }
0x68: {  	[spmem:s14] =	stream.linear.scatter [tilespmem:s16], [sflag:$0x3], $0x1000, $0x38;
	[tilespmem:$0x1F700] =	vst v63  }
0x69: {  	_ =	swait.ge [sflag:s17], $0x1000  }
0x6a: {  	[sflag:s17] =	ssyncset.done $0x0  }
0x6b: {  	s15 =	rddreg [dreg:$0x1a];
	[sflag:s17] =	ssyncadd.s32 $0xFFFFF000  }
0x6c: {  	[spmem:s15] =	stream.linear.scatter [tilespmem:s16], [sflag:$0x3], $0x1000, $0x38;
	[tilespmem:$0x1F700] =	vst v63  }
0x6d: {  	_ =	swait.ge [sflag:s17], $0x1000  }
0x6e: {  	[sflag:s17] =	ssyncset.done $0x0  }
0x6f: {  	s26 =	rddreg [dreg:$0x1b];
	[sflag:s17] =	ssyncadd.s32 $0xFFFFF000  }
0x70: {  	[spmem:s26] =	stream.linear.scatter [tilespmem:s16], [sflag:$0x3], $0x1000, $0x38;
	[tilespmem:$0x1F700] =	vst v63  }
0x71: {  	_ =	swait.ge [sflag:s17], $0x1000  }
0x72: {  	[sflag:s17] =	ssyncset.done $0x0  }
0x73: {  	s11 =	rddreg [dreg:$0x1c];
	[sflag:s17] =	ssyncadd.s32 $0xFFFFF000  }
0x74: {  	[spmem:s11] =	stream.linear.scatter [tilespmem:s16], [sflag:$0x3], $0x1000, $0x38;
	[tilespmem:$0x1F700] =	vst v63  }
0x75: {  	_ =	swait.ge [sflag:s17], $0x1000  }
0x76: {  	[sflag:s17] =	ssyncset.done $0x0  }
0x77: {  	s12 =	rddreg [dreg:$0x1d];
	[sflag:s17] =	ssyncadd.s32 $0xFFFFF000  }
0x78: {  	[spmem:s12] =	stream.linear.scatter [tilespmem:s16], [sflag:$0x3], $0x1000, $0x38;
	[tilespmem:$0x1F700] =	vst v63  }
0x79: {  	_ =	swait.ge [sflag:s17], $0x1000  }
0x7a: {  	[sflag:s17] =	ssyncset.done $0x0  }
0x7b: {  	s13 =	rddreg [dreg:$0x1e];
	[sflag:s17] =	ssyncadd.s32 $0xFFFFF000  }
0x7c: {  	[spmem:s13] =	stream.linear.scatter [tilespmem:s16], [sflag:$0x3], $0x1000, $0x38;
	[tilespmem:$0x1F700] =	vst v63  }
0x7d: {  	_ =	swait.ge [sflag:s17], $0x1000  }
0x7e: {  	[sflag:s17] =	ssyncset.done $0x0  }
0x7f: {  	s14 =	rddreg [dreg:$0x1f];
	[sflag:s17] =	ssyncadd.s32 $0xFFFFF000  }
0x80: {  	[spmem:s14] =	stream.linear.scatter [tilespmem:s16], [sflag:$0x3], $0x1000, $0x38;
	[tilespmem:$0x1F700] =	vst v63  }
0x81: {  	_ =	swait.ge [sflag:s17], $0x1000  }
0x82: {  	s15 =	sld [smem:$0x7FC]  }
0x83: {  	[sflag:s17] =	ssyncset.done $0x0  }
0x84: {  	[sflag:s17] =	ssyncadd.s32 $0xFFFFF000  }
0x85: {  	[spmem:s15] =	stream.linear.scatter [tilespmem:s16], [sflag:$0x3], $0x1000, $0x38;
	[tilespmem:$0x1F700] =	vst v63  }
0x86: {  	_ =	swait.ge [sflag:s17], $0x1000  }
0x87: {  	s26 =	sld [smem:$0x7FD]  }
0x88: {  	[sflag:s17] =	ssyncset.done $0x0  }
0x89: {  	[sflag:s17] =	ssyncadd.s32 $0xFFFFF000  }
0x8a: {  	[spmem:s26] =	stream.linear.scatter [tilespmem:s16], [sflag:$0x3], $0x1000, $0x38;
	[tilespmem:$0x1F700] =	vst v63  }
0x8b: {  	_ =	swait.ge [sflag:s17], $0x1000  }
0x8c: {  	[sflag:s17] =	ssyncset.done $0x0  }
0x8d: {  	s11 =	simm.s32 $0x40;
	s12 =	simm.s32 $0x0;
	[sflag:s17] =	ssyncadd.s32 $0xFFFFF000  }
.LBB2_4:
0x8e: {  	p0 =	sne.s32 s11, $0x9FC0;
	[tilespmem:s12+$0x1CA00] =	vst v0;
	s12 =	smov.u32 s11;
	s11 =	sadd.s32 $0x40, s11  }
.Ltmp1:
0x8f: {  	(pc) =	sbr.rel @p0 .LBB2_4-.Ltmp1, $2  }
0x90: {  	_ =	sdelay $0x2  }
0x91: {  	s12 =	sshra.s32 s12, $0x2  }
0x92: {  	[tilespmem:s12+$0x1CA00] =	vst v0  }
0x93: {  	[bflag:$0x0] =	sbarrier.arrive $0xFFFF  }
0x94: {  	s11 =	simm.s32 $0x0;
	s8 =	rddreg [dreg:$0x6]  }
0x95: {  	[tilespmem:s18], [sflag:$0x3] =	stream.linear.gather [hbm4b:s8+s11], $0x50, $0x38;
	[tilespmem:$0x1F700] =	vst v63  }
0x96: {  	_ =	swait.ge [sflag:s17], $0x50  }
0x97: {  	[sflag:s17] =	ssyncset.done $0x0  }
0x98: {  	s13 =	rddreg [dreg:$0x7];
	[sflag:s17] =	ssyncadd.s32 $0xFFFFFFB0  }
0x99: {  	[tilespmem:s19], [sflag:$0x3] =	stream.linear.gather [hbm4b:s13+s11], $0x50, $0x38;
	[tilespmem:$0x1F700] =	vst v63  }
0x9a: {  	_ =	swait.ge [sflag:s17], $0x50  }
0x9b: {  	[sflag:s17] =	ssyncset.done $0x0  }
0x9c: {  	[sflag:s17] =	ssyncadd.s32 $0xFFFFFFB0  }
0x9d: {  	[tilespmem:s21], [sflag:$0x1] =	stream.indirect.gather [hbm4b:s1+s20], $0x80, s18, s20, $0xb8;
	[tilespmem:$0x1F700] =	vst v63  }
0x9e: {  	s15 =	simm.s32 $0x16880;
	s14 =	rddreg [dreg:$0x8]  }
0x9f: {  	[tilespmem:s15], [sflag:$0x3] =	stream.linear.gather [hbm4b:s14+s11], $0x50, $0x38;
	[tilespmem:$0x1F700] =	vst v63  }
0xa0: {  	_ =	swait.ge [sflag:s17], $0x50  }
0xa1: {  	[sflag:s17] =	ssyncset.done $0x0  }
0xa2: {  	s26 =	rddreg [dreg:$0x9];
	[sflag:s17] =	ssyncadd.s32 $0xFFFFFFB0  }
0xa3: {  	[tilespmem:s28], [sflag:$0x3] =	stream.linear.gather [hbm4b:s26+s11], $0x50, $0x38;
	[tilespmem:$0x1F700] =	vst v63  }
0xa4: {  	_ =	swait.ge [sflag:s17], $0x50  }
0xa5: {  	[sflag:s17] =	ssyncset.done $0x0  }
0xa6: {  	s12 =	rddreg [dreg:$0x13];
	[sflag:s17] =	ssyncadd.s32 $0xFFFFFFB0  }
0xa7: {  	[tilespmem:s24], [sflag:$0x2] =	stream.indirect.gather [hbm4b:s1+s20], $0x80, s15, s20, $0xb8;
	[tilespmem:$0x1F700] =	vst v63  }
.LBB2_6:
0xa8: {  	v2 =	vld [tilespmem:$0x16900];
	_ =	sdelay $0x7  }
0xa9: {  	[tilespmem:v2+s29+$0x0] =	vst.idx.add.f32.msk $0xffff, v1  }
0xaa: {  	v2 =	vld [tilespmem:$0x16910];
	_ =	sdelay $0x7  }
0xab: {  	[tilespmem:v2+s29+$0x0] =	vst.idx.add.f32.msk $0xffff, v1  }
0xac: {  	v2 =	vld [tilespmem:$0x16920];
	_ =	sdelay $0x7  }
0xad: {  	[tilespmem:v2+s29+$0x0] =	vst.idx.add.f32.msk $0xffff, v1  }
0xae: {  	v2 =	vld [tilespmem:$0x16930];
	_ =	sdelay $0x7  }
0xaf: {  	[tilespmem:v2+s29+$0x0] =	vst.idx.add.f32.msk $0xffff, v1  }
0xb0: {  	v2 =	vld [tilespmem:$0x16940];
	_ =	sdelay $0x7  }
0xb1: {  	[tilespmem:v2+s29+$0x0] =	vst.idx.add.f32.msk $0xffff, v1  }
0xb2: {  	_ =	swait.ge [sflag:s30], $0x2800  }
0xb3: {  	p0 =	seq.s32 s11, $0x4D8;
	[sflag:s30] =	ssyncset.done $0x0  }
.Ltmp2:
0xb4: {  	[sflag:s30] =	ssyncadd.s32 $0xFFFFD800;
	(pc) =	sbr.rel @p0 .LBB2_8-.Ltmp2, $4  }
0xb5: {  	[spmem:s3] =	stream.indirect.scatter.add.f32 [tilespmem:s21], [sflag:$0x3], $0x80, s19, s20, $0xb8;
	[tilespmem:$0x1F700] =	vst v63  }
0xb6: {  	_ =	swait.ge [sflag:s17], $0x2800  }
0xb7: {  	[sflag:s17] =	ssyncset.done $0x0  }
0xb8: {  	[sflag:s17] =	ssyncadd.s32 $0xFFFFD800  }
0xb9: {  	s13 =	sshrl.u32 s12, $0x3  }
0xba: {  	s14 =	sadd.s32 s6, s13  }
0xbb: {  	[tilespmem:s18], [sflag:$0x3] =	stream.linear.gather [hbm4b:s14+s5], $0x50, $0x38;
	[tilespmem:$0x1F700] =	vst v63  }
0xbc: {  	_ =	swait.ge [sflag:s17], $0x50  }
0xbd: {  	[sflag:s17] =	ssyncset.done $0x0  }
0xbe: {  	s13 =	sadd.s32 s7, s13;
	[sflag:s17] =	ssyncadd.s32 $0xFFFFFFB0  }
0xbf: {  	[tilespmem:s19], [sflag:$0x3] =	stream.linear.gather [hbm4b:s13+s5], $0x50, $0x38;
	[tilespmem:$0x1F700] =	vst v63  }
0xc0: {  	_ =	swait.ge [sflag:s17], $0x50  }
0xc1: {  	[sflag:s17] =	ssyncset.done $0x0  }
0xc2: {  	[sflag:s17] =	ssyncadd.s32 $0xFFFFFFB0  }
0xc3: {  	[tilespmem:s21], [sflag:$0x1] =	stream.indirect.gather [hbm4b:s1+s20], $0x80, s18, s20, $0xb8;
	[tilespmem:$0x1F700] =	vst v63  }
0xc4: {  	v2 =	vld [tilespmem:$0x16980];
	_ =	sdelay $0x7  }
0xc5: {  	[tilespmem:v2+s29+$0x0] =	vst.idx.add.f32.msk $0xffff, v1  }
0xc6: {  	v2 =	vld [tilespmem:$0x16990];
	_ =	sdelay $0x7  }
0xc7: {  	[tilespmem:v2+s29+$0x0] =	vst.idx.add.f32.msk $0xffff, v1  }
0xc8: {  	v2 =	vld [tilespmem:$0x169A0];
	_ =	sdelay $0x7  }
0xc9: {  	[tilespmem:v2+s29+$0x0] =	vst.idx.add.f32.msk $0xffff, v1  }
0xca: {  	v2 =	vld [tilespmem:$0x169B0];
	_ =	sdelay $0x7  }
0xcb: {  	[tilespmem:v2+s29+$0x0] =	vst.idx.add.f32.msk $0xffff, v1  }
0xcc: {  	v2 =	vld [tilespmem:$0x169C0];
	_ =	sdelay $0x7  }
0xcd: {  	[tilespmem:v2+s29+$0x0] =	vst.idx.add.f32.msk $0xffff, v1  }
0xce: {  	_ =	swait.ge [sflag:s9], $0x2800  }
0xcf: {  	[sflag:s9] =	ssyncset.done $0x0  }
0xd0: {  	[sflag:s9] =	ssyncadd.s32 $0xFFFFD800  }
0xd1: {  	[spmem:s3] =	stream.indirect.scatter.add.f32 [tilespmem:s24], [sflag:$0x3], $0x80, s28, s20, $0xb8;
	[tilespmem:$0x1F700] =	vst v63  }
0xd2: {  	p0 =	seq.s32 s11, $0x4C4;
	_ =	swait.ge [sflag:s17], $0x2800  }
0xd3: {  	s15 =	simm.s32 @!p0 $0x16880;
	[sflag:s17] =	ssyncset.done $0x0  }
0xd4: {  	s14 =	simm.s32 @!p0 $0x0;
	s13 =	sadd.s32 @!p0 s11, s23;
	[sflag:s17] =	ssyncadd.s32 $0xFFFFD800  }
0xd5: {  	[tilespmem:s15], [sflag:$0x3] =	stream.linear.gather @!p0 [hbm4b:s13+s14], $0x50, $0x38;
	[tilespmem:$0x1F700] =	vst v63  }
0xd6: {  	s13 =	simm.s32 @!p0 $0x3  }
0xd7: {  	_ =	swait.ge @!p0 [sflag:s13], $0x50  }
0xd8: {  	[sflag:s13] =	ssyncset.done @!p0 $0x0  }
0xd9: {  	s26 =	sadd.s32 @!p0 s11, s22;
	s8 =	simm.s32 @!p0 $0x16980;
	[sflag:s13] =	ssyncadd.s32 @!p0 $0xFFFFFFB0  }
0xda: {  	[tilespmem:s8], [sflag:$0x3] =	stream.linear.gather @!p0 [hbm4b:s26+s14], $0x50, $0x38;
	[tilespmem:$0x1F700] =	vst v63  }
.Ltmp3:
0xdb: {  	_ = 	snop;
	(pc) =	sbr.rel .LBB2_6-.Ltmp3, $4  }
0xdc: {  	_ =	swait.ge @!p0 [sflag:s13], $0x50  }
0xdd: {  	s12 =	sadd.s32 $0xA0, s12;
	s11 =	sadd.s32 $0x14, s11;
	[sflag:s13] =	ssyncset.done @!p0 $0x0  }
0xde: {  	s8 =	simm.s32 @!p0 $0x50;
	[sflag:s13] =	ssyncadd.s32 @!p0 $0xFFFFFFB0;
	s13 =	simm.s32 @!p0 $0x19200  }
0xdf: {  	[tilespmem:s13], [sflag:$0x2] =	stream.indirect.gather @!p0 [hbm4b:s1+s8], $0x80, s15, s8, $0xb8;
	[tilespmem:$0x1F700] =	vst v63  }
.LBB2_8:
0xe0: {  	s8 =	rddreg [dreg:$0xa]  }
0xe1: {  	[spmem:s8] =	stream.strided.scatter [tilespmem:s29], [sflag:$0x3], $0x2800, s0, s31, $0x38;
	[tilespmem:$0x1F700] =	vst v63  }
0xe2: {  	_ =	swait.ge [sflag:s17], $0x2800  }
0xe3: {  	[sflag:s17] =	ssyncset.done $0x0  }
0xe4: {  	[sflag:s17] =	ssyncadd.s32 $0xFFFFD800  }
0xe5: {  	[bflag:$0x0] =	sbarrier.arrive $0xFFFF  }
0xe6: {  	[tilespmem:$0x1F200] =	vst v0  }
0xe7: {  	[tilespmem:$0x1F210] =	vst v0  }
0xe8: {  	[tilespmem:$0x1F220] =	vst v0  }
0xe9: {  	[tilespmem:$0x1F230] =	vst v0  }
0xea: {  	[tilespmem:$0x1F240] =	vst v0  }
0xeb: {  	[tilespmem:$0x1F250] =	vst v0  }
0xec: {  	[tilespmem:$0x1F260] =	vst v0  }
0xed: {  	[tilespmem:$0x1F270] =	vst v0  }
0xee: {  	[tilespmem:$0x1F280] =	vst v0  }
0xef: {  	[tilespmem:$0x1F290] =	vst v0  }
0xf0: {  	[tilespmem:$0x1F2A0] =	vst v0  }
0xf1: {  	[tilespmem:$0x1F2B0] =	vst v0  }
0xf2: {  	[tilespmem:$0x1F2C0] =	vst v0  }
0xf3: {  	[tilespmem:$0x1F2D0] =	vst v0  }
0xf4: {  	[tilespmem:$0x1F2E0] =	vst v0  }
0xf5: {  	[tilespmem:$0x1F2F0] =	vst v0  }
0xf6: {  	[tilespmem:$0x1F300] =	vst v0  }
0xf7: {  	[tilespmem:$0x1F310] =	vst v0  }
0xf8: {  	[tilespmem:$0x1F320] =	vst v0  }
0xf9: {  	[tilespmem:$0x1F330] =	vst v0  }
0xfa: {  	[tilespmem:$0x1F340] =	vst v0  }
0xfb: {  	[tilespmem:$0x1F350] =	vst v0  }
0xfc: {  	[tilespmem:$0x1F360] =	vst v0  }
0xfd: {  	[tilespmem:$0x1F370] =	vst v0  }
0xfe: {  	[tilespmem:$0x1F380] =	vst v0  }
0xff: {  	[tilespmem:$0x1F390] =	vst v0  }
0x100: {  	[tilespmem:$0x1F3A0] =	vst v0  }
0x101: {  	[tilespmem:$0x1F3B0] =	vst v0  }
0x102: {  	[tilespmem:$0x1F3C0] =	vst v0  }
0x103: {  	[tilespmem:$0x1F3D0] =	vst v0  }
0x104: {  	[tilespmem:$0x1F3E0] =	vst v0  }
0x105: {  	[tilespmem:$0x1F3F0] =	vst v0  }
0x106: {  	[tilespmem:$0x1F400] =	vst v0  }
0x107: {  	[tilespmem:$0x1F410] =	vst v0  }
0x108: {  	[tilespmem:$0x1F420] =	vst v0  }
0x109: {  	[tilespmem:$0x1F430] =	vst v0  }
0x10a: {  	[tilespmem:$0x1F440] =	vst v0  }
0x10b: {  	[tilespmem:$0x1F450] =	vst v0  }
0x10c: {  	[tilespmem:$0x1F460] =	vst v0  }
0x10d: {  	s11 =	simm.s32 $0x0;
	[tilespmem:$0x1F470] =	vst v0  }
.LBB2_9:
0x10e: {  	s8 =	sshrl.u32 s11, $0x3  }
0x10f: {  	s8 =	smul.u32 $0x50000, s8;
	_ =	sdelay $0x1  }
0x110: {  	s12 =	sshll.u32 s11, $0x7;
	s8 =	sshra.s32 s8, $0x2  }
0x111: {  	s12 =	sand.u32 $0x380, s12;
	s8 =	sadd.s32 s8, s4  }
0x112: {  	s8 =	sadd.s32 s12, s8  }
0x113: {  	s8 =	sadd.s32 s25, s8  }
0x114: {  	[tilespmem:s2], [sflag:$0x3] =	stream.strided.gather [spmem:s8], $0x280, s0, s31, $0x38;
	[tilespmem:$0x1F700] =	vst v63  }
0x115: {  	_ =	swait.ge [sflag:s17], $0x280  }
0x116: {  	[sflag:s17] =	ssyncset.done $0x0  }
0x117: {  	s12 =	simm.s32 $0x0;
	[sflag:s17] =	ssyncadd.s32 $0xFFFFFD80  }
0x118: {  	s13 =	simm.s32 $0x40;
	v2 =	vld [tilespmem:s12+$0x1F480]  }
.LBB2_10:
0x119: {  	p0 =	sne.s32 s13, $0x9C0;
	v3 =	vld [tilespmem:s12+$0x1F200];
	_ =	sdelay $0x2  }
.Ltmp4:
0x11a: {  	(pc) =	sbr.rel @p0 .LBB2_10-.Ltmp4, $4  }
0x11b: {  	_ = 	snop  }
0x11c: {  	v3 =	vadd.f32 v2, v3  }
0x11d: {  	s8 =	sshra.s32 s13, $0x2  }
0x11e: {  	s13 =	sadd.s32 $0x40, s13;
	v2 =	vld [tilespmem:s8+$0x1F480];
	[tilespmem:s12+$0x1F200] =	vst v3;
	s12 =	smov.u32 s8  }
0x11f: {  	v3 =	vld [tilespmem:s12+$0x1F200]  }
0x120: {  	s11 =	sadd.s32 $0x1, s11  }
0x121: {  	p0 =	sne.s32 s11, $0x10  }
.Ltmp5:
0x122: {  	_ = 	snop;
	(pc) =	sbr.rel @p0 .LBB2_9-.Ltmp5, $3  }
0x123: {  	_ = 	snop  }
0x124: {  	v2 =	vadd.f32 v2, v3;
	_ =	sdelay $0x1  }
0x125: {  	[tilespmem:s12+$0x1F200] =	vst v2  }
0x126: {  	s8 =	rddreg [dreg:$0xb];
	s11 =	simm.s32 $0x1F200;
	s14 =	stileid.u32  }
0x127: {  	[hbm4b:s8+s5] =	stream.linear.scatter [tilespmem:s11], [sflag:$0x3], $0x280, $0x38;
	[tilespmem:$0x1F700] =	vst v63  }
0x128: {  	s8 =	sshll.u32 s14, $0x6;
	_ =	swait.ge [sflag:s17], $0x280  }
0x129: {  	s8 =	sor.u32 $0x1C03, s8;
	[sflag:s17] =	ssyncset.done $0x0;
	s15 =	rddreg [dreg:$0x5]  }
0x12a: {  	s12 =	rddreg [dreg:$0x12];
	[sflag:s17] =	ssyncadd.s32 $0xFFFFFD80;
	s11 =	sshrl.u32 s15, $0x3  }
0x12b: {  	[hbm:s12], [sflag:s8] =	dma.local [spmem:s11], $0x2800  }
0x12c: {  	_ =	swait.ge [sflag:s17], $0x2800  }
0x12d: {  	s10 =	sadd.s32 $0x1, s10;
	s26 =	rddreg [dreg:$0xc]  }
0x12e: {  	p0 =	sne.s32 s10, s26  }
.Ltmp6:
0x12f: {  	_ = 	snop;
	(pc) =	sbr.rel @p0 .LBB2_1-.Ltmp6, $3  }
0x130: {  	_ =	sdelay $0x1  }
0x131: {  	[sflag:s17] =	ssyncset.done $0x0  }
0x132: {  	[sflag:s17] =	ssyncadd.s32 $0xFFFFD800  }
0x133: {  	_ =	sfence.sel $0x180000  }
0x134: {  	[bflag:$0x0] =	sbarrier.arrive $0xFFFF  }
0x135: {  	_ =	strace $0x9000004A  }
0x136: {  	s0 =	stileid.u32;
	[bflag:$0x2] =	sbarrier.arrive $0xFFFF  }
0x137: {  	p0 =	sne.s32 s0, $0x0;
	s0 =	rddreg [dreg:$0x4]  }
0x138: {  	s0 =	sadd.s32 @!p0 $0x100000, s0  }
0x139: {  	[sflag:s0] =	ssyncadd.tile.s32 @!p0 $0x1;
	_ =	shalt  }
.Lfunc_end2:
_tile_overlayer_lowered:
.L_overlay_start_2:
0x13a: {  	(tag) =	ssettag $0x2  }
0x13b: {  	s0 =	rddreg [dreg:$0x0];
	s2 =	stileid.u32  }
0x13c: {  	s1 =	rddreg [dreg:$0x1];
	p0 =	sne.s32 s2, $0x0  }
0x13d: {  	s3 =	rddreg [dreg:$0x2];
	[bflag:$0x3] =	sbarrier.arrive $0xFFFF;
	s2 =	simm.s32 @!p0 $0x1C03  }
0x13e: {  	[timem:s3], [sflag:s2] =	dma.local @!p0 [hbm:s0], s1  }
0x13f: {  	s0 =	simm.s32 @!p0 $0x3  }
0x140: {  	_ =	swait.ge @!p0 [sflag:s0], s1  }
0x141: {  	s1 =	ssub.s32 @!p0 $0x0, s1;
	[sflag:s0] =	ssyncset.done @!p0 $0x0  }
0x142: {  	[sflag:s0] =	ssyncadd.s32 @!p0 s1  }
0x143: {  	[bflag:$0x3] =	sbarrier.arrive $0xFFFF  }
0x144: {  	_ =	shalt  }

// kernel: kernel.14.cloned.1.call-start
scs
__scs_entry_jumppad:
0x0: {  	(pc) =	sbr.rel $0x88, $3  }
0x1: {  	(tag) =	ssettag $0x0;
	lr =	simm.s32 $0x1  }
0x2: {  	[smem:$0x3F90] =	sst lr;
	_ =	strace $0xD0000000  }
0x3: {  	_ = 	snop  }
0x4: {  	_ = 	snop  }
0x5: {  	_ = 	snop  }
0x6: {  	_ = 	snop  }
0x7: {  	_ = 	snop  }
__scs_overlays_trampoline_lowered:
0x8: {  	[smem:$0x3F9F] =	sst s0  }
0x9: {  	[smem:$0x3FA0] =	sst s1  }
0xa: {  	[smem:$0x3FA1] =	sst s2  }
0xb: {  	[smem:$0x3FA2] =	sst s3  }
0xc: {  	[smem:$0x3FA3] =	sst s4  }
0xd: {  	[smem:$0x3FA4] =	sst s5  }
0xe: {  	[smem:$0x3FA5] =	sst s6  }
0xf: {  	[smem:$0x3FA6] =	sst s7  }
0x10: {  	[smem:$0x3FA7] =	sst s8  }
0x11: {  	[smem:$0x3FA8] =	sst s9;
	s0 =	simm.s32 @!p0 $0x0  }
0x12: {  	s1 =	sld [smem:$0x3F8E];
	s0 =	simm.s32 @p0 $0x1  }
0x13: {  	[smem:$0x3FA9] =	sst s0;
	s0 =	simm.s32 @!p1 $0x0  }
0x14: {  	s2 =	sld [smem:$0x3F8D];
	s0 =	simm.s32 @p1 $0x1  }
0x15: {  	[smem:$0x3FAA] =	sst s0;
	s0 =	simm.s32 @!p2 $0x0  }
0x16: {  	s3 =	sld [smem:$0x3FDB];
	s0 =	simm.s32 @p2 $0x1  }
0x17: {  	s4 =	simm.s32 $0x1BF5;
	[smem:$0x3FAC] =	sst s0  }
0x18: {  	s0 =	sld [smem:$0x3F8F];
	_ =	swait.ge [sflag:s4], $0x0  }
0x19: {  	s7 =	sld [smem:$0x3F90]  }
0x1a: {  	s8 =	sadd.s32 $0xFFFFE003, lr  }
0x1b: {  	s9 =	sadd.s32 $0xFFFFFEF7, lr;
	s5 =	simm.s32 $0xFFFFFFFF;
	p2 =	slt.u32 s8, $0xFFFFF086  }
0x1c: {  	p1 =	slt.u32 s9, $0xF7A;
	s5 =	simm.s32 @!p2 $0x0  }
0x1d: {  	s5 =	simm.s32 @p1 $0x1;
	p0 =	seq.s32 s7, s2  }
0x1e: {  	s7 =	smul.u32 @!p0 $0xF7A, s2;
	p2 =	seq.s32 @!p0 s5, $0x0  }
0x1f: {  	s9 =	smul.u32 $0xF7A, s1;
	s8 =	simm.s32 @!p0 $0x1BF5;
	p2 =	por !p2, p0  }
0x20: {  	[sflag:s8] =	ssyncset.s32 @!p0 $0xFFFFF086;
	s6 =	sadd.s32 @!p0 s3, s7;
	s7 =	simm.s32 @!p0 $0x108  }
0x21: {  	s3 =	sadd.s32 s3, s9;
	s6 =	sadd.s32 @!p0 $0x88, s6;
	s7 =	simm.s32 @p2 $0x1082  }
0x22: {  	[simem:s7], [sflag:s8] =	dma.local @!p0 [hbm:s6], $0xF7A  }
0x23: {  	s9 =	sor.u32 $0xD0000000, s2;
	s6 =	simm.s32 $0x108;
	_ =	swait.ge @!p0 [sflag:s8], $0x0  }
0x24: {  	s3 =	sadd.s32 $0x88, s3;
	s6 =	simm.s32 @!p1 $0x1082;
	[sflag:s4] =	ssyncset.s32 $0xFFFFF086  }
0x25: {  	[simem:s6], [sflag:s4] =	dma.local [hbm:s3], $0xF7A  }
0x26: {  	[smem:$0x3F90] =	sst s1;
	(tag) =	ssettag s2;
	_ =	strace s9  }
0x27: {  	s1 =	sld [smem:$0x3FA0]  }
0x28: {  	s2 =	sld [smem:$0x3FA1]  }
0x29: {  	s4 =	sld [smem:$0x3FA3]  }
0x2a: {  	p0 =	seq.s32 s5, $0x0;
	s5 =	sld [smem:$0x3FA4]  }
0x2b: {  	s6 =	sld [smem:$0x3FA5]  }
0x2c: {  	s7 =	sld [smem:$0x3FA6]  }
0x2d: {  	s3 =	simm.s32 $0x108;
	s8 =	sld [smem:$0x3FA7]  }
0x2e: {  	s3 =	simm.s32 @!p0 $0x1082;
	s9 =	sld [smem:$0x3FA8]  }
0x2f: {  	lr =	sadd.s32 s0, s3;
	s0 =	sld [smem:$0x3F9F]  }
0x30: {  	s3 =	sld [smem:$0x3FA2]  }
0x31: {  	[smem:$0x3FAB] =	sst s10  }
0x32: {  	s10 =	sld [smem:$0x3FA9];
	_ =	sdelay $0x3  }
0x33: {  	p0 =	seq.s32 s10, $0x1;
	s10 =	sld [smem:$0x3FAB];
	_ =	sdelay $0x3  }
0x34: {  	[smem:$0x3FAB] =	sst s10  }
0x35: {  	s10 =	sld [smem:$0x3FAA];
	_ =	sdelay $0x3  }
0x36: {  	p1 =	seq.s32 s10, $0x1;
	s10 =	sld [smem:$0x3FAB];
	_ =	sdelay $0x3  }
0x37: {  	[smem:$0x3FAB] =	sst s10  }
0x38: {  	s10 =	sld [smem:$0x3FAC]  }
0x39: {  	_ = 	snop;
	(pc) =	sbr.ind lr, $3  }
0x3a: {  	_ = 	snop  }
0x3b: {  	_ = 	snop  }
0x3c: {  	p2 =	seq.s32 s10, $0x1;
	s10 =	sld [smem:$0x3FAB]  }
0x3d: {  	_ =	shalt  }
0x3e: {  	_ =	shalt  }
0x3f: {  	_ =	shalt  }
0x40: {  	_ =	shalt  }
0x41: {  	_ =	shalt  }
0x42: {  	_ =	shalt  }
0x43: {  	_ =	shalt  }
0x44: {  	_ =	shalt  }
0x45: {  	_ =	shalt  }
0x46: {  	_ =	shalt  }
0x47: {  	_ =	shalt  }
0x48: {  	_ =	shalt  }
0x49: {  	_ =	shalt  }
0x4a: {  	_ =	shalt  }
0x4b: {  	_ =	shalt  }
0x4c: {  	_ =	shalt  }
0x4d: {  	_ =	shalt  }
0x4e: {  	_ =	shalt  }
0x4f: {  	_ =	shalt  }
0x50: {  	_ =	shalt  }
0x51: {  	_ =	shalt  }
0x52: {  	_ =	shalt  }
0x53: {  	_ =	shalt  }
0x54: {  	_ =	shalt  }
0x55: {  	_ =	shalt  }
0x56: {  	_ =	shalt  }
0x57: {  	_ =	shalt  }
0x58: {  	_ =	shalt  }
0x59: {  	_ =	shalt  }
0x5a: {  	_ =	shalt  }
0x5b: {  	_ =	shalt  }
0x5c: {  	_ =	shalt  }
0x5d: {  	_ =	shalt  }
0x5e: {  	_ =	shalt  }
0x5f: {  	_ =	shalt  }
0x60: {  	_ =	shalt  }
0x61: {  	_ =	shalt  }
0x62: {  	_ =	shalt  }
0x63: {  	_ =	shalt  }
0x64: {  	_ =	shalt  }
0x65: {  	_ =	shalt  }
0x66: {  	_ =	shalt  }
0x67: {  	_ =	shalt  }
0x68: {  	_ =	shalt  }
0x69: {  	_ =	shalt  }
0x6a: {  	_ =	shalt  }
0x6b: {  	_ =	shalt  }
0x6c: {  	_ =	shalt  }
0x6d: {  	_ =	shalt  }
0x6e: {  	_ =	shalt  }
0x6f: {  	_ =	shalt  }
0x70: {  	_ =	shalt  }
0x71: {  	_ =	shalt  }
0x72: {  	_ =	shalt  }
0x73: {  	_ =	shalt  }
0x74: {  	_ =	shalt  }
0x75: {  	_ =	shalt  }
0x76: {  	_ =	shalt  }
0x77: {  	_ =	shalt  }
0x78: {  	_ =	shalt  }
0x79: {  	_ =	shalt  }
0x7a: {  	_ =	shalt  }
0x7b: {  	_ =	shalt  }
0x7c: {  	_ =	shalt  }
0x7d: {  	_ =	shalt  }
0x7e: {  	_ =	shalt  }
0x7f: {  	_ =	shalt  }
0x80: {  	_ =	shalt  }
0x81: {  	_ =	shalt  }
0x82: {  	_ =	shalt  }
0x83: {  	_ =	shalt  }
0x84: {  	_ =	shalt  }
0x85: {  	_ =	shalt  }
0x86: {  	_ =	shalt  }
0x87: {  	_ =	shalt  }
.Lfunc_end0:
.L_simem_size_0:
called_computation.2_lowered:
.L_overlay_start_0:
0x88: {  	s2 =	sld [smem:$0x3FD9]  }
0x89: {  	s3 =	sld [smem:$0x3FFE];
	_ =	sdelay $0x1  }
0x8a: {  	s1 =	srdreg.scid  }
0x8b: {  	s0 =	sand.u32 $0x1, s1  }
0x8c: {  	s17 =	sshll.u32 s0, $0xA;
	s2 =	sadd.s32 s3, s2  }
0x8d: {  	s2 =	sadd.s32 s2, s17  }
0x8e: {  	[smem:$0x3FB7] =	sst s2  }
0x8f: {  	_ = 	snop  }
0x90: {  	s2 =	sld [smem:$0x3FD0];
	(tm) =	ssettm $0x1  }
0x91: {  	s18 =	sld [smem:$0x3FFB];
	_ =	sdelay $0x3  }
0x92: {  	_ =	strace s18  }
0x93: {  	s3 =	sld [smem:$0x3FFC];
	_ =	sdelay $0x3  }
0x94: {  	_ =	strace s3  }
0x95: {  	s3 =	sld [smem:$0x3FFD];
	_ =	sdelay $0x3  }
0x96: {  	_ =	strace s3  }
0x97: {  	_ =	strace $0x8FFFFFFF  }
0x98: {  	s19 =	sld [smem:$0x3FDB];
	_ =	sdelay $0x1  }
0x99: {  	s4 =	simm.s32 $_scs_section_size  }
0x9a: {  	s5 =	simm.s32 $_size__tile_overlayer_lowered;
	s6 =	simm.s32 $_tile_overlayer_lowered  }
0x9b: {  	s22 =	simm.s32 $0x1BFF;
	s21 =	sshll.u32 s6, $0x1;
	s3 =	sadd.s32 s4, s19  }
0x9c: {  	s7 =	simm.s32 $0x0;
	s20 =	sshll.u32 s5, $0x1;
	s5 =	sadd.s32 s21, s3  }
0x9d: {  	[timem:s7], [sflag:s22] =	dma.local [hbm:s5], s20  }
0x9e: {  	_ =	swait.ge [sflag:s22], s20  }
0x9f: {  	s4 =	ssub.s32 $0x0, s20;
	[sflag:s22] =	ssyncset.done $0x0  }
0xa0: {  	[sflag:s22] =	ssyncadd.s32 s4;
	_ =	sdelay $0x1  }
0xa1: {  	s23 =	simm.s32 $0x1B8B  }
0xa2: {  	_ =	swait.ge [sflag:s23], $0x1  }
0xa3: {  	[sflag:s23] =	ssyncset.done $0x0  }
0xa4: {  	s25 =	simm.s32 $0x1B8E;
	s24 =	sld [smem:$0x3FFE];
	[sflag:s23] =	ssyncadd.s32 $0xFFFFFFFF  }
0xa5: {  	s26 =	simm.s32 $execute0_lowered;
	[smem:$0x3FD2] =	sst s25  }
0xa6: {  	s5 =	sshll.u32 s26, $0x1;
	_ =	strace $0x8000004C;
	[dreg:$0x1] =	wrdreg $0xFFFFFFFF  }
0xa7: {  	s28 =	simm.s32 $_size_execute0_lowered;
	s3 =	sadd.s32 s3, s5;
	[dreg:$0x0] =	wrdreg $0x0  }
0xa8: {  	s5 =	sshll.u32 s28, $0x1;
	[dreg:$0x2] =	wrdreg s3  }
0xa9: {  	[dreg:$0x3] =	wrdreg s5  }
0xaa: {  	[dreg:$0x4] =	wrdreg $0xC0  }
0xab: {  	_ =	task [dreg:s7], $0x5FFFF  }
0xac: {  	[dreg:$0x1] =	wrdreg $0xFFFFFFFF  }
0xad: {  	[dreg:$0x0] =	wrdreg $0x60  }
0xae: {  	[dreg:$0x2] =	wrdreg s2  }
0xaf: {  	[dreg:$0x3] =	wrdreg s24  }
0xb0: {  	[dreg:$0x4] =	wrdreg $0x0  }
0xb1: {  	[dreg:$0x5] =	wrdreg $0x140000  }
0xb2: {  	[dreg:$0x6] =	wrdreg $0x9  }
0xb3: {  	_ =	task.clear_ibuf [dreg:s7], $0x7FFFF;
	_ =	strace $0x9000004C  }
0xb4: {  	s29 =	simm.s32 $0x9;
	_ =	strace $0x8000004E  }
0xb5: {  	_ =	swait.ge [sflag:s29], $0x1  }
0xb6: {  	[sflag:s29] =	ssyncadd.s32 $0xFFFFFFFF  }
0xb7: {  	_ =	strace $0x9000004E  }
0xb8: {  	_ =	sfence  }
0xb9: {  	s30 =	sld [smem:$0x0];
	_ =	sdelay $0x2  }
0xba: {  	s31 =	sshll.u32 s1, $0xD;
	s1 =	sshrl.u32 s1, $0x2  }
0xbb: {  	s3 =	sand.u32 $0x4000, s31;
	s1 =	sadd.s32 s1, s30  }
0xbc: {  	s0 =	sor.u32 s3, s0;
	s1 =	sshll.u32 s1, $0x11  }
0xbd: {  	s0 =	sor.u32 s1, s0  }
0xbe: {  	s0 =	sadd.s32 $0x8F2B, s0  }
0xbf: {  	[sflag:s0] =	ssyncadd.remote.s32 $0x1  }
0xc0: {  	_ =	sfence.sel $0xFFFF  }
0xc1: {  	[dreg:$0x0] =	wrdreg $0xFFFFFFFF;
	(pc) =	sbr.abs _section_cstart, $3  }
0xc2: {  	[dreg:$0x1] =	wrdreg $0xFFFFFFFF  }
0xc3: {  	_ =	task.clear_ibuf [dreg:s7], $0x2FFFF;
	_ =	strace $0x9FFFFFFF  }
0xc4: {  	(tm) =	ssettm $0x7FFFFFFF  }
0xc5: {  	_ =	shalt  }
tec
execute0_lowered:
.L_overlay_start_1:
0x0: {  	(tag) =	ssettag $0x1  }
0x1: {  	s1 =	rddreg [dreg:$0x0]  }
0x2: {  	s0 =	rddreg [dreg:$0x1]  }
0x3: {  	s3 =	rddreg [dreg:$0x2];
	s14 =	stileid.u32  }
0x4: {  	s4 =	rddreg [dreg:$0x3];
	s8 =	smul.u32 $0x280, s14  }
0x5: {  	s2 =	srdreg.scid;
	s5 =	simm.s32 $0x0;
	s11 =	smul.u32 $0x2710, s14  }
0x6: {  	s2 =	sand.u32 $0x1, s2;
	[smem:$0x7FF] =	sst s5;
	s25 =	smul.u32 $0x50000, s14  }
0x7: {  	s6 =	sadd.s32 $0xDE00, s0;
	s7 =	sadd.s32 $0x4000, s0;
	s9 =	smul.u32 $0x2800, s2  }
0x8: {  	s26 =	sshrl.u32 s14, $0x3;
	s17 =	sshll.u32 s14, $0x7;
	s10 =	smul.u32 $0x28000, s2  }
0x9: {  	_ =	strace $0x8000004D;
	s24 =	smul.u32 $0x27100, s2;
	s2 =	ssub.s32 $0x2, s2  }
0xa: {  	s12 =	sshrl.u32 s2, $0x1;
	s8 =	sadd.s32 s8, s9;
	s10 =	sadd.s32 s10, s0  }
0xb: {  	s9 =	sadd.s32 s11, s24;
	s11 =	smul.u32 $0x50000, s26;
	s2 =	ssub.s32 s2, s12  }
0xc: {  	s12 =	sand.u32 $0x380, s17;
	s13 =	sshrl.u32 s9, $0x3;
	s2 =	smax.u32 s2, $0x1  }
0xd: {  	s24 =	sadd.s32 $0xF0, s9;
	s9 =	sadd.s32 $0xA0, s9;
	[dreg:$0xc] =	wrdreg s2  }
0xe: {  	s8 =	sshrl.u32 s8, $0x3;
	s15 =	sadd.s32 s6, s13;
	[dreg:$0x13] =	wrdreg s9  }
0xf: {  	s16 =	sadd.s32 s7, s13;
	s13 =	sadd.s32 $0xA, s13;
	[dreg:$0x6] =	wrdreg s15  }
0x10: {  	s0 =	sadd.s32 s8, s0;
	[dreg:$0x7] =	wrdreg s16;
	s15 =	sadd.s32 s6, s13  }
0x11: {  	s8 =	sshrl.u32 s25, $0x2;
	s13 =	sadd.s32 s7, s13;
	[dreg:$0x8] =	wrdreg s15  }
0x12: {  	s11 =	sshrl.u32 s11, $0x2;
	s0 =	sadd.s32 $0x17C00, s0;
	[dreg:$0x9] =	wrdreg s13  }
0x13: {  	s8 =	sadd.s32 s8, s3;
	s11 =	sadd.s32 s11, s4;
	[dreg:$0xb] =	wrdreg s0  }
0x14: {  	s11 =	sadd.s32 s12, s11;
	[dreg:$0x5] =	wrdreg s8  }
0x15: {  	s21 =	sadd.s32 $0x1000, s8;
	[dreg:$0xa] =	wrdreg s11  }
0x16: {  	s22 =	sadd.s32 $0x2000, s8;
	[dreg:$0xd] =	wrdreg s21  }
0x17: {  	s23 =	sadd.s32 $0x3000, s8;
	[dreg:$0xe] =	wrdreg s22  }
0x18: {  	s20 =	smul.u32 $0x2800, s14;
	s25 =	sadd.s32 $0x4000, s8;
	[dreg:$0xf] =	wrdreg s23  }
0x19: {  	s19 =	sadd.s32 $0x18600, s10;
	s26 =	sadd.s32 $0x5000, s8;
	[dreg:$0x10] =	wrdreg s25  }
0x1a: {  	s28 =	simm.s32 $0x16980;
	s0 =	sadd.s32 s20, s19;
	[dreg:$0x11] =	wrdreg s26  }
0x1b: {  	s29 =	simm.s32 $0x1CA00;
	s10 =	sadd.s32 $0x6000, s8;
	[dreg:$0x12] =	wrdreg s0  }
0x1c: {  	s30 =	simm.s32 $0x1;
	s12 =	sadd.s32 $0x8000, s8;
	[dreg:$0x14] =	wrdreg s10  }
0x1d: {  	s31 =	simm.s32 $0x80;
	s13 =	sadd.s32 $0x9000, s8;
	[dreg:$0x16] =	wrdreg s12  }
0x1e: {  	s18 =	smul.u32 $0x5000, s14;
	s14 =	sadd.s32 $0xA000, s8;
	[dreg:$0x17] =	wrdreg s13  }
0x1f: {  	s2 =	sshrl.u32 s24, $0x3;
	s15 =	sadd.s32 $0xB000, s8;
	[dreg:$0x18] =	wrdreg s14  }
0x20: {  	s9 =	simm.s32 $0x2;
	s16 =	sadd.s32 $0xC000, s8;
	[dreg:$0x19] =	wrdreg s15  }
0x21: {  	s17 =	sadd.s32 $0xD000, s8;
	s19 =	sadd.s32 $0xF000, s8;
	[dreg:$0x1a] =	wrdreg s16  }
0x22: {  	s20 =	sadd.s32 $0x10000, s8;
	s24 =	sadd.s32 $0x12000, s8;
	[dreg:$0x1b] =	wrdreg s17  }
0x23: {  	s22 =	sadd.s32 s2, s7;
	s23 =	sadd.s32 s2, s6;
	[dreg:$0x1d] =	wrdreg s19  }
0x24: {  	s25 =	sshrl.u32 s18, $0x2;
	s11 =	sadd.s32 $0x7000, s8;
	[dreg:$0x1e] =	wrdreg s20  }
0x25: {  	s18 =	sadd.s32 $0xE000, s8;
	s21 =	sadd.s32 $0x11000, s8;
	[smem:$0x7FC] =	sst s24  }
0x26: {  	s26 =	sadd.s32 $0x13000, s8;
	s16 =	simm.s32 $0x1BA00;
	s17 =	simm.s32 $0x3  }
0x27: {  	s19 =	simm.s32 $0x16900;
	s20 =	simm.s32 $0x50;
	[dreg:$0x15] =	wrdreg s11  }
0x28: {  	s24 =	simm.s32 $0x19200;
	s0 =	simm.s32 $0x400;
	[dreg:$0x1c] =	wrdreg s18  }
0x29: {  	s2 =	simm.s32 $0x1F480;
	s10 =	simm.s32 $0x0;
	[dreg:$0x1f] =	wrdreg s21  }
0x2a: {  	v0 =	vimm.f32 $0.0e+00;
	v1 =	vimm.f32 $1.000000000e+00;
	[smem:$0x7FD] =	sst s26;
	s18 =	simm.s32 $0x16800;
	s21 =	simm.s32 $0x16A00  }
.LBB2_1:
0x2b: {  	s11 =	simm.s32 $0x0;
	s12 =	simm.s32 $0x200  }
.LBB2_2:
0x2c: {  	p0 =	sne.s32 s12, $0x3E00;
	[tilespmem:s11+$0x1BA70] =	vst v0  }
0x2d: {  	[tilespmem:s11+$0x1BA00] =	vst v0  }
0x2e: {  	[tilespmem:s11+$0x1BA10] =	vst v0  }
.Ltmp0:
0x2f: {  	[tilespmem:s11+$0x1BA20] =	vst v0;
	(pc) =	sbr.rel @p0 .LBB2_2-.Ltmp0, $4  }
0x30: {  	[tilespmem:s11+$0x1BA30] =	vst v0  }
0x31: {  	[tilespmem:s11+$0x1BA40] =	vst v0  }
0x32: {  	[tilespmem:s11+$0x1BA50] =	vst v0  }
0x33: {  	[tilespmem:s11+$0x1BA60] =	vst v0;
	s11 =	sshra.s32 s12, $0x2;
	s12 =	sadd.s32 $0x200, s12  }
0x34: {  	[tilespmem:s11+$0x1BA70] =	vst v0  }
0x35: {  	[tilespmem:s11+$0x1BA00] =	vst v0  }
0x36: {  	[tilespmem:s11+$0x1BA10] =	vst v0  }
0x37: {  	[tilespmem:s11+$0x1BA20] =	vst v0  }
0x38: {  	[tilespmem:s11+$0x1BA30] =	vst v0  }
0x39: {  	[tilespmem:s11+$0x1BA40] =	vst v0  }
0x3a: {  	[tilespmem:s11+$0x1BA50] =	vst v0  }
0x3b: {  	[tilespmem:s11+$0x1BA60] =	vst v0;
	s8 =	rddreg [dreg:$0x5]  }
0x3c: {  	[spmem:s8] =	stream.linear.scatter [tilespmem:s16], [sflag:$0x3], $0x1000, $0x38;
	[tilespmem:$0x1F700] =	vst v63  }
0x3d: {  	_ =	swait.ge [sflag:s17], $0x1000  }
0x3e: {  	[sflag:s17] =	ssyncset.done $0x0  }
0x3f: {  	s26 =	rddreg [dreg:$0xd];
	[sflag:s17] =	ssyncadd.s32 $0xFFFFF000  }
0x40: {  	[spmem:s26] =	stream.linear.scatter [tilespmem:s16], [sflag:$0x3], $0x1000, $0x38;
	[tilespmem:$0x1F700] =	vst v63  }
0x41: {  	_ =	swait.ge [sflag:s17], $0x1000  }
0x42: {  	[sflag:s17] =	ssyncset.done $0x0  }
0x43: {  	s11 =	rddreg [dreg:$0xe];
	[sflag:s17] =	ssyncadd.s32 $0xFFFFF000  }
0x44: {  	[spmem:s11] =	stream.linear.scatter [tilespmem:s16], [sflag:$0x3], $0x1000, $0x38;
	[tilespmem:$0x1F700] =	vst v63  }
0x45: {  	_ =	swait.ge [sflag:s17], $0x1000  }
0x46: {  	[sflag:s17] =	ssyncset.done $0x0  }
0x47: {  	s12 =	rddreg [dreg:$0xf];
	[sflag:s17] =	ssyncadd.s32 $0xFFFFF000  }
0x48: {  	[spmem:s12] =	stream.linear.scatter [tilespmem:s16], [sflag:$0x3], $0x1000, $0x38;
	[tilespmem:$0x1F700] =	vst v63  }
0x49: {  	_ =	swait.ge [sflag:s17], $0x1000  }
0x4a: {  	[sflag:s17] =	ssyncset.done $0x0  }
0x4b: {  	s13 =	rddreg [dreg:$0x10];
	[sflag:s17] =	ssyncadd.s32 $0xFFFFF000  }
0x4c: {  	[spmem:s13] =	stream.linear.scatter [tilespmem:s16], [sflag:$0x3], $0x1000, $0x38;
	[tilespmem:$0x1F700] =	vst v63  }
0x4d: {  	_ =	swait.ge [sflag:s17], $0x1000  }
0x4e: {  	[sflag:s17] =	ssyncset.done $0x0  }
0x4f: {  	s14 =	rddreg [dreg:$0x11];
	[sflag:s17] =	ssyncadd.s32 $0xFFFFF000  }
0x50: {  	[spmem:s14] =	stream.linear.scatter [tilespmem:s16], [sflag:$0x3], $0x1000, $0x38;
	[tilespmem:$0x1F700] =	vst v63  }
0x51: {  	_ =	swait.ge [sflag:s17], $0x1000  }
0x52: {  	[sflag:s17] =	ssyncset.done $0x0  }
0x53: {  	s15 =	rddreg [dreg:$0x14];
	[sflag:s17] =	ssyncadd.s32 $0xFFFFF000  }
0x54: {  	[spmem:s15] =	stream.linear.scatter [tilespmem:s16], [sflag:$0x3], $0x1000, $0x38;
	[tilespmem:$0x1F700] =	vst v63  }
0x55: {  	_ =	swait.ge [sflag:s17], $0x1000  }
0x56: {  	[sflag:s17] =	ssyncset.done $0x0  }
0x57: {  	s26 =	rddreg [dreg:$0x15];
	[sflag:s17] =	ssyncadd.s32 $0xFFFFF000  }
0x58: {  	[spmem:s26] =	stream.linear.scatter [tilespmem:s16], [sflag:$0x3], $0x1000, $0x38;
	[tilespmem:$0x1F700] =	vst v63  }
0x59: {  	_ =	swait.ge [sflag:s17], $0x1000  }
0x5a: {  	[sflag:s17] =	ssyncset.done $0x0  }
0x5b: {  	s11 =	rddreg [dreg:$0x16];
	[sflag:s17] =	ssyncadd.s32 $0xFFFFF000  }
0x5c: {  	[spmem:s11] =	stream.linear.scatter [tilespmem:s16], [sflag:$0x3], $0x1000, $0x38;
	[tilespmem:$0x1F700] =	vst v63  }
0x5d: {  	_ =	swait.ge [sflag:s17], $0x1000  }
0x5e: {  	[sflag:s17] =	ssyncset.done $0x0  }
0x5f: {  	s12 =	rddreg [dreg:$0x17];
	[sflag:s17] =	ssyncadd.s32 $0xFFFFF000  }
0x60: {  	[spmem:s12] =	stream.linear.scatter [tilespmem:s16], [sflag:$0x3], $0x1000, $0x38;
	[tilespmem:$0x1F700] =	vst v63  }
0x61: {  	_ =	swait.ge [sflag:s17], $0x1000  }
0x62: {  	[sflag:s17] =	ssyncset.done $0x0  }
0x63: {  	s13 =	rddreg [dreg:$0x18];
	[sflag:s17] =	ssyncadd.s32 $0xFFFFF000  }
0x64: {  	[spmem:s13] =	stream.linear.scatter [tilespmem:s16], [sflag:$0x3], $0x1000, $0x38;
	[tilespmem:$0x1F700] =	vst v63  }
0x65: {  	_ =	swait.ge [sflag:s17], $0x1000  }
0x66: {  	[sflag:s17] =	ssyncset.done $0x0  }
0x67: {  	s14 =	rddreg [dreg:$0x19];
	[sflag:s17] =	ssyncadd.s32 $0xFFFFF000  }
0x68: {  	[spmem:s14] =	stream.linear.scatter [tilespmem:s16], [sflag:$0x3], $0x1000, $0x38;
	[tilespmem:$0x1F700] =	vst v63  }
0x69: {  	_ =	swait.ge [sflag:s17], $0x1000  }
0x6a: {  	[sflag:s17] =	ssyncset.done $0x0  }
0x6b: {  	s15 =	rddreg [dreg:$0x1a];
	[sflag:s17] =	ssyncadd.s32 $0xFFFFF000  }
0x6c: {  	[spmem:s15] =	stream.linear.scatter [tilespmem:s16], [sflag:$0x3], $0x1000, $0x38;
	[tilespmem:$0x1F700] =	vst v63  }
0x6d: {  	_ =	swait.ge [sflag:s17], $0x1000  }
0x6e: {  	[sflag:s17] =	ssyncset.done $0x0  }
0x6f: {  	s26 =	rddreg [dreg:$0x1b];
	[sflag:s17] =	ssyncadd.s32 $0xFFFFF000  }
0x70: {  	[spmem:s26] =	stream.linear.scatter [tilespmem:s16], [sflag:$0x3], $0x1000, $0x38;
	[tilespmem:$0x1F700] =	vst v63  }
0x71: {  	_ =	swait.ge [sflag:s17], $0x1000  }
0x72: {  	[sflag:s17] =	ssyncset.done $0x0  }
0x73: {  	s11 =	rddreg [dreg:$0x1c];
	[sflag:s17] =	ssyncadd.s32 $0xFFFFF000  }
0x74: {  	[spmem:s11] =	stream.linear.scatter [tilespmem:s16], [sflag:$0x3], $0x1000, $0x38;
	[tilespmem:$0x1F700] =	vst v63  }
0x75: {  	_ =	swait.ge [sflag:s17], $0x1000  }
0x76: {  	[sflag:s17] =	ssyncset.done $0x0  }
0x77: {  	s12 =	rddreg [dreg:$0x1d];
	[sflag:s17] =	ssyncadd.s32 $0xFFFFF000  }
0x78: {  	[spmem:s12] =	stream.linear.scatter [tilespmem:s16], [sflag:$0x3], $0x1000, $0x38;
	[tilespmem:$0x1F700] =	vst v63  }
0x79: {  	_ =	swait.ge [sflag:s17], $0x1000  }
0x7a: {  	[sflag:s17] =	ssyncset.done $0x0  }
0x7b: {  	s13 =	rddreg [dreg:$0x1e];
	[sflag:s17] =	ssyncadd.s32 $0xFFFFF000  }
0x7c: {  	[spmem:s13] =	stream.linear.scatter [tilespmem:s16], [sflag:$0x3], $0x1000, $0x38;
	[tilespmem:$0x1F700] =	vst v63  }
0x7d: {  	_ =	swait.ge [sflag:s17], $0x1000  }
0x7e: {  	[sflag:s17] =	ssyncset.done $0x0  }
0x7f: {  	s14 =	rddreg [dreg:$0x1f];
	[sflag:s17] =	ssyncadd.s32 $0xFFFFF000  }
0x80: {  	[spmem:s14] =	stream.linear.scatter [tilespmem:s16], [sflag:$0x3], $0x1000, $0x38;
	[tilespmem:$0x1F700] =	vst v63  }
0x81: {  	_ =	swait.ge [sflag:s17], $0x1000  }
0x82: {  	s15 =	sld [smem:$0x7FC]  }
0x83: {  	[sflag:s17] =	ssyncset.done $0x0  }
0x84: {  	[sflag:s17] =	ssyncadd.s32 $0xFFFFF000  }
0x85: {  	[spmem:s15] =	stream.linear.scatter [tilespmem:s16], [sflag:$0x3], $0x1000, $0x38;
	[tilespmem:$0x1F700] =	vst v63  }
0x86: {  	_ =	swait.ge [sflag:s17], $0x1000  }
0x87: {  	s26 =	sld [smem:$0x7FD]  }
0x88: {  	[sflag:s17] =	ssyncset.done $0x0  }
0x89: {  	[sflag:s17] =	ssyncadd.s32 $0xFFFFF000  }
0x8a: {  	[spmem:s26] =	stream.linear.scatter [tilespmem:s16], [sflag:$0x3], $0x1000, $0x38;
	[tilespmem:$0x1F700] =	vst v63  }
0x8b: {  	_ =	swait.ge [sflag:s17], $0x1000  }
0x8c: {  	[sflag:s17] =	ssyncset.done $0x0  }
0x8d: {  	s11 =	simm.s32 $0x40;
	s12 =	simm.s32 $0x0;
	[sflag:s17] =	ssyncadd.s32 $0xFFFFF000  }
.LBB2_4:
0x8e: {  	p0 =	sne.s32 s11, $0x9FC0;
	[tilespmem:s12+$0x1CA00] =	vst v0;
	s12 =	smov.u32 s11;
	s11 =	sadd.s32 $0x40, s11  }
.Ltmp1:
0x8f: {  	(pc) =	sbr.rel @p0 .LBB2_4-.Ltmp1, $2  }
0x90: {  	_ =	sdelay $0x2  }
0x91: {  	s12 =	sshra.s32 s12, $0x2  }
0x92: {  	[tilespmem:s12+$0x1CA00] =	vst v0  }
0x93: {  	[bflag:$0x0] =	sbarrier.arrive $0xFFFF  }
0x94: {  	s11 =	simm.s32 $0x0;
	s8 =	rddreg [dreg:$0x6]  }
0x95: {  	[tilespmem:s18], [sflag:$0x3] =	stream.linear.gather [hbm4b:s8+s11], $0x50, $0x38;
	[tilespmem:$0x1F700] =	vst v63  }
0x96: {  	_ =	swait.ge [sflag:s17], $0x50  }
0x97: {  	[sflag:s17] =	ssyncset.done $0x0  }
0x98: {  	s13 =	rddreg [dreg:$0x7];
	[sflag:s17] =	ssyncadd.s32 $0xFFFFFFB0  }
0x99: {  	[tilespmem:s19], [sflag:$0x3] =	stream.linear.gather [hbm4b:s13+s11], $0x50, $0x38;
	[tilespmem:$0x1F700] =	vst v63  }
0x9a: {  	_ =	swait.ge [sflag:s17], $0x50  }
0x9b: {  	[sflag:s17] =	ssyncset.done $0x0  }
0x9c: {  	[sflag:s17] =	ssyncadd.s32 $0xFFFFFFB0  }
0x9d: {  	[tilespmem:s21], [sflag:$0x1] =	stream.indirect.gather [hbm4b:s1+s20], $0x80, s18, s20, $0xb8;
	[tilespmem:$0x1F700] =	vst v63  }
0x9e: {  	s15 =	simm.s32 $0x16880;
	s14 =	rddreg [dreg:$0x8]  }
0x9f: {  	[tilespmem:s15], [sflag:$0x3] =	stream.linear.gather [hbm4b:s14+s11], $0x50, $0x38;
	[tilespmem:$0x1F700] =	vst v63  }
0xa0: {  	_ =	swait.ge [sflag:s17], $0x50  }
0xa1: {  	[sflag:s17] =	ssyncset.done $0x0  }
0xa2: {  	s26 =	rddreg [dreg:$0x9];
	[sflag:s17] =	ssyncadd.s32 $0xFFFFFFB0  }
0xa3: {  	[tilespmem:s28], [sflag:$0x3] =	stream.linear.gather [hbm4b:s26+s11], $0x50, $0x38;
	[tilespmem:$0x1F700] =	vst v63  }
0xa4: {  	_ =	swait.ge [sflag:s17], $0x50  }
0xa5: {  	[sflag:s17] =	ssyncset.done $0x0  }
0xa6: {  	s12 =	rddreg [dreg:$0x13];
	[sflag:s17] =	ssyncadd.s32 $0xFFFFFFB0  }
0xa7: {  	[tilespmem:s24], [sflag:$0x2] =	stream.indirect.gather [hbm4b:s1+s20], $0x80, s15, s20, $0xb8;
	[tilespmem:$0x1F700] =	vst v63  }
.LBB2_6:
0xa8: {  	v2 =	vld [tilespmem:$0x16900];
	_ =	sdelay $0x7  }
0xa9: {  	[tilespmem:v2+s29+$0x0] =	vst.idx.add.f32.msk $0xffff, v1  }
0xaa: {  	v2 =	vld [tilespmem:$0x16910];
	_ =	sdelay $0x7  }
0xab: {  	[tilespmem:v2+s29+$0x0] =	vst.idx.add.f32.msk $0xffff, v1  }
0xac: {  	v2 =	vld [tilespmem:$0x16920];
	_ =	sdelay $0x7  }
0xad: {  	[tilespmem:v2+s29+$0x0] =	vst.idx.add.f32.msk $0xffff, v1  }
0xae: {  	v2 =	vld [tilespmem:$0x16930];
	_ =	sdelay $0x7  }
0xaf: {  	[tilespmem:v2+s29+$0x0] =	vst.idx.add.f32.msk $0xffff, v1  }
0xb0: {  	v2 =	vld [tilespmem:$0x16940];
	_ =	sdelay $0x7  }
0xb1: {  	[tilespmem:v2+s29+$0x0] =	vst.idx.add.f32.msk $0xffff, v1  }
0xb2: {  	_ =	swait.ge [sflag:s30], $0x2800  }
0xb3: {  	p0 =	seq.s32 s11, $0x4D8;
	[sflag:s30] =	ssyncset.done $0x0  }
.Ltmp2:
0xb4: {  	[sflag:s30] =	ssyncadd.s32 $0xFFFFD800;
	(pc) =	sbr.rel @p0 .LBB2_8-.Ltmp2, $4  }
0xb5: {  	[spmem:s3] =	stream.indirect.scatter.add.f32 [tilespmem:s21], [sflag:$0x3], $0x80, s19, s20, $0xb8;
	[tilespmem:$0x1F700] =	vst v63  }
0xb6: {  	_ =	swait.ge [sflag:s17], $0x2800  }
0xb7: {  	[sflag:s17] =	ssyncset.done $0x0  }
0xb8: {  	[sflag:s17] =	ssyncadd.s32 $0xFFFFD800  }
0xb9: {  	s13 =	sshrl.u32 s12, $0x3  }
0xba: {  	s14 =	sadd.s32 s6, s13  }
0xbb: {  	[tilespmem:s18], [sflag:$0x3] =	stream.linear.gather [hbm4b:s14+s5], $0x50, $0x38;
	[tilespmem:$0x1F700] =	vst v63  }
0xbc: {  	_ =	swait.ge [sflag:s17], $0x50  }
0xbd: {  	[sflag:s17] =	ssyncset.done $0x0  }
0xbe: {  	s13 =	sadd.s32 s7, s13;
	[sflag:s17] =	ssyncadd.s32 $0xFFFFFFB0  }
0xbf: {  	[tilespmem:s19], [sflag:$0x3] =	stream.linear.gather [hbm4b:s13+s5], $0x50, $0x38;
	[tilespmem:$0x1F700] =	vst v63  }
0xc0: {  	_ =	swait.ge [sflag:s17], $0x50  }
0xc1: {  	[sflag:s17] =	ssyncset.done $0x0  }
0xc2: {  	[sflag:s17] =	ssyncadd.s32 $0xFFFFFFB0  }
0xc3: {  	[tilespmem:s21], [sflag:$0x1] =	stream.indirect.gather [hbm4b:s1+s20], $0x80, s18, s20, $0xb8;
	[tilespmem:$0x1F700] =	vst v63  }
0xc4: {  	v2 =	vld [tilespmem:$0x16980];
	_ =	sdelay $0x7  }
0xc5: {  	[tilespmem:v2+s29+$0x0] =	vst.idx.add.f32.msk $0xffff, v1  }
0xc6: {  	v2 =	vld [tilespmem:$0x16990];
	_ =	sdelay $0x7  }
0xc7: {  	[tilespmem:v2+s29+$0x0] =	vst.idx.add.f32.msk $0xffff, v1  }
0xc8: {  	v2 =	vld [tilespmem:$0x169A0];
	_ =	sdelay $0x7  }
0xc9: {  	[tilespmem:v2+s29+$0x0] =	vst.idx.add.f32.msk $0xffff, v1  }
0xca: {  	v2 =	vld [tilespmem:$0x169B0];
	_ =	sdelay $0x7  }
0xcb: {  	[tilespmem:v2+s29+$0x0] =	vst.idx.add.f32.msk $0xffff, v1  }
0xcc: {  	v2 =	vld [tilespmem:$0x169C0];
	_ =	sdelay $0x7  }
0xcd: {  	[tilespmem:v2+s29+$0x0] =	vst.idx.add.f32.msk $0xffff, v1  }
0xce: {  	_ =	swait.ge [sflag:s9], $0x2800  }
0xcf: {  	[sflag:s9] =	ssyncset.done $0x0  }
0xd0: {  	[sflag:s9] =	ssyncadd.s32 $0xFFFFD800  }
0xd1: {  	[spmem:s3] =	stream.indirect.scatter.add.f32 [tilespmem:s24], [sflag:$0x3], $0x80, s28, s20, $0xb8;
	[tilespmem:$0x1F700] =	vst v63  }
0xd2: {  	p0 =	seq.s32 s11, $0x4C4;
	_ =	swait.ge [sflag:s17], $0x2800  }
0xd3: {  	s15 =	simm.s32 @!p0 $0x16880;
	[sflag:s17] =	ssyncset.done $0x0  }
0xd4: {  	s14 =	simm.s32 @!p0 $0x0;
	s13 =	sadd.s32 @!p0 s11, s23;
	[sflag:s17] =	ssyncadd.s32 $0xFFFFD800  }
0xd5: {  	[tilespmem:s15], [sflag:$0x3] =	stream.linear.gather @!p0 [hbm4b:s13+s14], $0x50, $0x38;
	[tilespmem:$0x1F700] =	vst v63  }
0xd6: {  	s13 =	simm.s32 @!p0 $0x3  }
0xd7: {  	_ =	swait.ge @!p0 [sflag:s13], $0x50  }
0xd8: {  	[sflag:s13] =	ssyncset.done @!p0 $0x0  }
0xd9: {  	s26 =	sadd.s32 @!p0 s11, s22;
	s8 =	simm.s32 @!p0 $0x16980;
	[sflag:s13] =	ssyncadd.s32 @!p0 $0xFFFFFFB0  }
0xda: {  	[tilespmem:s8], [sflag:$0x3] =	stream.linear.gather @!p0 [hbm4b:s26+s14], $0x50, $0x38;
	[tilespmem:$0x1F700] =	vst v63  }
.Ltmp3:
0xdb: {  	_ = 	snop;
	(pc) =	sbr.rel .LBB2_6-.Ltmp3, $4  }
0xdc: {  	_ =	swait.ge @!p0 [sflag:s13], $0x50  }
0xdd: {  	s12 =	sadd.s32 $0xA0, s12;
	s11 =	sadd.s32 $0x14, s11;
	[sflag:s13] =	ssyncset.done @!p0 $0x0  }
0xde: {  	s8 =	simm.s32 @!p0 $0x50;
	[sflag:s13] =	ssyncadd.s32 @!p0 $0xFFFFFFB0;
	s13 =	simm.s32 @!p0 $0x19200  }
0xdf: {  	[tilespmem:s13], [sflag:$0x2] =	stream.indirect.gather @!p0 [hbm4b:s1+s8], $0x80, s15, s8, $0xb8;
	[tilespmem:$0x1F700] =	vst v63  }
.LBB2_8:
0xe0: {  	s8 =	rddreg [dreg:$0xa]  }
0xe1: {  	[spmem:s8] =	stream.strided.scatter [tilespmem:s29], [sflag:$0x3], $0x2800, s0, s31, $0x38;
	[tilespmem:$0x1F700] =	vst v63  }
0xe2: {  	_ =	swait.ge [sflag:s17], $0x2800  }
0xe3: {  	[sflag:s17] =	ssyncset.done $0x0  }
0xe4: {  	[sflag:s17] =	ssyncadd.s32 $0xFFFFD800  }
0xe5: {  	[bflag:$0x0] =	sbarrier.arrive $0xFFFF  }
0xe6: {  	[tilespmem:$0x1F200] =	vst v0  }
0xe7: {  	[tilespmem:$0x1F210] =	vst v0  }
0xe8: {  	[tilespmem:$0x1F220] =	vst v0  }
0xe9: {  	[tilespmem:$0x1F230] =	vst v0  }
0xea: {  	[tilespmem:$0x1F240] =	vst v0  }
0xeb: {  	[tilespmem:$0x1F250] =	vst v0  }
0xec: {  	[tilespmem:$0x1F260] =	vst v0  }
0xed: {  	[tilespmem:$0x1F270] =	vst v0  }
0xee: {  	[tilespmem:$0x1F280] =	vst v0  }
0xef: {  	[tilespmem:$0x1F290] =	vst v0  }
0xf0: {  	[tilespmem:$0x1F2A0] =	vst v0  }
0xf1: {  	[tilespmem:$0x1F2B0] =	vst v0  }
0xf2: {  	[tilespmem:$0x1F2C0] =	vst v0  }
0xf3: {  	[tilespmem:$0x1F2D0] =	vst v0  }
0xf4: {  	[tilespmem:$0x1F2E0] =	vst v0  }
0xf5: {  	[tilespmem:$0x1F2F0] =	vst v0  }
0xf6: {  	[tilespmem:$0x1F300] =	vst v0  }
0xf7: {  	[tilespmem:$0x1F310] =	vst v0  }
0xf8: {  	[tilespmem:$0x1F320] =	vst v0  }
0xf9: {  	[tilespmem:$0x1F330] =	vst v0  }
0xfa: {  	[tilespmem:$0x1F340] =	vst v0  }
0xfb: {  	[tilespmem:$0x1F350] =	vst v0  }
0xfc: {  	[tilespmem:$0x1F360] =	vst v0  }
0xfd: {  	[tilespmem:$0x1F370] =	vst v0  }
0xfe: {  	[tilespmem:$0x1F380] =	vst v0  }
0xff: {  	[tilespmem:$0x1F390] =	vst v0  }
0x100: {  	[tilespmem:$0x1F3A0] =	vst v0  }
0x101: {  	[tilespmem:$0x1F3B0] =	vst v0  }
0x102: {  	[tilespmem:$0x1F3C0] =	vst v0  }
0x103: {  	[tilespmem:$0x1F3D0] =	vst v0  }
0x104: {  	[tilespmem:$0x1F3E0] =	vst v0  }
0x105: {  	[tilespmem:$0x1F3F0] =	vst v0  }
0x106: {  	[tilespmem:$0x1F400] =	vst v0  }
0x107: {  	[tilespmem:$0x1F410] =	vst v0  }
0x108: {  	[tilespmem:$0x1F420] =	vst v0  }
0x109: {  	[tilespmem:$0x1F430] =	vst v0  }
0x10a: {  	[tilespmem:$0x1F440] =	vst v0  }
0x10b: {  	[tilespmem:$0x1F450] =	vst v0  }
0x10c: {  	[tilespmem:$0x1F460] =	vst v0  }
0x10d: {  	s11 =	simm.s32 $0x0;
	[tilespmem:$0x1F470] =	vst v0  }
.LBB2_9:
0x10e: {  	s8 =	sshrl.u32 s11, $0x3  }
0x10f: {  	s8 =	smul.u32 $0x50000, s8;
	_ =	sdelay $0x1  }
0x110: {  	s12 =	sshll.u32 s11, $0x7;
	s8 =	sshra.s32 s8, $0x2  }
0x111: {  	s12 =	sand.u32 $0x380, s12;
	s8 =	sadd.s32 s8, s4  }
0x112: {  	s8 =	sadd.s32 s12, s8  }
0x113: {  	s8 =	sadd.s32 s25, s8  }
0x114: {  	[tilespmem:s2], [sflag:$0x3] =	stream.strided.gather [spmem:s8], $0x280, s0, s31, $0x38;
	[tilespmem:$0x1F700] =	vst v63  }
0x115: {  	_ =	swait.ge [sflag:s17], $0x280  }
0x116: {  	[sflag:s17] =	ssyncset.done $0x0  }
0x117: {  	s12 =	simm.s32 $0x0;
	[sflag:s17] =	ssyncadd.s32 $0xFFFFFD80  }
0x118: {  	s13 =	simm.s32 $0x40;
	v2 =	vld [tilespmem:s12+$0x1F480]  }
.LBB2_10:
0x119: {  	p0 =	sne.s32 s13, $0x9C0;
	v3 =	vld [tilespmem:s12+$0x1F200];
	_ =	sdelay $0x2  }
.Ltmp4:
0x11a: {  	(pc) =	sbr.rel @p0 .LBB2_10-.Ltmp4, $4  }
0x11b: {  	_ = 	snop  }
0x11c: {  	v3 =	vadd.f32 v2, v3  }
0x11d: {  	s8 =	sshra.s32 s13, $0x2  }
0x11e: {  	s13 =	sadd.s32 $0x40, s13;
	v2 =	vld [tilespmem:s8+$0x1F480];
	[tilespmem:s12+$0x1F200] =	vst v3;
	s12 =	smov.u32 s8  }
0x11f: {  	v3 =	vld [tilespmem:s12+$0x1F200]  }
0x120: {  	s11 =	sadd.s32 $0x1, s11  }
0x121: {  	p0 =	sne.s32 s11, $0x10  }
.Ltmp5:
0x122: {  	_ = 	snop;
	(pc) =	sbr.rel @p0 .LBB2_9-.Ltmp5, $3  }
0x123: {  	_ = 	snop  }
0x124: {  	v2 =	vadd.f32 v2, v3;
	_ =	sdelay $0x1  }
0x125: {  	[tilespmem:s12+$0x1F200] =	vst v2  }
0x126: {  	s8 =	rddreg [dreg:$0xb];
	s11 =	simm.s32 $0x1F200;
	s14 =	stileid.u32  }
0x127: {  	[hbm4b:s8+s5] =	stream.linear.scatter [tilespmem:s11], [sflag:$0x3], $0x280, $0x38;
	[tilespmem:$0x1F700] =	vst v63  }
0x128: {  	s8 =	sshll.u32 s14, $0x6;
	_ =	swait.ge [sflag:s17], $0x280  }
0x129: {  	s8 =	sor.u32 $0x1C03, s8;
	[sflag:s17] =	ssyncset.done $0x0;
	s15 =	rddreg [dreg:$0x5]  }
0x12a: {  	s12 =	rddreg [dreg:$0x12];
	[sflag:s17] =	ssyncadd.s32 $0xFFFFFD80;
	s11 =	sshrl.u32 s15, $0x3  }
0x12b: {  	[hbm:s12], [sflag:s8] =	dma.local [spmem:s11], $0x2800  }
0x12c: {  	_ =	swait.ge [sflag:s17], $0x2800  }
0x12d: {  	s10 =	sadd.s32 $0x1, s10;
	s26 =	rddreg [dreg:$0xc]  }
0x12e: {  	p0 =	sne.s32 s10, s26  }
.Ltmp6:
0x12f: {  	_ = 	snop;
	(pc) =	sbr.rel @p0 .LBB2_1-.Ltmp6, $3  }
0x130: {  	_ =	sdelay $0x1  }
0x131: {  	[sflag:s17] =	ssyncset.done $0x0  }
0x132: {  	[sflag:s17] =	ssyncadd.s32 $0xFFFFD800  }
0x133: {  	_ =	sfence.sel $0x180000  }
0x134: {  	[bflag:$0x0] =	sbarrier.arrive $0xFFFF  }
0x135: {  	_ =	strace $0x9000004D  }
0x136: {  	s0 =	stileid.u32;
	[bflag:$0x2] =	sbarrier.arrive $0xFFFF  }
0x137: {  	p0 =	sne.s32 s0, $0x0;
	s0 =	rddreg [dreg:$0x4]  }
0x138: {  	s0 =	sadd.s32 @!p0 $0x100000, s0  }
0x139: {  	[sflag:s0] =	ssyncadd.tile.s32 @!p0 $0x1;
	_ =	shalt  }
.Lfunc_end2:
_tile_overlayer_lowered:
.L_overlay_start_2:
0x13a: {  	(tag) =	ssettag $0x2  }
0x13b: {  	s0 =	rddreg [dreg:$0x0];
	s2 =	stileid.u32  }
0x13c: {  	s1 =	rddreg [dreg:$0x1];
	p0 =	sne.s32 s2, $0x0  }
0x13d: {  	s3 =	rddreg [dreg:$0x2];
	[bflag:$0x3] =	sbarrier.arrive $0xFFFF;
	s2 =	simm.s32 @!p0 $0x1C03  }
0x13e: {  	[timem:s3], [sflag:s2] =	dma.local @!p0 [hbm:s0], s1  }
0x13f: {  	s0 =	simm.s32 @!p0 $0x3  }
0x140: {  	_ =	swait.ge @!p0 [sflag:s0], s1  }
0x141: {  	s1 =	ssub.s32 @!p0 $0x0, s1;
	[sflag:s0] =	ssyncset.done @!p0 $0x0  }
0x142: {  	[sflag:s0] =	ssyncadd.s32 @!p0 s1  }
0x143: {  	[bflag:$0x3] =	sbarrier.arrive $0xFFFF  }
0x144: {  	_ =	shalt  }

// kernel: kernel.8.cloned.1.call-start
scs
__scs_entry_jumppad:
0x0: {  	(pc) =	sbr.rel $0x88, $3  }
0x1: {  	(tag) =	ssettag $0x0;
	lr =	simm.s32 $0x1  }
0x2: {  	[smem:$0x3F90] =	sst lr;
	_ =	strace $0xD0000000  }
0x3: {  	_ = 	snop  }
0x4: {  	_ = 	snop  }
0x5: {  	_ = 	snop  }
0x6: {  	_ = 	snop  }
0x7: {  	_ = 	snop  }
__scs_overlays_trampoline_lowered:
0x8: {  	[smem:$0x3F9F] =	sst s0  }
0x9: {  	[smem:$0x3FA0] =	sst s1  }
0xa: {  	[smem:$0x3FA1] =	sst s2  }
0xb: {  	[smem:$0x3FA2] =	sst s3  }
0xc: {  	[smem:$0x3FA3] =	sst s4  }
0xd: {  	[smem:$0x3FA4] =	sst s5  }
0xe: {  	[smem:$0x3FA5] =	sst s6  }
0xf: {  	[smem:$0x3FA6] =	sst s7  }
0x10: {  	[smem:$0x3FA7] =	sst s8  }
0x11: {  	[smem:$0x3FA8] =	sst s9;
	s0 =	simm.s32 @!p0 $0x0  }
0x12: {  	s1 =	sld [smem:$0x3F8E];
	s0 =	simm.s32 @p0 $0x1  }
0x13: {  	[smem:$0x3FA9] =	sst s0;
	s0 =	simm.s32 @!p1 $0x0  }
0x14: {  	s2 =	sld [smem:$0x3F8D];
	s0 =	simm.s32 @p1 $0x1  }
0x15: {  	[smem:$0x3FAA] =	sst s0;
	s0 =	simm.s32 @!p2 $0x0  }
0x16: {  	s3 =	sld [smem:$0x3FDB];
	s0 =	simm.s32 @p2 $0x1  }
0x17: {  	s4 =	simm.s32 $0x1BF5;
	[smem:$0x3FAC] =	sst s0  }
0x18: {  	s0 =	sld [smem:$0x3F8F];
	_ =	swait.ge [sflag:s4], $0x0  }
0x19: {  	s7 =	sld [smem:$0x3F90]  }
0x1a: {  	s8 =	sadd.s32 $0xFFFFE003, lr  }
0x1b: {  	s9 =	sadd.s32 $0xFFFFFEF7, lr;
	s5 =	simm.s32 $0xFFFFFFFF;
	p2 =	slt.u32 s8, $0xFFFFF086  }
0x1c: {  	p1 =	slt.u32 s9, $0xF7A;
	s5 =	simm.s32 @!p2 $0x0  }
0x1d: {  	s5 =	simm.s32 @p1 $0x1;
	p0 =	seq.s32 s7, s2  }
0x1e: {  	s7 =	smul.u32 @!p0 $0xF7A, s2;
	p2 =	seq.s32 @!p0 s5, $0x0  }
0x1f: {  	s9 =	smul.u32 $0xF7A, s1;
	s8 =	simm.s32 @!p0 $0x1BF5;
	p2 =	por !p2, p0  }
0x20: {  	[sflag:s8] =	ssyncset.s32 @!p0 $0xFFFFF086;
	s6 =	sadd.s32 @!p0 s3, s7;
	s7 =	simm.s32 @!p0 $0x108  }
0x21: {  	s3 =	sadd.s32 s3, s9;
	s6 =	sadd.s32 @!p0 $0x88, s6;
	s7 =	simm.s32 @p2 $0x1082  }
0x22: {  	[simem:s7], [sflag:s8] =	dma.local @!p0 [hbm:s6], $0xF7A  }
0x23: {  	s9 =	sor.u32 $0xD0000000, s2;
	s6 =	simm.s32 $0x108;
	_ =	swait.ge @!p0 [sflag:s8], $0x0  }
0x24: {  	s3 =	sadd.s32 $0x88, s3;
	s6 =	simm.s32 @!p1 $0x1082;
	[sflag:s4] =	ssyncset.s32 $0xFFFFF086  }
0x25: {  	[simem:s6], [sflag:s4] =	dma.local [hbm:s3], $0xF7A  }
0x26: {  	[smem:$0x3F90] =	sst s1;
	(tag) =	ssettag s2;
	_ =	strace s9  }
0x27: {  	s1 =	sld [smem:$0x3FA0]  }
0x28: {  	s2 =	sld [smem:$0x3FA1]  }
0x29: {  	s4 =	sld [smem:$0x3FA3]  }
0x2a: {  	p0 =	seq.s32 s5, $0x0;
	s5 =	sld [smem:$0x3FA4]  }
0x2b: {  	s6 =	sld [smem:$0x3FA5]  }
0x2c: {  	s7 =	sld [smem:$0x3FA6]  }
0x2d: {  	s3 =	simm.s32 $0x108;
	s8 =	sld [smem:$0x3FA7]  }
0x2e: {  	s3 =	simm.s32 @!p0 $0x1082;
	s9 =	sld [smem:$0x3FA8]  }
0x2f: {  	lr =	sadd.s32 s0, s3;
	s0 =	sld [smem:$0x3F9F]  }
0x30: {  	s3 =	sld [smem:$0x3FA2]  }
0x31: {  	[smem:$0x3FAB] =	sst s10  }
0x32: {  	s10 =	sld [smem:$0x3FA9];
	_ =	sdelay $0x3  }
0x33: {  	p0 =	seq.s32 s10, $0x1;
	s10 =	sld [smem:$0x3FAB];
	_ =	sdelay $0x3  }
0x34: {  	[smem:$0x3FAB] =	sst s10  }
0x35: {  	s10 =	sld [smem:$0x3FAA];
	_ =	sdelay $0x3  }
0x36: {  	p1 =	seq.s32 s10, $0x1;
	s10 =	sld [smem:$0x3FAB];
	_ =	sdelay $0x3  }
0x37: {  	[smem:$0x3FAB] =	sst s10  }
0x38: {  	s10 =	sld [smem:$0x3FAC]  }
0x39: {  	_ = 	snop;
	(pc) =	sbr.ind lr, $3  }
0x3a: {  	_ = 	snop  }
0x3b: {  	_ = 	snop  }
0x3c: {  	p2 =	seq.s32 s10, $0x1;
	s10 =	sld [smem:$0x3FAB]  }
0x3d: {  	_ =	shalt  }
0x3e: {  	_ =	shalt  }
0x3f: {  	_ =	shalt  }
0x40: {  	_ =	shalt  }
0x41: {  	_ =	shalt  }
0x42: {  	_ =	shalt  }
0x43: {  	_ =	shalt  }
0x44: {  	_ =	shalt  }
0x45: {  	_ =	shalt  }
0x46: {  	_ =	shalt  }
0x47: {  	_ =	shalt  }
0x48: {  	_ =	shalt  }
0x49: {  	_ =	shalt  }
0x4a: {  	_ =	shalt  }
0x4b: {  	_ =	shalt  }
0x4c: {  	_ =	shalt  }
0x4d: {  	_ =	shalt  }
0x4e: {  	_ =	shalt  }
0x4f: {  	_ =	shalt  }
0x50: {  	_ =	shalt  }
0x51: {  	_ =	shalt  }
0x52: {  	_ =	shalt  }
0x53: {  	_ =	shalt  }
0x54: {  	_ =	shalt  }
0x55: {  	_ =	shalt  }
0x56: {  	_ =	shalt  }
0x57: {  	_ =	shalt  }
0x58: {  	_ =	shalt  }
0x59: {  	_ =	shalt  }
0x5a: {  	_ =	shalt  }
0x5b: {  	_ =	shalt  }
0x5c: {  	_ =	shalt  }
0x5d: {  	_ =	shalt  }
0x5e: {  	_ =	shalt  }
0x5f: {  	_ =	shalt  }
0x60: {  	_ =	shalt  }
0x61: {  	_ =	shalt  }
0x62: {  	_ =	shalt  }
0x63: {  	_ =	shalt  }
0x64: {  	_ =	shalt  }
0x65: {  	_ =	shalt  }
0x66: {  	_ =	shalt  }
0x67: {  	_ =	shalt  }
0x68: {  	_ =	shalt  }
0x69: {  	_ =	shalt  }
0x6a: {  	_ =	shalt  }
0x6b: {  	_ =	shalt  }
0x6c: {  	_ =	shalt  }
0x6d: {  	_ =	shalt  }
0x6e: {  	_ =	shalt  }
0x6f: {  	_ =	shalt  }
0x70: {  	_ =	shalt  }
0x71: {  	_ =	shalt  }
0x72: {  	_ =	shalt  }
0x73: {  	_ =	shalt  }
0x74: {  	_ =	shalt  }
0x75: {  	_ =	shalt  }
0x76: {  	_ =	shalt  }
0x77: {  	_ =	shalt  }
0x78: {  	_ =	shalt  }
0x79: {  	_ =	shalt  }
0x7a: {  	_ =	shalt  }
0x7b: {  	_ =	shalt  }
0x7c: {  	_ =	shalt  }
0x7d: {  	_ =	shalt  }
0x7e: {  	_ =	shalt  }
0x7f: {  	_ =	shalt  }
0x80: {  	_ =	shalt  }
0x81: {  	_ =	shalt  }
0x82: {  	_ =	shalt  }
0x83: {  	_ =	shalt  }
0x84: {  	_ =	shalt  }
0x85: {  	_ =	shalt  }
0x86: {  	_ =	shalt  }
0x87: {  	_ =	shalt  }
.Lfunc_end0:
.L_simem_size_0:
called_computation_lowered:
.L_overlay_start_0:
0x88: {  	s2 =	sld [smem:$0x3FD9]  }
0x89: {  	s3 =	sld [smem:$0x3FFE];
	_ =	sdelay $0x1  }
0x8a: {  	s1 =	srdreg.scid  }
0x8b: {  	s0 =	sand.u32 $0x1, s1  }
0x8c: {  	s17 =	sshll.u32 s0, $0xA;
	s2 =	sadd.s32 s3, s2  }
0x8d: {  	s2 =	sadd.s32 s2, s17  }
0x8e: {  	[smem:$0x3FB7] =	sst s2  }
0x8f: {  	_ = 	snop  }
0x90: {  	s2 =	sld [smem:$0x3FC9]  }
0x91: {  	s18 =	sld [smem:$0x3FD0];
	(tm) =	ssettm $0x1  }
0x92: {  	s4 =	sld [smem:$0x3FFB];
	_ =	sdelay $0x3  }
0x93: {  	_ =	strace s4  }
0x94: {  	s4 =	sld [smem:$0x3FFC];
	_ =	sdelay $0x3  }
0x95: {  	_ =	strace s4  }
0x96: {  	s4 =	sld [smem:$0x3FFD];
	_ =	sdelay $0x3  }
0x97: {  	_ =	strace s4  }
0x98: {  	_ =	strace $0x8FFFFFFF  }
0x99: {  	s19 =	sld [smem:$0x3FDB];
	_ =	sdelay $0x1  }
0x9a: {  	s5 =	simm.s32 $_scs_section_size  }
0x9b: {  	s6 =	simm.s32 $_size__tile_overlayer_lowered;
	s7 =	simm.s32 $_tile_overlayer_lowered  }
0x9c: {  	s22 =	simm.s32 $0x1BFF;
	s21 =	sshll.u32 s7, $0x1;
	s4 =	sadd.s32 s5, s19  }
0x9d: {  	s8 =	simm.s32 $0x0;
	s20 =	sshll.u32 s6, $0x1;
	s6 =	sadd.s32 s21, s4  }
0x9e: {  	[timem:s8], [sflag:s22] =	dma.local [hbm:s6], s20  }
0x9f: {  	_ =	swait.ge [sflag:s22], s20  }
0xa0: {  	s5 =	ssub.s32 $0x0, s20;
	[sflag:s22] =	ssyncset.done $0x0  }
0xa1: {  	[sflag:s22] =	ssyncadd.s32 s5;
	_ =	sdelay $0x1  }
0xa2: {  	s23 =	simm.s32 $0x1B8B  }
0xa3: {  	_ =	swait.ge [sflag:s23], $0x1  }
0xa4: {  	[sflag:s23] =	ssyncset.done $0x0  }
0xa5: {  	s25 =	simm.s32 $0x1B8E;
	s24 =	sld [smem:$0x3FFE];
	[sflag:s23] =	ssyncadd.s32 $0xFFFFFFFF  }
0xa6: {  	s26 =	simm.s32 $execute0_lowered;
	[smem:$0x3FD2] =	sst s25  }
0xa7: {  	s6 =	sshll.u32 s26, $0x1;
	_ =	strace $0x80000046;
	[dreg:$0x1] =	wrdreg $0xFFFFFFFF  }
0xa8: {  	s28 =	simm.s32 $_size_execute0_lowered;
	s4 =	sadd.s32 s4, s6;
	[dreg:$0x0] =	wrdreg $0x0  }
0xa9: {  	s6 =	sshll.u32 s28, $0x1;
	[dreg:$0x2] =	wrdreg s4  }
0xaa: {  	[dreg:$0x3] =	wrdreg s6  }
0xab: {  	[dreg:$0x4] =	wrdreg $0xC0  }
0xac: {  	_ =	task [dreg:s8], $0x5FFFF  }
0xad: {  	[dreg:$0x1] =	wrdreg $0xFFFFFFFF  }
0xae: {  	[dreg:$0x0] =	wrdreg $0x60  }
0xaf: {  	[dreg:$0x2] =	wrdreg s2  }
0xb0: {  	[dreg:$0x3] =	wrdreg s24  }
0xb1: {  	[dreg:$0x4] =	wrdreg s18  }
0xb2: {  	[dreg:$0x5] =	wrdreg $0x0  }
0xb3: {  	[dreg:$0x6] =	wrdreg $0x140000  }
0xb4: {  	[dreg:$0x7] =	wrdreg $0x9  }
0xb5: {  	_ =	task.clear_ibuf [dreg:s8], $0x8FFFF;
	_ =	strace $0x90000046  }
0xb6: {  	s29 =	simm.s32 $0x9;
	_ =	strace $0x80000048  }
0xb7: {  	_ =	swait.ge [sflag:s29], $0x1  }
0xb8: {  	[sflag:s29] =	ssyncadd.s32 $0xFFFFFFFF  }
0xb9: {  	_ =	strace $0x90000048  }
0xba: {  	_ =	sfence  }
0xbb: {  	s30 =	sld [smem:$0x0];
	_ =	sdelay $0x2  }
0xbc: {  	s31 =	sshll.u32 s1, $0xD;
	s1 =	sshrl.u32 s1, $0x2  }
0xbd: {  	s3 =	sand.u32 $0x4000, s31;
	s1 =	sadd.s32 s1, s30  }
0xbe: {  	s0 =	sor.u32 s3, s0;
	s1 =	sshll.u32 s1, $0x11  }
0xbf: {  	s0 =	sor.u32 s1, s0  }
0xc0: {  	s0 =	sadd.s32 $0x8F2B, s0  }
0xc1: {  	[sflag:s0] =	ssyncadd.remote.s32 $0x1  }
0xc2: {  	_ =	sfence.sel $0xFFFF  }
0xc3: {  	[dreg:$0x0] =	wrdreg $0xFFFFFFFF;
	(pc) =	sbr.abs _section_cstart, $3  }
0xc4: {  	[dreg:$0x1] =	wrdreg $0xFFFFFFFF  }
0xc5: {  	_ =	task.clear_ibuf [dreg:s8], $0x2FFFF;
	_ =	strace $0x9FFFFFFF  }
0xc6: {  	(tm) =	ssettm $0x7FFFFFFF  }
0xc7: {  	_ =	shalt  }
tec
execute0_lowered:
.L_overlay_start_1:
0x0: {  	(tag) =	ssettag $0x1  }
0x1: {  	s1 =	rddreg [dreg:$0x0]  }
0x2: {  	s0 =	rddreg [dreg:$0x1]  }
0x3: {  	s5 =	rddreg [dreg:$0x2]  }
0x4: {  	s2 =	rddreg [dreg:$0x3]  }
0x5: {  	s3 =	rddreg [dreg:$0x4];
	s16 =	stileid.u32  }
0x6: {  	s4 =	simm.s32 $0x0;
	s6 =	srdreg.scid;
	s12 =	smul.u32 $0x2710, s16  }
0x7: {  	[smem:$0x7FF] =	sst s4;
	s13 =	smul.u32 $0x50000, s16  }
0x8: {  	s9 =	sand.u32 $0x1, s6;
	s6 =	sadd.s32 $0xDE00, s0;
	s14 =	smul.u32 $0x280, s16  }
0x9: {  	s7 =	sadd.s32 $0x4000, s0;
	s23 =	sshrl.u32 s16, $0x3;
	s18 =	smul.u32 $0x5000, s16  }
0xa: {  	s26 =	sshll.u32 s16, $0x7;
	s8 =	smul.u32 $0x28000, s9;
	s11 =	ssub.s32 $0x2, s9  }
0xb: {  	s19 =	smul.u32 $0x2800, s16;
	s21 =	sshrl.u32 s11, $0x1;
	s22 =	sshrl.u32 s13, $0x2  }
0xc: {  	s0 =	sadd.s32 s8, s0;
	s11 =	ssub.s32 s11, s21;
	s8 =	sadd.s32 s22, s2  }
0xd: {  	_ =	strace $0x80000047;
	s20 =	smax.u32 s11, $0x1;
	[dreg:$0x6] =	wrdreg s8  }
0xe: {  	s10 =	smul.u32 $0x27100, s9;
	s21 =	sadd.s32 $0x1000, s8;
	[dreg:$0xd] =	wrdreg s20  }
0xf: {  	s9 =	smul.u32 $0x2800, s9;
	s22 =	sadd.s32 $0x2000, s8;
	[dreg:$0xe] =	wrdreg s21  }
0x10: {  	s13 =	smul.u32 $0x50000, s23;
	s23 =	sadd.s32 $0x3000, s8;
	[dreg:$0xf] =	wrdreg s22  }
0x11: {  	s10 =	sadd.s32 s12, s10;
	s11 =	sadd.s32 $0x7000, s8;
	[dreg:$0x10] =	wrdreg s23  }
0x12: {  	s9 =	sadd.s32 s14, s9;
	s14 =	sadd.s32 $0xA000, s8;
	[dreg:$0x16] =	wrdreg s11  }
0x13: {  	s12 =	sshrl.u32 s10, $0x3;
	s16 =	sadd.s32 $0xC000, s8;
	[dreg:$0x19] =	wrdreg s14  }
0x14: {  	s28 =	simm.s32 $0x16980;
	s15 =	sadd.s32 s6, s12;
	[dreg:$0x1b] =	wrdreg s16  }
0x15: {  	s9 =	sshrl.u32 s9, $0x3;
	s24 =	sadd.s32 s7, s12;
	[dreg:$0x7] =	wrdreg s15  }
0x16: {  	s0 =	sadd.s32 $0x17C00, s0;
	s5 =	sadd.s32 s5, s9;
	[dreg:$0x8] =	wrdreg s24  }
0x17: {  	s29 =	simm.s32 $0x1CA00;
	s0 =	sadd.s32 s19, s0;
	[dreg:$0xc] =	wrdreg s5  }
0x18: {  	s30 =	simm.s32 $0x1;
	s19 =	sadd.s32 $0xF000, s8;
	[dreg:$0x13] =	wrdreg s0  }
0x19: {  	s31 =	simm.s32 $0x80;
	s20 =	sadd.s32 $0x10000, s8;
	[dreg:$0x1e] =	wrdreg s19  }
0x1a: {  	s12 =	sadd.s32 $0xA, s12;
	s21 =	sadd.s32 $0x11000, s8;
	[dreg:$0x1f] =	wrdreg s20  }
0x1b: {  	s13 =	sshrl.u32 s13, $0x2;
	s25 =	sadd.s32 s6, s12;
	[smem:$0x7FB] =	sst s21  }
0x1c: {  	s13 =	sadd.s32 s13, s3;
	s12 =	sadd.s32 s7, s12;
	[dreg:$0x9] =	wrdreg s25  }
0x1d: {  	s15 =	sand.u32 $0x380, s26;
	s26 =	sadd.s32 $0x5000, s8;
	[dreg:$0xa] =	wrdreg s12  }
0x1e: {  	s16 =	simm.s32 $0x1BA00;
	s17 =	sadd.s32 s15, s13;
	[dreg:$0x12] =	wrdreg s26  }
0x1f: {  	s24 =	sadd.s32 $0xF0, s10;
	s25 =	sadd.s32 $0x4000, s8;
	[dreg:$0xb] =	wrdreg s17  }
0x20: {  	s19 =	simm.s32 $0x16900;
	s12 =	sadd.s32 $0x8000, s8;
	[dreg:$0x11] =	wrdreg s25  }
0x21: {  	s20 =	simm.s32 $0x50;
	s13 =	sadd.s32 $0x9000, s8;
	[dreg:$0x17] =	wrdreg s12  }
0x22: {  	s21 =	simm.s32 $0x16A00;
	s15 =	sadd.s32 $0xB000, s8;
	[dreg:$0x18] =	wrdreg s13  }
0x23: {  	s9 =	sshrl.u32 s24, $0x3;
	s24 =	sadd.s32 $0x12000, s8;
	[dreg:$0x1a] =	wrdreg s15  }
0x24: {  	s26 =	sadd.s32 $0x13000, s8;
	s22 =	sadd.s32 s9, s7;
	[smem:$0x7FC] =	sst s24  }
0x25: {  	s23 =	sadd.s32 s9, s6;
	s9 =	sadd.s32 $0xA0, s10;
	[smem:$0x7FD] =	sst s26  }
0x26: {  	s0 =	simm.s32 $0x400;
	s10 =	sadd.s32 $0x6000, s8;
	[dreg:$0x14] =	wrdreg s9  }
0x27: {  	s5 =	simm.s32 $0x1F480;
	s17 =	sadd.s32 $0xD000, s8;
	[dreg:$0x15] =	wrdreg s10  }
0x28: {  	s25 =	sshrl.u32 s18, $0x2;
	s18 =	sadd.s32 $0xE000, s8;
	[dreg:$0x1c] =	wrdreg s17  }
0x29: {  	s24 =	simm.s32 $0x19200;
	[dreg:$0x1d] =	wrdreg s18;
	s17 =	simm.s32 $0x3  }
0x2a: {  	v0 =	vimm.f32 $0.0e+00;
	v1 =	vimm.f32 $1.000000000e+00;
	s18 =	simm.s32 $0x16800;
	s9 =	simm.s32 $0x2;
	s10 =	simm.s32 $0x0  }
.LBB2_1:
0x2b: {  	s11 =	simm.s32 $0x0;
	s12 =	simm.s32 $0x200  }
.LBB2_2:
0x2c: {  	p0 =	sne.s32 s12, $0x3E00;
	[tilespmem:s11+$0x1BA70] =	vst v0  }
0x2d: {  	[tilespmem:s11+$0x1BA00] =	vst v0  }
0x2e: {  	[tilespmem:s11+$0x1BA10] =	vst v0  }
.Ltmp0:
0x2f: {  	[tilespmem:s11+$0x1BA20] =	vst v0;
	(pc) =	sbr.rel @p0 .LBB2_2-.Ltmp0, $4  }
0x30: {  	[tilespmem:s11+$0x1BA30] =	vst v0  }
0x31: {  	[tilespmem:s11+$0x1BA40] =	vst v0  }
0x32: {  	[tilespmem:s11+$0x1BA50] =	vst v0  }
0x33: {  	[tilespmem:s11+$0x1BA60] =	vst v0;
	s11 =	sshra.s32 s12, $0x2;
	s12 =	sadd.s32 $0x200, s12  }
0x34: {  	[tilespmem:s11+$0x1BA70] =	vst v0  }
0x35: {  	[tilespmem:s11+$0x1BA00] =	vst v0  }
0x36: {  	[tilespmem:s11+$0x1BA10] =	vst v0  }
0x37: {  	[tilespmem:s11+$0x1BA20] =	vst v0  }
0x38: {  	[tilespmem:s11+$0x1BA30] =	vst v0  }
0x39: {  	[tilespmem:s11+$0x1BA40] =	vst v0  }
0x3a: {  	[tilespmem:s11+$0x1BA50] =	vst v0  }
0x3b: {  	[tilespmem:s11+$0x1BA60] =	vst v0;
	s8 =	rddreg [dreg:$0x6]  }
0x3c: {  	[spmem:s8] =	stream.linear.scatter [tilespmem:s16], [sflag:$0x3], $0x1000, $0x38;
	[tilespmem:$0x1F700] =	vst v63  }
0x3d: {  	_ =	swait.ge [sflag:s17], $0x1000  }
0x3e: {  	[sflag:s17] =	ssyncset.done $0x0  }
0x3f: {  	s26 =	rddreg [dreg:$0xe];
	[sflag:s17] =	ssyncadd.s32 $0xFFFFF000  }
0x40: {  	[spmem:s26] =	stream.linear.scatter [tilespmem:s16], [sflag:$0x3], $0x1000, $0x38;
	[tilespmem:$0x1F700] =	vst v63  }
0x41: {  	_ =	swait.ge [sflag:s17], $0x1000  }
0x42: {  	[sflag:s17] =	ssyncset.done $0x0  }
0x43: {  	s11 =	rddreg [dreg:$0xf];
	[sflag:s17] =	ssyncadd.s32 $0xFFFFF000  }
0x44: {  	[spmem:s11] =	stream.linear.scatter [tilespmem:s16], [sflag:$0x3], $0x1000, $0x38;
	[tilespmem:$0x1F700] =	vst v63  }
0x45: {  	_ =	swait.ge [sflag:s17], $0x1000  }
0x46: {  	[sflag:s17] =	ssyncset.done $0x0  }
0x47: {  	s12 =	rddreg [dreg:$0x10];
	[sflag:s17] =	ssyncadd.s32 $0xFFFFF000  }
0x48: {  	[spmem:s12] =	stream.linear.scatter [tilespmem:s16], [sflag:$0x3], $0x1000, $0x38;
	[tilespmem:$0x1F700] =	vst v63  }
0x49: {  	_ =	swait.ge [sflag:s17], $0x1000  }
0x4a: {  	[sflag:s17] =	ssyncset.done $0x0  }
0x4b: {  	s13 =	rddreg [dreg:$0x11];
	[sflag:s17] =	ssyncadd.s32 $0xFFFFF000  }
0x4c: {  	[spmem:s13] =	stream.linear.scatter [tilespmem:s16], [sflag:$0x3], $0x1000, $0x38;
	[tilespmem:$0x1F700] =	vst v63  }
0x4d: {  	_ =	swait.ge [sflag:s17], $0x1000  }
0x4e: {  	[sflag:s17] =	ssyncset.done $0x0  }
0x4f: {  	s14 =	rddreg [dreg:$0x12];
	[sflag:s17] =	ssyncadd.s32 $0xFFFFF000  }
0x50: {  	[spmem:s14] =	stream.linear.scatter [tilespmem:s16], [sflag:$0x3], $0x1000, $0x38;
	[tilespmem:$0x1F700] =	vst v63  }
0x51: {  	_ =	swait.ge [sflag:s17], $0x1000  }
0x52: {  	[sflag:s17] =	ssyncset.done $0x0  }
0x53: {  	s15 =	rddreg [dreg:$0x15];
	[sflag:s17] =	ssyncadd.s32 $0xFFFFF000  }
0x54: {  	[spmem:s15] =	stream.linear.scatter [tilespmem:s16], [sflag:$0x3], $0x1000, $0x38;
	[tilespmem:$0x1F700] =	vst v63  }
0x55: {  	_ =	swait.ge [sflag:s17], $0x1000  }
0x56: {  	[sflag:s17] =	ssyncset.done $0x0  }
0x57: {  	s26 =	rddreg [dreg:$0x16];
	[sflag:s17] =	ssyncadd.s32 $0xFFFFF000  }
0x58: {  	[spmem:s26] =	stream.linear.scatter [tilespmem:s16], [sflag:$0x3], $0x1000, $0x38;
	[tilespmem:$0x1F700] =	vst v63  }
0x59: {  	_ =	swait.ge [sflag:s17], $0x1000  }
0x5a: {  	[sflag:s17] =	ssyncset.done $0x0  }
0x5b: {  	s11 =	rddreg [dreg:$0x17];
	[sflag:s17] =	ssyncadd.s32 $0xFFFFF000  }
0x5c: {  	[spmem:s11] =	stream.linear.scatter [tilespmem:s16], [sflag:$0x3], $0x1000, $0x38;
	[tilespmem:$0x1F700] =	vst v63  }
0x5d: {  	_ =	swait.ge [sflag:s17], $0x1000  }
0x5e: {  	[sflag:s17] =	ssyncset.done $0x0  }
0x5f: {  	s12 =	rddreg [dreg:$0x18];
	[sflag:s17] =	ssyncadd.s32 $0xFFFFF000  }
0x60: {  	[spmem:s12] =	stream.linear.scatter [tilespmem:s16], [sflag:$0x3], $0x1000, $0x38;
	[tilespmem:$0x1F700] =	vst v63  }
0x61: {  	_ =	swait.ge [sflag:s17], $0x1000  }
0x62: {  	[sflag:s17] =	ssyncset.done $0x0  }
0x63: {  	s13 =	rddreg [dreg:$0x19];
	[sflag:s17] =	ssyncadd.s32 $0xFFFFF000  }
0x64: {  	[spmem:s13] =	stream.linear.scatter [tilespmem:s16], [sflag:$0x3], $0x1000, $0x38;
	[tilespmem:$0x1F700] =	vst v63  }
0x65: {  	_ =	swait.ge [sflag:s17], $0x1000  }
0x66: {  	[sflag:s17] =	ssyncset.done $0x0  }
0x67: {  	s14 =	rddreg [dreg:$0x1a];
	[sflag:s17] =	ssyncadd.s32 $0xFFFFF000  }
0x68: {  	[spmem:s14] =	stream.linear.scatter [tilespmem:s16], [sflag:$0x3], $0x1000, $0x38;
	[tilespmem:$0x1F700] =	vst v63  }
0x69: {  	_ =	swait.ge [sflag:s17], $0x1000  }
0x6a: {  	[sflag:s17] =	ssyncset.done $0x0  }
0x6b: {  	s15 =	rddreg [dreg:$0x1b];
	[sflag:s17] =	ssyncadd.s32 $0xFFFFF000  }
0x6c: {  	[spmem:s15] =	stream.linear.scatter [tilespmem:s16], [sflag:$0x3], $0x1000, $0x38;
	[tilespmem:$0x1F700] =	vst v63  }
0x6d: {  	_ =	swait.ge [sflag:s17], $0x1000  }
0x6e: {  	[sflag:s17] =	ssyncset.done $0x0  }
0x6f: {  	s26 =	rddreg [dreg:$0x1c];
	[sflag:s17] =	ssyncadd.s32 $0xFFFFF000  }
0x70: {  	[spmem:s26] =	stream.linear.scatter [tilespmem:s16], [sflag:$0x3], $0x1000, $0x38;
	[tilespmem:$0x1F700] =	vst v63  }
0x71: {  	_ =	swait.ge [sflag:s17], $0x1000  }
0x72: {  	[sflag:s17] =	ssyncset.done $0x0  }
0x73: {  	s11 =	rddreg [dreg:$0x1d];
	[sflag:s17] =	ssyncadd.s32 $0xFFFFF000  }
0x74: {  	[spmem:s11] =	stream.linear.scatter [tilespmem:s16], [sflag:$0x3], $0x1000, $0x38;
	[tilespmem:$0x1F700] =	vst v63  }
0x75: {  	_ =	swait.ge [sflag:s17], $0x1000  }
0x76: {  	[sflag:s17] =	ssyncset.done $0x0  }
0x77: {  	s12 =	rddreg [dreg:$0x1e];
	[sflag:s17] =	ssyncadd.s32 $0xFFFFF000  }
0x78: {  	[spmem:s12] =	stream.linear.scatter [tilespmem:s16], [sflag:$0x3], $0x1000, $0x38;
	[tilespmem:$0x1F700] =	vst v63  }
0x79: {  	_ =	swait.ge [sflag:s17], $0x1000  }
0x7a: {  	[sflag:s17] =	ssyncset.done $0x0  }
0x7b: {  	s13 =	rddreg [dreg:$0x1f];
	[sflag:s17] =	ssyncadd.s32 $0xFFFFF000  }
0x7c: {  	[spmem:s13] =	stream.linear.scatter [tilespmem:s16], [sflag:$0x3], $0x1000, $0x38;
	[tilespmem:$0x1F700] =	vst v63  }
0x7d: {  	_ =	swait.ge [sflag:s17], $0x1000  }
0x7e: {  	s14 =	sld [smem:$0x7FB]  }
0x7f: {  	[sflag:s17] =	ssyncset.done $0x0  }
0x80: {  	[sflag:s17] =	ssyncadd.s32 $0xFFFFF000  }
0x81: {  	[spmem:s14] =	stream.linear.scatter [tilespmem:s16], [sflag:$0x3], $0x1000, $0x38;
	[tilespmem:$0x1F700] =	vst v63  }
0x82: {  	_ =	swait.ge [sflag:s17], $0x1000  }
0x83: {  	s15 =	sld [smem:$0x7FC]  }
0x84: {  	[sflag:s17] =	ssyncset.done $0x0  }
0x85: {  	[sflag:s17] =	ssyncadd.s32 $0xFFFFF000  }
0x86: {  	[spmem:s15] =	stream.linear.scatter [tilespmem:s16], [sflag:$0x3], $0x1000, $0x38;
	[tilespmem:$0x1F700] =	vst v63  }
0x87: {  	_ =	swait.ge [sflag:s17], $0x1000  }
0x88: {  	s26 =	sld [smem:$0x7FD]  }
0x89: {  	[sflag:s17] =	ssyncset.done $0x0  }
0x8a: {  	[sflag:s17] =	ssyncadd.s32 $0xFFFFF000  }
0x8b: {  	[spmem:s26] =	stream.linear.scatter [tilespmem:s16], [sflag:$0x3], $0x1000, $0x38;
	[tilespmem:$0x1F700] =	vst v63  }
0x8c: {  	_ =	swait.ge [sflag:s17], $0x1000  }
0x8d: {  	[sflag:s17] =	ssyncset.done $0x0  }
0x8e: {  	s11 =	simm.s32 $0x40;
	s12 =	simm.s32 $0x0;
	[sflag:s17] =	ssyncadd.s32 $0xFFFFF000  }
.LBB2_4:
0x8f: {  	p0 =	sne.s32 s11, $0x9FC0;
	[tilespmem:s12+$0x1CA00] =	vst v0;
	s12 =	smov.u32 s11;
	s11 =	sadd.s32 $0x40, s11  }
.Ltmp1:
0x90: {  	(pc) =	sbr.rel @p0 .LBB2_4-.Ltmp1, $2  }
0x91: {  	_ =	sdelay $0x2  }
0x92: {  	s12 =	sshra.s32 s12, $0x2  }
0x93: {  	[tilespmem:s12+$0x1CA00] =	vst v0  }
0x94: {  	[bflag:$0x0] =	sbarrier.arrive $0xFFFF  }
0x95: {  	s11 =	simm.s32 $0x0;
	s8 =	rddreg [dreg:$0x7]  }
0x96: {  	[tilespmem:s18], [sflag:$0x3] =	stream.linear.gather [hbm4b:s8+s11], $0x50, $0x38;
	[tilespmem:$0x1F700] =	vst v63  }
0x97: {  	_ =	swait.ge [sflag:s17], $0x50  }
0x98: {  	[sflag:s17] =	ssyncset.done $0x0  }
0x99: {  	s13 =	rddreg [dreg:$0x8];
	[sflag:s17] =	ssyncadd.s32 $0xFFFFFFB0  }
0x9a: {  	[tilespmem:s19], [sflag:$0x3] =	stream.linear.gather [hbm4b:s13+s11], $0x50, $0x38;
	[tilespmem:$0x1F700] =	vst v63  }
0x9b: {  	_ =	swait.ge [sflag:s17], $0x50  }
0x9c: {  	[sflag:s17] =	ssyncset.done $0x0  }
0x9d: {  	[sflag:s17] =	ssyncadd.s32 $0xFFFFFFB0  }
0x9e: {  	[tilespmem:s21], [sflag:$0x1] =	stream.indirect.gather [hbm4b:s1+s20], $0x80, s18, s20, $0xb8;
	[tilespmem:$0x1F700] =	vst v63  }
0x9f: {  	s15 =	simm.s32 $0x16880;
	s14 =	rddreg [dreg:$0x9]  }
0xa0: {  	[tilespmem:s15], [sflag:$0x3] =	stream.linear.gather [hbm4b:s14+s11], $0x50, $0x38;
	[tilespmem:$0x1F700] =	vst v63  }
0xa1: {  	_ =	swait.ge [sflag:s17], $0x50  }
0xa2: {  	[sflag:s17] =	ssyncset.done $0x0  }
0xa3: {  	s26 =	rddreg [dreg:$0xa];
	[sflag:s17] =	ssyncadd.s32 $0xFFFFFFB0  }
0xa4: {  	[tilespmem:s28], [sflag:$0x3] =	stream.linear.gather [hbm4b:s26+s11], $0x50, $0x38;
	[tilespmem:$0x1F700] =	vst v63  }
0xa5: {  	_ =	swait.ge [sflag:s17], $0x50  }
0xa6: {  	[sflag:s17] =	ssyncset.done $0x0  }
0xa7: {  	s12 =	rddreg [dreg:$0x14];
	[sflag:s17] =	ssyncadd.s32 $0xFFFFFFB0  }
0xa8: {  	[tilespmem:s24], [sflag:$0x2] =	stream.indirect.gather [hbm4b:s1+s20], $0x80, s15, s20, $0xb8;
	[tilespmem:$0x1F700] =	vst v63  }
.LBB2_6:
0xa9: {  	v2 =	vld [tilespmem:$0x16900];
	_ =	sdelay $0x7  }
0xaa: {  	[tilespmem:v2+s29+$0x0] =	vst.idx.add.f32.msk $0xffff, v1  }
0xab: {  	v2 =	vld [tilespmem:$0x16910];
	_ =	sdelay $0x7  }
0xac: {  	[tilespmem:v2+s29+$0x0] =	vst.idx.add.f32.msk $0xffff, v1  }
0xad: {  	v2 =	vld [tilespmem:$0x16920];
	_ =	sdelay $0x7  }
0xae: {  	[tilespmem:v2+s29+$0x0] =	vst.idx.add.f32.msk $0xffff, v1  }
0xaf: {  	v2 =	vld [tilespmem:$0x16930];
	_ =	sdelay $0x7  }
0xb0: {  	[tilespmem:v2+s29+$0x0] =	vst.idx.add.f32.msk $0xffff, v1  }
0xb1: {  	v2 =	vld [tilespmem:$0x16940];
	_ =	sdelay $0x7  }
0xb2: {  	[tilespmem:v2+s29+$0x0] =	vst.idx.add.f32.msk $0xffff, v1  }
0xb3: {  	_ =	swait.ge [sflag:s30], $0x2800  }
0xb4: {  	p0 =	seq.s32 s11, $0x4D8;
	[sflag:s30] =	ssyncset.done $0x0  }
.Ltmp2:
0xb5: {  	[sflag:s30] =	ssyncadd.s32 $0xFFFFD800;
	(pc) =	sbr.rel @p0 .LBB2_8-.Ltmp2, $4  }
0xb6: {  	[spmem:s2] =	stream.indirect.scatter.add.f32 [tilespmem:s21], [sflag:$0x3], $0x80, s19, s20, $0xb8;
	[tilespmem:$0x1F700] =	vst v63  }
0xb7: {  	_ =	swait.ge [sflag:s17], $0x2800  }
0xb8: {  	[sflag:s17] =	ssyncset.done $0x0  }
0xb9: {  	[sflag:s17] =	ssyncadd.s32 $0xFFFFD800  }
0xba: {  	s13 =	sshrl.u32 s12, $0x3  }
0xbb: {  	s14 =	sadd.s32 s6, s13  }
0xbc: {  	[tilespmem:s18], [sflag:$0x3] =	stream.linear.gather [hbm4b:s14+s4], $0x50, $0x38;
	[tilespmem:$0x1F700] =	vst v63  }
0xbd: {  	_ =	swait.ge [sflag:s17], $0x50  }
0xbe: {  	[sflag:s17] =	ssyncset.done $0x0  }
0xbf: {  	s13 =	sadd.s32 s7, s13;
	[sflag:s17] =	ssyncadd.s32 $0xFFFFFFB0  }
0xc0: {  	[tilespmem:s19], [sflag:$0x3] =	stream.linear.gather [hbm4b:s13+s4], $0x50, $0x38;
	[tilespmem:$0x1F700] =	vst v63  }
0xc1: {  	_ =	swait.ge [sflag:s17], $0x50  }
0xc2: {  	[sflag:s17] =	ssyncset.done $0x0  }
0xc3: {  	[sflag:s17] =	ssyncadd.s32 $0xFFFFFFB0  }
0xc4: {  	[tilespmem:s21], [sflag:$0x1] =	stream.indirect.gather [hbm4b:s1+s20], $0x80, s18, s20, $0xb8;
	[tilespmem:$0x1F700] =	vst v63  }
0xc5: {  	v2 =	vld [tilespmem:$0x16980];
	_ =	sdelay $0x7  }
0xc6: {  	[tilespmem:v2+s29+$0x0] =	vst.idx.add.f32.msk $0xffff, v1  }
0xc7: {  	v2 =	vld [tilespmem:$0x16990];
	_ =	sdelay $0x7  }
0xc8: {  	[tilespmem:v2+s29+$0x0] =	vst.idx.add.f32.msk $0xffff, v1  }
0xc9: {  	v2 =	vld [tilespmem:$0x169A0];
	_ =	sdelay $0x7  }
0xca: {  	[tilespmem:v2+s29+$0x0] =	vst.idx.add.f32.msk $0xffff, v1  }
0xcb: {  	v2 =	vld [tilespmem:$0x169B0];
	_ =	sdelay $0x7  }
0xcc: {  	[tilespmem:v2+s29+$0x0] =	vst.idx.add.f32.msk $0xffff, v1  }
0xcd: {  	v2 =	vld [tilespmem:$0x169C0];
	_ =	sdelay $0x7  }
0xce: {  	[tilespmem:v2+s29+$0x0] =	vst.idx.add.f32.msk $0xffff, v1  }
0xcf: {  	_ =	swait.ge [sflag:s9], $0x2800  }
0xd0: {  	[sflag:s9] =	ssyncset.done $0x0  }
0xd1: {  	[sflag:s9] =	ssyncadd.s32 $0xFFFFD800  }
0xd2: {  	[spmem:s2] =	stream.indirect.scatter.add.f32 [tilespmem:s24], [sflag:$0x3], $0x80, s28, s20, $0xb8;
	[tilespmem:$0x1F700] =	vst v63  }
0xd3: {  	p0 =	seq.s32 s11, $0x4C4;
	_ =	swait.ge [sflag:s17], $0x2800  }
0xd4: {  	s15 =	simm.s32 @!p0 $0x16880;
	[sflag:s17] =	ssyncset.done $0x0  }
0xd5: {  	s14 =	simm.s32 @!p0 $0x0;
	s13 =	sadd.s32 @!p0 s11, s23;
	[sflag:s17] =	ssyncadd.s32 $0xFFFFD800  }
0xd6: {  	[tilespmem:s15], [sflag:$0x3] =	stream.linear.gather @!p0 [hbm4b:s13+s14], $0x50, $0x38;
	[tilespmem:$0x1F700] =	vst v63  }
0xd7: {  	s13 =	simm.s32 @!p0 $0x3  }
0xd8: {  	_ =	swait.ge @!p0 [sflag:s13], $0x50  }
0xd9: {  	[sflag:s13] =	ssyncset.done @!p0 $0x0  }
0xda: {  	s26 =	sadd.s32 @!p0 s11, s22;
	s8 =	simm.s32 @!p0 $0x16980;
	[sflag:s13] =	ssyncadd.s32 @!p0 $0xFFFFFFB0  }
0xdb: {  	[tilespmem:s8], [sflag:$0x3] =	stream.linear.gather @!p0 [hbm4b:s26+s14], $0x50, $0x38;
	[tilespmem:$0x1F700] =	vst v63  }
.Ltmp3:
0xdc: {  	_ = 	snop;
	(pc) =	sbr.rel .LBB2_6-.Ltmp3, $4  }
0xdd: {  	_ =	swait.ge @!p0 [sflag:s13], $0x50  }
0xde: {  	s12 =	sadd.s32 $0xA0, s12;
	s11 =	sadd.s32 $0x14, s11;
	[sflag:s13] =	ssyncset.done @!p0 $0x0  }
0xdf: {  	s8 =	simm.s32 @!p0 $0x50;
	[sflag:s13] =	ssyncadd.s32 @!p0 $0xFFFFFFB0;
	s13 =	simm.s32 @!p0 $0x19200  }
0xe0: {  	[tilespmem:s13], [sflag:$0x2] =	stream.indirect.gather @!p0 [hbm4b:s1+s8], $0x80, s15, s8, $0xb8;
	[tilespmem:$0x1F700] =	vst v63  }
.LBB2_8:
0xe1: {  	s8 =	rddreg [dreg:$0xb]  }
0xe2: {  	[spmem:s8] =	stream.strided.scatter [tilespmem:s29], [sflag:$0x3], $0x2800, s0, s31, $0x38;
	[tilespmem:$0x1F700] =	vst v63  }
0xe3: {  	_ =	swait.ge [sflag:s17], $0x2800  }
0xe4: {  	[sflag:s17] =	ssyncset.done $0x0  }
0xe5: {  	[sflag:s17] =	ssyncadd.s32 $0xFFFFD800  }
0xe6: {  	[bflag:$0x0] =	sbarrier.arrive $0xFFFF  }
0xe7: {  	[tilespmem:$0x1F200] =	vst v0  }
0xe8: {  	[tilespmem:$0x1F210] =	vst v0  }
0xe9: {  	[tilespmem:$0x1F220] =	vst v0  }
0xea: {  	[tilespmem:$0x1F230] =	vst v0  }
0xeb: {  	[tilespmem:$0x1F240] =	vst v0  }
0xec: {  	[tilespmem:$0x1F250] =	vst v0  }
0xed: {  	[tilespmem:$0x1F260] =	vst v0  }
0xee: {  	[tilespmem:$0x1F270] =	vst v0  }
0xef: {  	[tilespmem:$0x1F280] =	vst v0  }
0xf0: {  	[tilespmem:$0x1F290] =	vst v0  }
0xf1: {  	[tilespmem:$0x1F2A0] =	vst v0  }
0xf2: {  	[tilespmem:$0x1F2B0] =	vst v0  }
0xf3: {  	[tilespmem:$0x1F2C0] =	vst v0  }
0xf4: {  	[tilespmem:$0x1F2D0] =	vst v0  }
0xf5: {  	[tilespmem:$0x1F2E0] =	vst v0  }
0xf6: {  	[tilespmem:$0x1F2F0] =	vst v0  }
0xf7: {  	[tilespmem:$0x1F300] =	vst v0  }
0xf8: {  	[tilespmem:$0x1F310] =	vst v0  }
0xf9: {  	[tilespmem:$0x1F320] =	vst v0  }
0xfa: {  	[tilespmem:$0x1F330] =	vst v0  }
0xfb: {  	[tilespmem:$0x1F340] =	vst v0  }
0xfc: {  	[tilespmem:$0x1F350] =	vst v0  }
0xfd: {  	[tilespmem:$0x1F360] =	vst v0  }
0xfe: {  	[tilespmem:$0x1F370] =	vst v0  }
0xff: {  	[tilespmem:$0x1F380] =	vst v0  }
0x100: {  	[tilespmem:$0x1F390] =	vst v0  }
0x101: {  	[tilespmem:$0x1F3A0] =	vst v0  }
0x102: {  	[tilespmem:$0x1F3B0] =	vst v0  }
0x103: {  	[tilespmem:$0x1F3C0] =	vst v0  }
0x104: {  	[tilespmem:$0x1F3D0] =	vst v0  }
0x105: {  	[tilespmem:$0x1F3E0] =	vst v0  }
0x106: {  	[tilespmem:$0x1F3F0] =	vst v0  }
0x107: {  	[tilespmem:$0x1F400] =	vst v0  }
0x108: {  	[tilespmem:$0x1F410] =	vst v0  }
0x109: {  	[tilespmem:$0x1F420] =	vst v0  }
0x10a: {  	[tilespmem:$0x1F430] =	vst v0  }
0x10b: {  	[tilespmem:$0x1F440] =	vst v0  }
0x10c: {  	[tilespmem:$0x1F450] =	vst v0  }
0x10d: {  	[tilespmem:$0x1F460] =	vst v0  }
0x10e: {  	s11 =	simm.s32 $0x0;
	[tilespmem:$0x1F470] =	vst v0  }
.LBB2_9:
0x10f: {  	s8 =	sshrl.u32 s11, $0x3  }
0x110: {  	s8 =	smul.u32 $0x50000, s8;
	_ =	sdelay $0x1  }
0x111: {  	s12 =	sshll.u32 s11, $0x7;
	s8 =	sshra.s32 s8, $0x2  }
0x112: {  	s12 =	sand.u32 $0x380, s12;
	s8 =	sadd.s32 s8, s3  }
0x113: {  	s8 =	sadd.s32 s12, s8  }
0x114: {  	s8 =	sadd.s32 s25, s8  }
0x115: {  	[tilespmem:s5], [sflag:$0x3] =	stream.strided.gather [spmem:s8], $0x280, s0, s31, $0x38;
	[tilespmem:$0x1F700] =	vst v63  }
0x116: {  	_ =	swait.ge [sflag:s17], $0x280  }
0x117: {  	[sflag:s17] =	ssyncset.done $0x0  }
0x118: {  	s12 =	simm.s32 $0x0;
	[sflag:s17] =	ssyncadd.s32 $0xFFFFFD80  }
0x119: {  	s13 =	simm.s32 $0x40;
	v2 =	vld [tilespmem:s12+$0x1F480]  }
.LBB2_10:
0x11a: {  	p0 =	sne.s32 s13, $0x9C0;
	v3 =	vld [tilespmem:s12+$0x1F200];
	_ =	sdelay $0x2  }
.Ltmp4:
0x11b: {  	(pc) =	sbr.rel @p0 .LBB2_10-.Ltmp4, $4  }
0x11c: {  	_ = 	snop  }
0x11d: {  	v3 =	vadd.f32 v2, v3  }
0x11e: {  	s8 =	sshra.s32 s13, $0x2  }
0x11f: {  	s13 =	sadd.s32 $0x40, s13;
	v2 =	vld [tilespmem:s8+$0x1F480];
	[tilespmem:s12+$0x1F200] =	vst v3;
	s12 =	smov.u32 s8  }
0x120: {  	v3 =	vld [tilespmem:s12+$0x1F200]  }
0x121: {  	s11 =	sadd.s32 $0x1, s11  }
0x122: {  	p0 =	sne.s32 s11, $0x10  }
.Ltmp5:
0x123: {  	_ = 	snop;
	(pc) =	sbr.rel @p0 .LBB2_9-.Ltmp5, $3  }
0x124: {  	_ = 	snop  }
0x125: {  	v2 =	vadd.f32 v2, v3;
	_ =	sdelay $0x1  }
0x126: {  	[tilespmem:s12+$0x1F200] =	vst v2  }
0x127: {  	s8 =	rddreg [dreg:$0xc];
	s11 =	simm.s32 $0x1F200;
	s14 =	stileid.u32  }
0x128: {  	[hbm4b:s8+s4] =	stream.linear.scatter [tilespmem:s11], [sflag:$0x3], $0x280, $0x38;
	[tilespmem:$0x1F700] =	vst v63  }
0x129: {  	s8 =	sshll.u32 s14, $0x6;
	_ =	swait.ge [sflag:s17], $0x280  }
0x12a: {  	s8 =	sor.u32 $0x1C03, s8;
	[sflag:s17] =	ssyncset.done $0x0;
	s15 =	rddreg [dreg:$0x6]  }
0x12b: {  	s12 =	rddreg [dreg:$0x13];
	[sflag:s17] =	ssyncadd.s32 $0xFFFFFD80;
	s11 =	sshrl.u32 s15, $0x3  }
0x12c: {  	[hbm:s12], [sflag:s8] =	dma.local [spmem:s11], $0x2800  }
0x12d: {  	_ =	swait.ge [sflag:s17], $0x2800  }
0x12e: {  	s10 =	sadd.s32 $0x1, s10;
	s26 =	rddreg [dreg:$0xd]  }
0x12f: {  	p0 =	sne.s32 s10, s26  }
.Ltmp6:
0x130: {  	_ = 	snop;
	(pc) =	sbr.rel @p0 .LBB2_1-.Ltmp6, $3  }
0x131: {  	_ =	sdelay $0x1  }
0x132: {  	[sflag:s17] =	ssyncset.done $0x0  }
0x133: {  	[sflag:s17] =	ssyncadd.s32 $0xFFFFD800  }
0x134: {  	_ =	sfence.sel $0x180000  }
0x135: {  	[bflag:$0x0] =	sbarrier.arrive $0xFFFF  }
0x136: {  	_ =	strace $0x90000047  }
0x137: {  	s0 =	stileid.u32;
	[bflag:$0x2] =	sbarrier.arrive $0xFFFF  }
0x138: {  	p0 =	sne.s32 s0, $0x0;
	s0 =	rddreg [dreg:$0x5]  }
0x139: {  	s0 =	sadd.s32 @!p0 $0x100000, s0  }
0x13a: {  	[sflag:s0] =	ssyncadd.tile.s32 @!p0 $0x1;
	_ =	shalt  }
.Lfunc_end2:
_tile_overlayer_lowered:
.L_overlay_start_2:
0x13b: {  	(tag) =	ssettag $0x2  }
0x13c: {  	s0 =	rddreg [dreg:$0x0];
	s2 =	stileid.u32  }
0x13d: {  	s1 =	rddreg [dreg:$0x1];
	p0 =	sne.s32 s2, $0x0  }
0x13e: {  	s3 =	rddreg [dreg:$0x2];
	[bflag:$0x3] =	sbarrier.arrive $0xFFFF;
	s2 =	simm.s32 @!p0 $0x1C03  }
0x13f: {  	[timem:s3], [sflag:s2] =	dma.local @!p0 [hbm:s0], s1  }
0x140: {  	s0 =	simm.s32 @!p0 $0x3  }
0x141: {  	_ =	swait.ge @!p0 [sflag:s0], s1  }
0x142: {  	s1 =	ssub.s32 @!p0 $0x0, s1;
	[sflag:s0] =	ssyncset.done @!p0 $0x0  }
0x143: {  	[sflag:s0] =	ssyncadd.s32 @!p0 s1  }
0x144: {  	[bflag:$0x3] =	sbarrier.arrive $0xFFFF  }
0x145: {  	_ =	shalt  }

</sc_bundles>
